<compile_context>
chip_gen: v7x
topology: tpu7x:2x2x1
jax: 0.10.2.dev20260603
libtpu: 0.0.44.dev20260713+nightly
codegen_flags: <defaults>
</compile_context>

<pallas_src>
import functools

import jax
import jax.numpy as jnp
from jax import lax
from jax.experimental import pallas as pl
from jax.experimental.pallas import tpu as pltpu
from jax.experimental.pallas import tpu_sc as plsc

_CACHE_SIZE = 4096.0
_B = 64
_ROPE = 10000.0
_ROW = 16384
_HROW = 2048
_HALF = 1024
_NW = 32
_RPW = _B // _NW
_CB = 128


def _tab_kernel(sinks_col, sinks_row, pos_row, cos_ref, sin_ref):
    match = sinks_col[...] == sinks_row[...]
    pos = pos_row[...].astype(jnp.float32)
    evict = jnp.maximum(pos - _CACHE_SIZE, 0.0).astype(jnp.int32).astype(jnp.float32)
    p_total = jnp.sum(jnp.where(match, evict, 0.0), axis=1, keepdims=True)

    l = jax.lax.broadcasted_iota(jnp.int32, (_B, _HALF), 1)
    f = ((l // 128) * 8 + l % 8).astype(jnp.float32)
    inv_freq = 1.0 / (_ROPE ** (f * 2.0 / 128.0))
    angle = p_total * inv_freq
    cos_ref[...] = jnp.cos(angle)
    sin_ref[...] = jnp.sin(angle)


def _sc_rotate_body(kc, cos3, sin3, idx2, out, idxv, buf, cbuf, sbuf, sem):
    w = lax.axis_index("s") * 2 + lax.axis_index("c")
    pltpu.sync_copy(idx2.at[w], idxv)
    gather = pltpu.async_copy(kc.at[idxv], buf, sem)
    pltpu.sync_copy(cos3.at[w], cbuf)
    pltpu.sync_copy(sin3.at[w], sbuf)
    gather.wait()
    for r in range(_RPW):
        for h in range(8):
            def vbody(v, carry, r=r, h=h):
                o = h * _HROW + v * 16
                a = buf[r, pl.ds(o, 16)]
                b = buf[r, pl.ds(o + _HALF, 16)]
                c = cbuf[r, pl.ds(v * 16, 16)]
                s = sbuf[r, pl.ds(v * 16, 16)]
                buf[r, pl.ds(o, 16)] = a * c - b * s
                buf[r, pl.ds(o + _HALF, 16)] = b * c + a * s
                return carry
            lax.fori_loop(0, _HALF // 16, vbody, 0)
    pltpu.sync_copy(buf, out.at[pl.ds(w * _RPW, _RPW)])


def _copy_sub_kernel(sinks_smem, rot_ref, kc_ref, out_ref):
    base = pl.program_id(0) * _CB
    out_ref[...] = kc_ref[...]
    for i in range(_B):
        r = sinks_smem[i] - base

        @pl.when(jnp.logical_and(r >= 0, r < _CB))
        def _substitute(r=r, i=i):
            out_ref[pl.ds(r, 1), :] = rot_ref[pl.ds(i, 1), :]


def kernel(key_cache, block_tables, context_lens, positions):
    del context_lens
    nb, h, dx, bs, x = key_cache.shape
    kc = key_cache.reshape(nb, _ROW)
    sinks = block_tables[:, 0]

    cos_tab, sin_tab = pl.pallas_call(
        _tab_kernel,
        out_shape=(
            jax.ShapeDtypeStruct((_B, _HALF), jnp.float32),
            jax.ShapeDtypeStruct((_B, _HALF), jnp.float32),
        ),
    )(sinks.reshape(_B, 1), sinks.reshape(1, _B), positions.reshape(1, _B))

    sc_rotate = functools.partial(
        pl.kernel,
        mesh=plsc.VectorSubcoreMesh(core_axis_name="c", subcore_axis_name="s"),
        out_type=jax.ShapeDtypeStruct((_B, _ROW), jnp.float32),
        scratch_types=[
            pltpu.VMEM((_RPW,), jnp.int32),
            pltpu.VMEM((_RPW, _ROW), jnp.float32),
            pltpu.VMEM((_RPW, _HALF), jnp.float32),
            pltpu.VMEM((_RPW, _HALF), jnp.float32),
            pltpu.SemaphoreType.DMA,
        ],
    )(_sc_rotate_body)
    rot = sc_rotate(kc, cos_tab.reshape(_NW, _RPW, _HALF),
                    sin_tab.reshape(_NW, _RPW, _HALF), sinks.reshape(_NW, _RPW))

    out = pl.pallas_call(
        _copy_sub_kernel,
        grid=(nb // _CB,),
        in_specs=[
            pl.BlockSpec(memory_space=pltpu.MemorySpace.SMEM),
            pl.BlockSpec((_B, _ROW), lambda i: (0, 0)),
            pl.BlockSpec((_CB, _ROW), lambda i: (i, 0)),
        ],
        out_specs=pl.BlockSpec((_CB, _ROW), lambda i: (i, 0)),
        out_shape=jax.ShapeDtypeStruct((nb, _ROW), key_cache.dtype),
        compiler_params=pltpu.CompilerParams(
            dimension_semantics=("arbitrary",),
        ),
    )(sinks, rot, kc)
    return out.reshape(nb, h, dx, bs, x)

# --- scband reference (transcript-rebuilt; emitter-appended) ---
"""Pipeline reference for scband-sink-attention-rotary-impl-11759620456496 (READ-ONLY COPY).

The authoritative reference and input builder live on the scoring server;
editing this copy changes nothing except your own understanding.
"""

import jax, jax.numpy as jnp
import numpy as np

SINK_SIZE = 16
SLIDING_WINDOW = 4080
NUM_KV_HEADS = 8
HEAD_SIZE = 128
BLOCK_SIZE = 16
X = 8
NUM_BLOCKS = 2048
BATCH = 64
MAX_BLOCKS_PER_SEQ = 256
ROPE_BASE = 10000.0


def _rotary_key(positions, key_states):
    # vLLM neox-style rotary applied to keys. key_states: [T, H, D], positions: [T] int
    T, H, D = key_states.shape
    half = D // 2
    inv_freq = 1.0 / (ROPE_BASE ** (jnp.arange(0, half, dtype=jnp.float32) * 2.0 / D))
    freqs = positions.astype(jnp.float32)[:, None] * inv_freq[None, :]  # [T, half]
    cos = jnp.cos(freqs)[:, None, :]  # [T, 1, half]
    sin = jnp.sin(freqs)[:, None, :]
    k1 = key_states[..., :half]
    k2 = key_states[..., half:]
    return jnp.concatenate([k1 * cos - k2 * sin, k2 * cos + k1 * sin], axis=-1)


def setup_inputs(seed: int = 0):
    key = jax.random.key(seed)
    k1, k2, k3, k4 = jax.random.split(key, 4)
    key_cache = jax.random.normal(k1, (NUM_BLOCKS, NUM_KV_HEADS, HEAD_SIZE // X, BLOCK_SIZE, X), dtype=jnp.float32)
    block_tables = jax.random.randint(k2, (BATCH, MAX_BLOCKS_PER_SEQ), 0, NUM_BLOCKS, dtype=jnp.int32)
    context_lens = jax.random.randint(k3, (BATCH,), 0, 4096, dtype=jnp.int32)
    positions = jax.random.randint(k4, (BATCH,), 0, 16384, dtype=jnp.int32)
    return {"key_cache": key_cache, "block_tables": block_tables, "context_lens": context_lens, "positions": positions}


def reference(key_cache, block_tables, context_lens, positions):
    # process_decode_metadata: backup sink blocks, rotate sinks by num-evicted-tokens, scatter back into paged cache
    cache_size = float(SLIDING_WINDOW + SINK_SIZE)
    num_sinks_current = SINK_SIZE // BLOCK_SIZE  # sink_size // key_cache.shape[-2]
    B = block_tables.shape[0]
    for batch_i in range(B):
        # _backup_sink
        sink_blocks = block_tables[batch_i, :num_sinks_current]
        backup = key_cache[sink_blocks]  # [num_sinks, H, D/X, BS, X]
        # _calculate_evictions
        evict = jnp.maximum(positions[batch_i].astype(jnp.float32) - cache_size, 0.0)
        rotation_positions = (jnp.ones((SINK_SIZE,), dtype=jnp.float32) * evict).astype(jnp.int32)
        # _format_key_cache_to_rotation: permute(3,0,1,2,4).reshape(sink_size, -1)
        sink_to_rotate = jnp.transpose(backup, (3, 0, 1, 2, 4)).reshape(SINK_SIZE, -1)
        key_states = sink_to_rotate.reshape(SINK_SIZE, NUM_KV_HEADS, HEAD_SIZE)
        rotated = _rotary_key(rotation_positions, key_states).reshape(SINK_SIZE, -1)
        # view(a, b, c, d).permute(1, 2, 0, 3)
        f = rotated.reshape(SINK_SIZE, NUM_KV_HEADS, HEAD_SIZE // X, X)
        f = jnp.transpose(f, (1, 2, 0, 3))  # [H, D/X, BS, X]
        key_cache = key_cache.at[sink_blocks[0]].set(f)
    return key_cache

if __name__ == "__main__":
    import jax
    _d = setup_inputs()
    print(jax.jit(kernel)(*tuple(_d.values())))

</pallas_src>

<mosaic_0001>
#map = affine_map<(d0, d1) -> (0, 0)>
#map1 = affine_map<(d0, d1) -> (0, 0, 0)>
module attributes {stable_mosaic.version = 14 : i64} {
  func.func @_sc_rotate_body(%arg0: i32, %arg1: i32, %arg2: memref<2048x16384xf32, #tpu.memory_space<hbm>>, %arg3: memref<32x2x1024xf32, #tpu.memory_space<hbm>>, %arg4: memref<32x2x1024xf32, #tpu.memory_space<hbm>>, %arg5: memref<32x2xi32, #tpu.memory_space<hbm>>, %arg6: memref<64x16384xf32, #tpu.memory_space<hbm>>, %arg7: memref<2xi32, #tpu.memory_space<vmem>>, %arg8: memref<2x16384xf32, #tpu.memory_space<vmem>>, %arg9: memref<2x1024xf32, #tpu.memory_space<vmem>>, %arg10: memref<2x1024xf32, #tpu.memory_space<vmem>>, %arg11: memref<!tpu.dma_semaphore, #tpu.memory_space<semaphore_mem>>) attributes {dimension_semantics = [#tpu.dimension_semantics<core_parallel>, #tpu.dimension_semantics<subcore_parallel>], iteration_bounds = array<i64: 2, 16>, scalar_prefetch = 0 : i64, scratch_operands = 5 : i64, tpu.core_type = #tpu.core_type<sc_vector_subcore>, window_params = [{transform_indices = #map}, {transform_indices = #map1}, {transform_indices = #map1}, {transform_indices = #map}, {transform_indices = #map}]} {
    %mul3A = arith.constant 2 : i32
    %mul3A_0 = arith.muli %arg1, %mul3A : i32
    %add3A = arith.addi %mul3A_0, %arg0 : i32
    "tpu.region"() ({
      %run_scoped3A = tpu.sem_alloc : memref<!tpu.dma_semaphore, #tpu.memory_space<semaphore_mem>>
      %dma_start3A_102 = arith.constant 0 : i32
      %dma_start3A_103 = tpu.memref_slice %arg5[%add3A, %dma_start3A_102] : memref<32x2xi32, #tpu.memory_space<hbm>> -> memref<1x2xi32, #tpu.memory_space<hbm>>
      %dma_start3A_104 = tpu.memref_squeeze %dma_start3A_103 : memref<1x2xi32, #tpu.memory_space<hbm>> -> memref<2xi32, #tpu.memory_space<hbm>>
      %dma_start3A_105 = arith.constant 0 : i32
      %dma_start3A_106 = tpu.memref_slice %arg5[%add3A, %dma_start3A_105] : memref<32x2xi32, #tpu.memory_space<hbm>> -> memref<1x2xi32, #tpu.memory_space<hbm>>
      %dma_start3A_107 = tpu.memref_squeeze %dma_start3A_106 : memref<1x2xi32, #tpu.memory_space<hbm>> -> memref<2xi32, #tpu.memory_space<hbm>>
      tpu.enqueue_dma source(%dma_start3A_107 : memref<2xi32, #tpu.memory_space<hbm>>) target(%arg7 : memref<2xi32, #tpu.memory_space<vmem>>) target_semaphore(%run_scoped3A : memref<!tpu.dma_semaphore, #tpu.memory_space<semaphore_mem>>)
      %dma_wait3A_108 = arith.constant 0 : i32
      %dma_wait3A_109 = tpu.memref_slice %arg5[%add3A, %dma_wait3A_108] : memref<32x2xi32, #tpu.memory_space<hbm>> -> memref<1x2xi32, #tpu.memory_space<hbm>>
      %dma_wait3A_110 = tpu.memref_squeeze %dma_wait3A_109 : memref<1x2xi32, #tpu.memory_space<hbm>> -> memref<2xi32, #tpu.memory_space<hbm>>
      %dma_wait3A_111 = arith.constant 0 : i32
      %dma_wait3A_112 = tpu.memref_slice %arg5[%add3A, %dma_wait3A_111] : memref<32x2xi32, #tpu.memory_space<hbm>> -> memref<1x2xi32, #tpu.memory_space<hbm>>
      %dma_wait3A_113 = tpu.memref_squeeze %dma_wait3A_112 : memref<1x2xi32, #tpu.memory_space<hbm>> -> memref<2xi32, #tpu.memory_space<hbm>>
      tpu.wait_dma2 semaphore(%run_scoped3A : memref<!tpu.dma_semaphore, #tpu.memory_space<semaphore_mem>>) src(%dma_wait3A_113 : memref<2xi32, #tpu.memory_space<hbm>>) dst(%arg7 : memref<2xi32, #tpu.memory_space<vmem>>)
      tpu.yield
    }) : () -> ()
    %dma_start3A = arith.constant 0 : i32
    %dma_start3A_1 = arith.constant 0 : i32
    %dma_start3A_2 = tpu.memref_slice %arg2[%dma_start3A, %dma_start3A_1] : memref<2048x16384xf32, #tpu.memory_space<hbm>> -> memref<2048x16384xf32, #tpu.memory_space<hbm>>
    tpu.enqueue_indirect_dma source(%dma_start3A_2 : memref<2048x16384xf32, #tpu.memory_space<hbm>>) target(%arg8 : memref<2x16384xf32, #tpu.memory_space<vmem>>) offsets(%arg7 : memref<2xi32, #tpu.memory_space<vmem>>) semaphore(%arg11 : memref<!tpu.dma_semaphore, #tpu.memory_space<semaphore_mem>>)
    "tpu.region"() ({
      %run_scoped3A = tpu.sem_alloc : memref<!tpu.dma_semaphore, #tpu.memory_space<semaphore_mem>>
      %dma_start3A_102 = arith.constant 0 : i32
      %dma_start3A_103 = arith.constant 0 : i32
      %dma_start3A_104 = tpu.memref_slice %arg3[%add3A, %dma_start3A_102, %dma_start3A_103] : memref<32x2x1024xf32, #tpu.memory_space<hbm>> -> memref<1x2x1024xf32, #tpu.memory_space<hbm>>
      %dma_start3A_105 = tpu.memref_squeeze %dma_start3A_104 : memref<1x2x1024xf32, #tpu.memory_space<hbm>> -> memref<2x1024xf32, #tpu.memory_space<hbm>>
      %dma_start3A_106 = arith.constant 0 : i32
      %dma_start3A_107 = arith.constant 0 : i32
      %dma_start3A_108 = tpu.memref_slice %arg3[%add3A, %dma_start3A_106, %dma_start3A_107] : memref<32x2x1024xf32, #tpu.memory_space<hbm>> -> memref<1x2x1024xf32, #tpu.memory_space<hbm>>
      %dma_start3A_109 = tpu.memref_squeeze %dma_start3A_108 : memref<1x2x1024xf32, #tpu.memory_space<hbm>> -> memref<2x1024xf32, #tpu.memory_space<hbm>>
      tpu.enqueue_dma source(%dma_start3A_109 : memref<2x1024xf32, #tpu.memory_space<hbm>>) target(%arg9 : memref<2x1024xf32, #tpu.memory_space<vmem>>) target_semaphore(%run_scoped3A : memref<!tpu.dma_semaphore, #tpu.memory_space<semaphore_mem>>)
      %dma_wait3A_110 = arith.constant 0 : i32
      %dma_wait3A_111 = arith.constant 0 : i32
      %dma_wait3A_112 = tpu.memref_slice %arg3[%add3A, %dma_wait3A_110, %dma_wait3A_111] : memref<32x2x1024xf32, #tpu.memory_space<hbm>> -> memref<1x2x1024xf32, #tpu.memory_space<hbm>>
      %dma_wait3A_113 = tpu.memref_squeeze %dma_wait3A_112 : memref<1x2x1024xf32, #tpu.memory_space<hbm>> -> memref<2x1024xf32, #tpu.memory_space<hbm>>
      %dma_wait3A_114 = arith.constant 0 : i32
      %dma_wait3A_115 = arith.constant 0 : i32
      %dma_wait3A_116 = tpu.memref_slice %arg3[%add3A, %dma_wait3A_114, %dma_wait3A_115] : memref<32x2x1024xf32, #tpu.memory_space<hbm>> -> memref<1x2x1024xf32, #tpu.memory_space<hbm>>
      %dma_wait3A_117 = tpu.memref_squeeze %dma_wait3A_116 : memref<1x2x1024xf32, #tpu.memory_space<hbm>> -> memref<2x1024xf32, #tpu.memory_space<hbm>>
      tpu.wait_dma2 semaphore(%run_scoped3A : memref<!tpu.dma_semaphore, #tpu.memory_space<semaphore_mem>>) src(%dma_wait3A_117 : memref<2x1024xf32, #tpu.memory_space<hbm>>) dst(%arg9 : memref<2x1024xf32, #tpu.memory_space<vmem>>)
      tpu.yield
    }) : () -> ()
    "tpu.region"() ({
      %run_scoped3A = tpu.sem_alloc : memref<!tpu.dma_semaphore, #tpu.memory_space<semaphore_mem>>
      %dma_start3A_102 = arith.constant 0 : i32
      %dma_start3A_103 = arith.constant 0 : i32
      %dma_start3A_104 = tpu.memref_slice %arg4[%add3A, %dma_start3A_102, %dma_start3A_103] : memref<32x2x1024xf32, #tpu.memory_space<hbm>> -> memref<1x2x1024xf32, #tpu.memory_space<hbm>>
      %dma_start3A_105 = tpu.memref_squeeze %dma_start3A_104 : memref<1x2x1024xf32, #tpu.memory_space<hbm>> -> memref<2x1024xf32, #tpu.memory_space<hbm>>
      %dma_start3A_106 = arith.constant 0 : i32
      %dma_start3A_107 = arith.constant 0 : i32
      %dma_start3A_108 = tpu.memref_slice %arg4[%add3A, %dma_start3A_106, %dma_start3A_107] : memref<32x2x1024xf32, #tpu.memory_space<hbm>> -> memref<1x2x1024xf32, #tpu.memory_space<hbm>>
      %dma_start3A_109 = tpu.memref_squeeze %dma_start3A_108 : memref<1x2x1024xf32, #tpu.memory_space<hbm>> -> memref<2x1024xf32, #tpu.memory_space<hbm>>
      tpu.enqueue_dma source(%dma_start3A_109 : memref<2x1024xf32, #tpu.memory_space<hbm>>) target(%arg10 : memref<2x1024xf32, #tpu.memory_space<vmem>>) target_semaphore(%run_scoped3A : memref<!tpu.dma_semaphore, #tpu.memory_space<semaphore_mem>>)
      %dma_wait3A_110 = arith.constant 0 : i32
      %dma_wait3A_111 = arith.constant 0 : i32
      %dma_wait3A_112 = tpu.memref_slice %arg4[%add3A, %dma_wait3A_110, %dma_wait3A_111] : memref<32x2x1024xf32, #tpu.memory_space<hbm>> -> memref<1x2x1024xf32, #tpu.memory_space<hbm>>
      %dma_wait3A_113 = tpu.memref_squeeze %dma_wait3A_112 : memref<1x2x1024xf32, #tpu.memory_space<hbm>> -> memref<2x1024xf32, #tpu.memory_space<hbm>>
      %dma_wait3A_114 = arith.constant 0 : i32
      %dma_wait3A_115 = arith.constant 0 : i32
      %dma_wait3A_116 = tpu.memref_slice %arg4[%add3A, %dma_wait3A_114, %dma_wait3A_115] : memref<32x2x1024xf32, #tpu.memory_space<hbm>> -> memref<1x2x1024xf32, #tpu.memory_space<hbm>>
      %dma_wait3A_117 = tpu.memref_squeeze %dma_wait3A_116 : memref<1x2x1024xf32, #tpu.memory_space<hbm>> -> memref<2x1024xf32, #tpu.memory_space<hbm>>
      tpu.wait_dma2 semaphore(%run_scoped3A : memref<!tpu.dma_semaphore, #tpu.memory_space<semaphore_mem>>) src(%dma_wait3A_117 : memref<2x1024xf32, #tpu.memory_space<hbm>>) dst(%arg10 : memref<2x1024xf32, #tpu.memory_space<vmem>>)
      tpu.yield
    }) : () -> ()
    %dma_wait3A = arith.constant 0 : i32
    %dma_wait3A_3 = arith.constant 0 : i32
    %dma_wait3A_4 = tpu.memref_slice %arg2[%dma_wait3A, %dma_wait3A_3] : memref<2048x16384xf32, #tpu.memory_space<hbm>> -> memref<2048x16384xf32, #tpu.memory_space<hbm>>
    tpu.wait_indirect_dma semaphore(%arg11 : memref<!tpu.dma_semaphore, #tpu.memory_space<semaphore_mem>>) src(%dma_wait3A_4 : memref<2048x16384xf32, #tpu.memory_space<hbm>>) dst(%arg8 : memref<2x16384xf32, #tpu.memory_space<vmem>>)
    %scan3A = arith.constant 0 : i32
    %scan3A_5 = arith.constant 0 : i32
    %scan3A_6 = arith.constant 64 : i32
    %scan3A_7 = arith.addi %scan3A_5, %scan3A_6 : i32
    %scan3A_8 = arith.constant 1 : i32
    scf.for %scan3A_102 = %scan3A_5 to %scan3A_7 step %scan3A_8  : i32 {
      %mul3A_103 = arith.constant 16 : i32
      %mul3A_104 = arith.muli %scan3A_102, %mul3A_103 : i32
      %add3A_105 = arith.constant 0 : i32
      %add3A_106 = arith.addi %add3A_105, %mul3A_104 : i32
      %get3A = arith.constant 0 : i32
      %get3A_107 = arith.index_cast %get3A : i32 to index
      %get3A_108 = arith.index_cast %add3A_106 : i32 to index
      %get3A_109 = tpu.vector_load %arg8[%get3A_107, %get3A_108] {strides = array<i32>} : memref<2x16384xf32, #tpu.memory_space<vmem>>, vector<1x16xf32>,
      %get3A_110 = vector.shape_cast %get3A_109 : vector<1x16xf32> to vector<16xf32>
      %add3A_111 = arith.constant 1024 : i32
      %add3A_112 = arith.addi %add3A_106, %add3A_111 : i32
      %get3A_113 = arith.constant 0 : i32
      %get3A_114 = arith.index_cast %get3A_113 : i32 to index
      %get3A_115 = arith.index_cast %add3A_112 : i32 to index
      %get3A_116 = tpu.vector_load %arg8[%get3A_114, %get3A_115] {strides = array<i32>} : memref<2x16384xf32, #tpu.memory_space<vmem>>, vector<1x16xf32>,
      %get3A_117 = vector.shape_cast %get3A_116 : vector<1x16xf32> to vector<16xf32>
      %mul3A_118 = arith.constant 16 : i32
      %mul3A_119 = arith.muli %scan3A_102, %mul3A_118 : i32
      %get3A_120 = arith.constant 0 : i32
      %get3A_121 = arith.index_cast %get3A_120 : i32 to index
      %get3A_122 = arith.index_cast %mul3A_119 : i32 to index
      %get3A_123 = tpu.vector_load %arg9[%get3A_121, %get3A_122] {strides = array<i32>} : memref<2x1024xf32, #tpu.memory_space<vmem>>, vector<1x16xf32>,
      %get3A_124 = vector.shape_cast %get3A_123 : vector<1x16xf32> to vector<16xf32>
      %mul3A_125 = arith.constant 16 : i32
      %mul3A_126 = arith.muli %scan3A_102, %mul3A_125 : i32
      %get3A_127 = arith.constant 0 : i32
      %get3A_128 = arith.index_cast %get3A_127 : i32 to index
      %get3A_129 = arith.index_cast %mul3A_126 : i32 to index
      %get3A_130 = tpu.vector_load %arg10[%get3A_128, %get3A_129] {strides = array<i32>} : memref<2x1024xf32, #tpu.memory_space<vmem>>, vector<1x16xf32>,
      %get3A_131 = vector.shape_cast %get3A_130 : vector<1x16xf32> to vector<16xf32>
      %mul3A_132 = arith.mulf %get3A_110, %get3A_124 : vector<16xf32>
      %mul3A_133 = arith.mulf %get3A_117, %get3A_131 : vector<16xf32>
      %sub3A = arith.subf %mul3A_132, %mul3A_133 : vector<16xf32>
      %swap3A = arith.constant 0 : i32
      %swap3A_134 = arith.index_cast %swap3A : i32 to index
      %swap3A_135 = arith.index_cast %add3A_106 : i32 to index
      %swap3A_136 = tpu.vector_load %arg8[%swap3A_134, %swap3A_135] {strides = array<i32>} : memref<2x16384xf32, #tpu.memory_space<vmem>>, vector<1x16xf32>,
      %swap3A_137 = vector.shape_cast %swap3A_136 : vector<1x16xf32> to vector<16xf32>
      %swap3A_138 = vector.shape_cast %sub3A : vector<16xf32> to vector<1x16xf32>
      tpu.vector_store %arg8[%swap3A_134, %swap3A_135], %swap3A_138 {strides = array<i32>} : memref<2x16384xf32, #tpu.memory_space<vmem>>, vector<1x16xf32>,
      %mul3A_139 = arith.mulf %get3A_117, %get3A_124 : vector<16xf32>
      %mul3A_140 = arith.mulf %get3A_110, %get3A_131 : vector<16xf32>
      %add3A_141 = arith.addf %mul3A_139, %mul3A_140 : vector<16xf32>
      %add3A_142 = arith.constant 1024 : i32
      %add3A_143 = arith.addi %add3A_106, %add3A_142 : i32
      %swap3A_144 = arith.constant 0 : i32
      %swap3A_145 = arith.index_cast %swap3A_144 : i32 to index
      %swap3A_146 = arith.index_cast %add3A_143 : i32 to index
      %swap3A_147 = tpu.vector_load %arg8[%swap3A_145, %swap3A_146] {strides = array<i32>} : memref<2x16384xf32, #tpu.memory_space<vmem>>, vector<1x16xf32>,
      %swap3A_148 = vector.shape_cast %swap3A_147 : vector<1x16xf32> to vector<16xf32>
      %swap3A_149 = vector.shape_cast %add3A_141 : vector<16xf32> to vector<1x16xf32>
      tpu.vector_store %arg8[%swap3A_145, %swap3A_146], %swap3A_149 {strides = array<i32>} : memref<2x16384xf32, #tpu.memory_space<vmem>>, vector<1x16xf32>,
    }
    %scan3A_9 = arith.constant 64 : i32
    %scan3A_10 = arith.constant 0 : i32
    %scan3A_11 = arith.constant 0 : i32
    %scan3A_12 = arith.constant 64 : i32
    %scan3A_13 = arith.addi %scan3A_11, %scan3A_12 : i32
    %scan3A_14 = arith.constant 1 : i32
    scf.for %scan3A_102 = %scan3A_11 to %scan3A_13 step %scan3A_14  : i32 {
      %mul3A_103 = arith.constant 16 : i32
      %mul3A_104 = arith.muli %scan3A_102, %mul3A_103 : i32
      %add3A_105 = arith.constant 2048 : i32
      %add3A_106 = arith.addi %add3A_105, %mul3A_104 : i32
      %get3A = arith.constant 0 : i32
      %get3A_107 = arith.index_cast %get3A : i32 to index
      %get3A_108 = arith.index_cast %add3A_106 : i32 to index
      %get3A_109 = tpu.vector_load %arg8[%get3A_107, %get3A_108] {strides = array<i32>} : memref<2x16384xf32, #tpu.memory_space<vmem>>, vector<1x16xf32>,
      %get3A_110 = vector.shape_cast %get3A_109 : vector<1x16xf32> to vector<16xf32>
      %add3A_111 = arith.constant 1024 : i32
      %add3A_112 = arith.addi %add3A_106, %add3A_111 : i32
      %get3A_113 = arith.constant 0 : i32
      %get3A_114 = arith.index_cast %get3A_113 : i32 to index
      %get3A_115 = arith.index_cast %add3A_112 : i32 to index
      %get3A_116 = tpu.vector_load %arg8[%get3A_114, %get3A_115] {strides = array<i32>} : memref<2x16384xf32, #tpu.memory_space<vmem>>, vector<1x16xf32>,
      %get3A_117 = vector.shape_cast %get3A_116 : vector<1x16xf32> to vector<16xf32>
      %mul3A_118 = arith.constant 16 : i32
      %mul3A_119 = arith.muli %scan3A_102, %mul3A_118 : i32
      %get3A_120 = arith.constant 0 : i32
      %get3A_121 = arith.index_cast %get3A_120 : i32 to index
      %get3A_122 = arith.index_cast %mul3A_119 : i32 to index
      %get3A_123 = tpu.vector_load %arg9[%get3A_121, %get3A_122] {strides = array<i32>} : memref<2x1024xf32, #tpu.memory_space<vmem>>, vector<1x16xf32>,
      %get3A_124 = vector.shape_cast %get3A_123 : vector<1x16xf32> to vector<16xf32>
      %mul3A_125 = arith.constant 16 : i32
      %mul3A_126 = arith.muli %scan3A_102, %mul3A_125 : i32
      %get3A_127 = arith.constant 0 : i32
      %get3A_128 = arith.index_cast %get3A_127 : i32 to index
      %get3A_129 = arith.index_cast %mul3A_126 : i32 to index
      %get3A_130 = tpu.vector_load %arg10[%get3A_128, %get3A_129] {strides = array<i32>} : memref<2x1024xf32, #tpu.memory_space<vmem>>, vector<1x16xf32>,
      %get3A_131 = vector.shape_cast %get3A_130 : vector<1x16xf32> to vector<16xf32>
      %mul3A_132 = arith.mulf %get3A_110, %get3A_124 : vector<16xf32>
      %mul3A_133 = arith.mulf %get3A_117, %get3A_131 : vector<16xf32>
      %sub3A = arith.subf %mul3A_132, %mul3A_133 : vector<16xf32>
      %swap3A = arith.constant 0 : i32
      %swap3A_134 = arith.index_cast %swap3A : i32 to index
      %swap3A_135 = arith.index_cast %add3A_106 : i32 to index
      %swap3A_136 = tpu.vector_load %arg8[%swap3A_134, %swap3A_135] {strides = array<i32>} : memref<2x16384xf32, #tpu.memory_space<vmem>>, vector<1x16xf32>,
      %swap3A_137 = vector.shape_cast %swap3A_136 : vector<1x16xf32> to vector<16xf32>
      %swap3A_138 = vector.shape_cast %sub3A : vector<16xf32> to vector<1x16xf32>
      tpu.vector_store %arg8[%swap3A_134, %swap3A_135], %swap3A_138 {strides = array<i32>} : memref<2x16384xf32, #tpu.memory_space<vmem>>, vector<1x16xf32>,
      %mul3A_139 = arith.mulf %get3A_117, %get3A_124 : vector<16xf32>
      %mul3A_140 = arith.mulf %get3A_110, %get3A_131 : vector<16xf32>
      %add3A_141 = arith.addf %mul3A_139, %mul3A_140 : vector<16xf32>
      %add3A_142 = arith.constant 1024 : i32
      %add3A_143 = arith.addi %add3A_106, %add3A_142 : i32
      %swap3A_144 = arith.constant 0 : i32
      %swap3A_145 = arith.index_cast %swap3A_144 : i32 to index
      %swap3A_146 = arith.index_cast %add3A_143 : i32 to index
      %swap3A_147 = tpu.vector_load %arg8[%swap3A_145, %swap3A_146] {strides = array<i32>} : memref<2x16384xf32, #tpu.memory_space<vmem>>, vector<1x16xf32>,
      %swap3A_148 = vector.shape_cast %swap3A_147 : vector<1x16xf32> to vector<16xf32>
      %swap3A_149 = vector.shape_cast %add3A_141 : vector<16xf32> to vector<1x16xf32>
      tpu.vector_store %arg8[%swap3A_145, %swap3A_146], %swap3A_149 {strides = array<i32>} : memref<2x16384xf32, #tpu.memory_space<vmem>>, vector<1x16xf32>,
    }
    %scan3A_15 = arith.constant 64 : i32
    %scan3A_16 = arith.constant 0 : i32
    %scan3A_17 = arith.constant 0 : i32
    %scan3A_18 = arith.constant 64 : i32
    %scan3A_19 = arith.addi %scan3A_17, %scan3A_18 : i32
    %scan3A_20 = arith.constant 1 : i32
    scf.for %scan3A_102 = %scan3A_17 to %scan3A_19 step %scan3A_20  : i32 {
      %mul3A_103 = arith.constant 16 : i32
      %mul3A_104 = arith.muli %scan3A_102, %mul3A_103 : i32
      %add3A_105 = arith.constant 4096 : i32
      %add3A_106 = arith.addi %add3A_105, %mul3A_104 : i32
      %get3A = arith.constant 0 : i32
      %get3A_107 = arith.index_cast %get3A : i32 to index
      %get3A_108 = arith.index_cast %add3A_106 : i32 to index
      %get3A_109 = tpu.vector_load %arg8[%get3A_107, %get3A_108] {strides = array<i32>} : memref<2x16384xf32, #tpu.memory_space<vmem>>, vector<1x16xf32>,
      %get3A_110 = vector.shape_cast %get3A_109 : vector<1x16xf32> to vector<16xf32>
      %add3A_111 = arith.constant 1024 : i32
      %add3A_112 = arith.addi %add3A_106, %add3A_111 : i32
      %get3A_113 = arith.constant 0 : i32
      %get3A_114 = arith.index_cast %get3A_113 : i32 to index
      %get3A_115 = arith.index_cast %add3A_112 : i32 to index
      %get3A_116 = tpu.vector_load %arg8[%get3A_114, %get3A_115] {strides = array<i32>} : memref<2x16384xf32, #tpu.memory_space<vmem>>, vector<1x16xf32>,
      %get3A_117 = vector.shape_cast %get3A_116 : vector<1x16xf32> to vector<16xf32>
      %mul3A_118 = arith.constant 16 : i32
      %mul3A_119 = arith.muli %scan3A_102, %mul3A_118 : i32
      %get3A_120 = arith.constant 0 : i32
      %get3A_121 = arith.index_cast %get3A_120 : i32 to index
      %get3A_122 = arith.index_cast %mul3A_119 : i32 to index
      %get3A_123 = tpu.vector_load %arg9[%get3A_121, %get3A_122] {strides = array<i32>} : memref<2x1024xf32, #tpu.memory_space<vmem>>, vector<1x16xf32>,
      %get3A_124 = vector.shape_cast %get3A_123 : vector<1x16xf32> to vector<16xf32>
      %mul3A_125 = arith.constant 16 : i32
      %mul3A_126 = arith.muli %scan3A_102, %mul3A_125 : i32
      %get3A_127 = arith.constant 0 : i32
      %get3A_128 = arith.index_cast %get3A_127 : i32 to index
      %get3A_129 = arith.index_cast %mul3A_126 : i32 to index
      %get3A_130 = tpu.vector_load %arg10[%get3A_128, %get3A_129] {strides = array<i32>} : memref<2x1024xf32, #tpu.memory_space<vmem>>, vector<1x16xf32>,
      %get3A_131 = vector.shape_cast %get3A_130 : vector<1x16xf32> to vector<16xf32>
      %mul3A_132 = arith.mulf %get3A_110, %get3A_124 : vector<16xf32>
      %mul3A_133 = arith.mulf %get3A_117, %get3A_131 : vector<16xf32>
      %sub3A = arith.subf %mul3A_132, %mul3A_133 : vector<16xf32>
      %swap3A = arith.constant 0 : i32
      %swap3A_134 = arith.index_cast %swap3A : i32 to index
      %swap3A_135 = arith.index_cast %add3A_106 : i32 to index
      %swap3A_136 = tpu.vector_load %arg8[%swap3A_134, %swap3A_135] {strides = array<i32>} : memref<2x16384xf32, #tpu.memory_space<vmem>>, vector<1x16xf32>,
      %swap3A_137 = vector.shape_cast %swap3A_136 : vector<1x16xf32> to vector<16xf32>
      %swap3A_138 = vector.shape_cast %sub3A : vector<16xf32> to vector<1x16xf32>
      tpu.vector_store %arg8[%swap3A_134, %swap3A_135], %swap3A_138 {strides = array<i32>} : memref<2x16384xf32, #tpu.memory_space<vmem>>, vector<1x16xf32>,
      %mul3A_139 = arith.mulf %get3A_117, %get3A_124 : vector<16xf32>
      %mul3A_140 = arith.mulf %get3A_110, %get3A_131 : vector<16xf32>
      %add3A_141 = arith.addf %mul3A_139, %mul3A_140 : vector<16xf32>
      %add3A_142 = arith.constant 1024 : i32
      %add3A_143 = arith.addi %add3A_106, %add3A_142 : i32
      %swap3A_144 = arith.constant 0 : i32
      %swap3A_145 = arith.index_cast %swap3A_144 : i32 to index
      %swap3A_146 = arith.index_cast %add3A_143 : i32 to index
      %swap3A_147 = tpu.vector_load %arg8[%swap3A_145, %swap3A_146] {strides = array<i32>} : memref<2x16384xf32, #tpu.memory_space<vmem>>, vector<1x16xf32>,
      %swap3A_148 = vector.shape_cast %swap3A_147 : vector<1x16xf32> to vector<16xf32>
      %swap3A_149 = vector.shape_cast %add3A_141 : vector<16xf32> to vector<1x16xf32>
      tpu.vector_store %arg8[%swap3A_145, %swap3A_146], %swap3A_149 {strides = array<i32>} : memref<2x16384xf32, #tpu.memory_space<vmem>>, vector<1x16xf32>,
    }
    %scan3A_21 = arith.constant 64 : i32
    %scan3A_22 = arith.constant 0 : i32
    %scan3A_23 = arith.constant 0 : i32
    %scan3A_24 = arith.constant 64 : i32
    %scan3A_25 = arith.addi %scan3A_23, %scan3A_24 : i32
    %scan3A_26 = arith.constant 1 : i32
    scf.for %scan3A_102 = %scan3A_23 to %scan3A_25 step %scan3A_26  : i32 {
      %mul3A_103 = arith.constant 16 : i32
      %mul3A_104 = arith.muli %scan3A_102, %mul3A_103 : i32
      %add3A_105 = arith.constant 6144 : i32
      %add3A_106 = arith.addi %add3A_105, %mul3A_104 : i32
      %get3A = arith.constant 0 : i32
      %get3A_107 = arith.index_cast %get3A : i32 to index
      %get3A_108 = arith.index_cast %add3A_106 : i32 to index
      %get3A_109 = tpu.vector_load %arg8[%get3A_107, %get3A_108] {strides = array<i32>} : memref<2x16384xf32, #tpu.memory_space<vmem>>, vector<1x16xf32>,
      %get3A_110 = vector.shape_cast %get3A_109 : vector<1x16xf32> to vector<16xf32>
      %add3A_111 = arith.constant 1024 : i32
      %add3A_112 = arith.addi %add3A_106, %add3A_111 : i32
      %get3A_113 = arith.constant 0 : i32
      %get3A_114 = arith.index_cast %get3A_113 : i32 to index
      %get3A_115 = arith.index_cast %add3A_112 : i32 to index
      %get3A_116 = tpu.vector_load %arg8[%get3A_114, %get3A_115] {strides = array<i32>} : memref<2x16384xf32, #tpu.memory_space<vmem>>, vector<1x16xf32>,
      %get3A_117 = vector.shape_cast %get3A_116 : vector<1x16xf32> to vector<16xf32>
      %mul3A_118 = arith.constant 16 : i32
      %mul3A_119 = arith.muli %scan3A_102, %mul3A_118 : i32
      %get3A_120 = arith.constant 0 : i32
      %get3A_121 = arith.index_cast %get3A_120 : i32 to index
      %get3A_122 = arith.index_cast %mul3A_119 : i32 to index
      %get3A_123 = tpu.vector_load %arg9[%get3A_121, %get3A_122] {strides = array<i32>} : memref<2x1024xf32, #tpu.memory_space<vmem>>, vector<1x16xf32>,
      %get3A_124 = vector.shape_cast %get3A_123 : vector<1x16xf32> to vector<16xf32>
      %mul3A_125 = arith.constant 16 : i32
      %mul3A_126 = arith.muli %scan3A_102, %mul3A_125 : i32
      %get3A_127 = arith.constant 0 : i32
      %get3A_128 = arith.index_cast %get3A_127 : i32 to index
      %get3A_129 = arith.index_cast %mul3A_126 : i32 to index
      %get3A_130 = tpu.vector_load %arg10[%get3A_128, %get3A_129] {strides = array<i32>} : memref<2x1024xf32, #tpu.memory_space<vmem>>, vector<1x16xf32>,
      %get3A_131 = vector.shape_cast %get3A_130 : vector<1x16xf32> to vector<16xf32>
      %mul3A_132 = arith.mulf %get3A_110, %get3A_124 : vector<16xf32>
      %mul3A_133 = arith.mulf %get3A_117, %get3A_131 : vector<16xf32>
      %sub3A = arith.subf %mul3A_132, %mul3A_133 : vector<16xf32>
      %swap3A = arith.constant 0 : i32
      %swap3A_134 = arith.index_cast %swap3A : i32 to index
      %swap3A_135 = arith.index_cast %add3A_106 : i32 to index
      %swap3A_136 = tpu.vector_load %arg8[%swap3A_134, %swap3A_135] {strides = array<i32>} : memref<2x16384xf32, #tpu.memory_space<vmem>>, vector<1x16xf32>,
      %swap3A_137 = vector.shape_cast %swap3A_136 : vector<1x16xf32> to vector<16xf32>
      %swap3A_138 = vector.shape_cast %sub3A : vector<16xf32> to vector<1x16xf32>
      tpu.vector_store %arg8[%swap3A_134, %swap3A_135], %swap3A_138 {strides = array<i32>} : memref<2x16384xf32, #tpu.memory_space<vmem>>, vector<1x16xf32>,
      %mul3A_139 = arith.mulf %get3A_117, %get3A_124 : vector<16xf32>
      %mul3A_140 = arith.mulf %get3A_110, %get3A_131 : vector<16xf32>
      %add3A_141 = arith.addf %mul3A_139, %mul3A_140 : vector<16xf32>
      %add3A_142 = arith.constant 1024 : i32
      %add3A_143 = arith.addi %add3A_106, %add3A_142 : i32
      %swap3A_144 = arith.constant 0 : i32
      %swap3A_145 = arith.index_cast %swap3A_144 : i32 to index
      %swap3A_146 = arith.index_cast %add3A_143 : i32 to index
      %swap3A_147 = tpu.vector_load %arg8[%swap3A_145, %swap3A_146] {strides = array<i32>} : memref<2x16384xf32, #tpu.memory_space<vmem>>, vector<1x16xf32>,
      %swap3A_148 = vector.shape_cast %swap3A_147 : vector<1x16xf32> to vector<16xf32>
      %swap3A_149 = vector.shape_cast %add3A_141 : vector<16xf32> to vector<1x16xf32>
      tpu.vector_store %arg8[%swap3A_145, %swap3A_146], %swap3A_149 {strides = array<i32>} : memref<2x16384xf32, #tpu.memory_space<vmem>>, vector<1x16xf32>,
    }
    %scan3A_27 = arith.constant 64 : i32
    %scan3A_28 = arith.constant 0 : i32
    %scan3A_29 = arith.constant 0 : i32
    %scan3A_30 = arith.constant 64 : i32
    %scan3A_31 = arith.addi %scan3A_29, %scan3A_30 : i32
    %scan3A_32 = arith.constant 1 : i32
    scf.for %scan3A_102 = %scan3A_29 to %scan3A_31 step %scan3A_32  : i32 {
      %mul3A_103 = arith.constant 16 : i32
      %mul3A_104 = arith.muli %scan3A_102, %mul3A_103 : i32
      %add3A_105 = arith.constant 8192 : i32
      %add3A_106 = arith.addi %add3A_105, %mul3A_104 : i32
      %get3A = arith.constant 0 : i32
      %get3A_107 = arith.index_cast %get3A : i32 to index
      %get3A_108 = arith.index_cast %add3A_106 : i32 to index
      %get3A_109 = tpu.vector_load %arg8[%get3A_107, %get3A_108] {strides = array<i32>} : memref<2x16384xf32, #tpu.memory_space<vmem>>, vector<1x16xf32>,
      %get3A_110 = vector.shape_cast %get3A_109 : vector<1x16xf32> to vector<16xf32>
      %add3A_111 = arith.constant 1024 : i32
      %add3A_112 = arith.addi %add3A_106, %add3A_111 : i32
      %get3A_113 = arith.constant 0 : i32
      %get3A_114 = arith.index_cast %get3A_113 : i32 to index
      %get3A_115 = arith.index_cast %add3A_112 : i32 to index
      %get3A_116 = tpu.vector_load %arg8[%get3A_114, %get3A_115] {strides = array<i32>} : memref<2x16384xf32, #tpu.memory_space<vmem>>, vector<1x16xf32>,
      %get3A_117 = vector.shape_cast %get3A_116 : vector<1x16xf32> to vector<16xf32>
      %mul3A_118 = arith.constant 16 : i32
      %mul3A_119 = arith.muli %scan3A_102, %mul3A_118 : i32
      %get3A_120 = arith.constant 0 : i32
      %get3A_121 = arith.index_cast %get3A_120 : i32 to index
      %get3A_122 = arith.index_cast %mul3A_119 : i32 to index
      %get3A_123 = tpu.vector_load %arg9[%get3A_121, %get3A_122] {strides = array<i32>} : memref<2x1024xf32, #tpu.memory_space<vmem>>, vector<1x16xf32>,
      %get3A_124 = vector.shape_cast %get3A_123 : vector<1x16xf32> to vector<16xf32>
      %mul3A_125 = arith.constant 16 : i32
      %mul3A_126 = arith.muli %scan3A_102, %mul3A_125 : i32
      %get3A_127 = arith.constant 0 : i32
      %get3A_128 = arith.index_cast %get3A_127 : i32 to index
      %get3A_129 = arith.index_cast %mul3A_126 : i32 to index
      %get3A_130 = tpu.vector_load %arg10[%get3A_128, %get3A_129] {strides = array<i32>} : memref<2x1024xf32, #tpu.memory_space<vmem>>, vector<1x16xf32>,
      %get3A_131 = vector.shape_cast %get3A_130 : vector<1x16xf32> to vector<16xf32>
      %mul3A_132 = arith.mulf %get3A_110, %get3A_124 : vector<16xf32>
      %mul3A_133 = arith.mulf %get3A_117, %get3A_131 : vector<16xf32>
      %sub3A = arith.subf %mul3A_132, %mul3A_133 : vector<16xf32>
      %swap3A = arith.constant 0 : i32
      %swap3A_134 = arith.index_cast %swap3A : i32 to index
      %swap3A_135 = arith.index_cast %add3A_106 : i32 to index
      %swap3A_136 = tpu.vector_load %arg8[%swap3A_134, %swap3A_135] {strides = array<i32>} : memref<2x16384xf32, #tpu.memory_space<vmem>>, vector<1x16xf32>,
      %swap3A_137 = vector.shape_cast %swap3A_136 : vector<1x16xf32> to vector<16xf32>
      %swap3A_138 = vector.shape_cast %sub3A : vector<16xf32> to vector<1x16xf32>
      tpu.vector_store %arg8[%swap3A_134, %swap3A_135], %swap3A_138 {strides = array<i32>} : memref<2x16384xf32, #tpu.memory_space<vmem>>, vector<1x16xf32>,
      %mul3A_139 = arith.mulf %get3A_117, %get3A_124 : vector<16xf32>
      %mul3A_140 = arith.mulf %get3A_110, %get3A_131 : vector<16xf32>
      %add3A_141 = arith.addf %mul3A_139, %mul3A_140 : vector<16xf32>
      %add3A_142 = arith.constant 1024 : i32
      %add3A_143 = arith.addi %add3A_106, %add3A_142 : i32
      %swap3A_144 = arith.constant 0 : i32
      %swap3A_145 = arith.index_cast %swap3A_144 : i32 to index
      %swap3A_146 = arith.index_cast %add3A_143 : i32 to index
      %swap3A_147 = tpu.vector_load %arg8[%swap3A_145, %swap3A_146] {strides = array<i32>} : memref<2x16384xf32, #tpu.memory_space<vmem>>, vector<1x16xf32>,
      %swap3A_148 = vector.shape_cast %swap3A_147 : vector<1x16xf32> to vector<16xf32>
      %swap3A_149 = vector.shape_cast %add3A_141 : vector<16xf32> to vector<1x16xf32>
      tpu.vector_store %arg8[%swap3A_145, %swap3A_146], %swap3A_149 {strides = array<i32>} : memref<2x16384xf32, #tpu.memory_space<vmem>>, vector<1x16xf32>,
    }
    %scan3A_33 = arith.constant 64 : i32
    %scan3A_34 = arith.constant 0 : i32
    %scan3A_35 = arith.constant 0 : i32
    %scan3A_36 = arith.constant 64 : i32
    %scan3A_37 = arith.addi %scan3A_35, %scan3A_36 : i32
    %scan3A_38 = arith.constant 1 : i32
    scf.for %scan3A_102 = %scan3A_35 to %scan3A_37 step %scan3A_38  : i32 {
      %mul3A_103 = arith.constant 16 : i32
      %mul3A_104 = arith.muli %scan3A_102, %mul3A_103 : i32
      %add3A_105 = arith.constant 10240 : i32
      %add3A_106 = arith.addi %add3A_105, %mul3A_104 : i32
      %get3A = arith.constant 0 : i32
      %get3A_107 = arith.index_cast %get3A : i32 to index
      %get3A_108 = arith.index_cast %add3A_106 : i32 to index
      %get3A_109 = tpu.vector_load %arg8[%get3A_107, %get3A_108] {strides = array<i32>} : memref<2x16384xf32, #tpu.memory_space<vmem>>, vector<1x16xf32>,
      %get3A_110 = vector.shape_cast %get3A_109 : vector<1x16xf32> to vector<16xf32>
      %add3A_111 = arith.constant 1024 : i32
      %add3A_112 = arith.addi %add3A_106, %add3A_111 : i32
      %get3A_113 = arith.constant 0 : i32
      %get3A_114 = arith.index_cast %get3A_113 : i32 to index
      %get3A_115 = arith.index_cast %add3A_112 : i32 to index
      %get3A_116 = tpu.vector_load %arg8[%get3A_114, %get3A_115] {strides = array<i32>} : memref<2x16384xf32, #tpu.memory_space<vmem>>, vector<1x16xf32>,
      %get3A_117 = vector.shape_cast %get3A_116 : vector<1x16xf32> to vector<16xf32>
      %mul3A_118 = arith.constant 16 : i32
      %mul3A_119 = arith.muli %scan3A_102, %mul3A_118 : i32
      %get3A_120 = arith.constant 0 : i32
      %get3A_121 = arith.index_cast %get3A_120 : i32 to index
      %get3A_122 = arith.index_cast %mul3A_119 : i32 to index
      %get3A_123 = tpu.vector_load %arg9[%get3A_121, %get3A_122] {strides = array<i32>} : memref<2x1024xf32, #tpu.memory_space<vmem>>, vector<1x16xf32>,
      %get3A_124 = vector.shape_cast %get3A_123 : vector<1x16xf32> to vector<16xf32>
      %mul3A_125 = arith.constant 16 : i32
      %mul3A_126 = arith.muli %scan3A_102, %mul3A_125 : i32
      %get3A_127 = arith.constant 0 : i32
      %get3A_128 = arith.index_cast %get3A_127 : i32 to index
      %get3A_129 = arith.index_cast %mul3A_126 : i32 to index
      %get3A_130 = tpu.vector_load %arg10[%get3A_128, %get3A_129] {strides = array<i32>} : memref<2x1024xf32, #tpu.memory_space<vmem>>, vector<1x16xf32>,
      %get3A_131 = vector.shape_cast %get3A_130 : vector<1x16xf32> to vector<16xf32>
      %mul3A_132 = arith.mulf %get3A_110, %get3A_124 : vector<16xf32>
      %mul3A_133 = arith.mulf %get3A_117, %get3A_131 : vector<16xf32>
      %sub3A = arith.subf %mul3A_132, %mul3A_133 : vector<16xf32>
      %swap3A = arith.constant 0 : i32
      %swap3A_134 = arith.index_cast %swap3A : i32 to index
      %swap3A_135 = arith.index_cast %add3A_106 : i32 to index
      %swap3A_136 = tpu.vector_load %arg8[%swap3A_134, %swap3A_135] {strides = array<i32>} : memref<2x16384xf32, #tpu.memory_space<vmem>>, vector<1x16xf32>,
      %swap3A_137 = vector.shape_cast %swap3A_136 : vector<1x16xf32> to vector<16xf32>
      %swap3A_138 = vector.shape_cast %sub3A : vector<16xf32> to vector<1x16xf32>
      tpu.vector_store %arg8[%swap3A_134, %swap3A_135], %swap3A_138 {strides = array<i32>} : memref<2x16384xf32, #tpu.memory_space<vmem>>, vector<1x16xf32>,
      %mul3A_139 = arith.mulf %get3A_117, %get3A_124 : vector<16xf32>
      %mul3A_140 = arith.mulf %get3A_110, %get3A_131 : vector<16xf32>
      %add3A_141 = arith.addf %mul3A_139, %mul3A_140 : vector<16xf32>
      %add3A_142 = arith.constant 1024 : i32
      %add3A_143 = arith.addi %add3A_106, %add3A_142 : i32
      %swap3A_144 = arith.constant 0 : i32
      %swap3A_145 = arith.index_cast %swap3A_144 : i32 to index
      %swap3A_146 = arith.index_cast %add3A_143 : i32 to index
      %swap3A_147 = tpu.vector_load %arg8[%swap3A_145, %swap3A_146] {strides = array<i32>} : memref<2x16384xf32, #tpu.memory_space<vmem>>, vector<1x16xf32>,
      %swap3A_148 = vector.shape_cast %swap3A_147 : vector<1x16xf32> to vector<16xf32>
      %swap3A_149 = vector.shape_cast %add3A_141 : vector<16xf32> to vector<1x16xf32>
      tpu.vector_store %arg8[%swap3A_145, %swap3A_146], %swap3A_149 {strides = array<i32>} : memref<2x16384xf32, #tpu.memory_space<vmem>>, vector<1x16xf32>,
    }
    %scan3A_39 = arith.constant 64 : i32
    %scan3A_40 = arith.constant 0 : i32
    %scan3A_41 = arith.constant 0 : i32
    %scan3A_42 = arith.constant 64 : i32
    %scan3A_43 = arith.addi %scan3A_41, %scan3A_42 : i32
    %scan3A_44 = arith.constant 1 : i32
    scf.for %scan3A_102 = %scan3A_41 to %scan3A_43 step %scan3A_44  : i32 {
      %mul3A_103 = arith.constant 16 : i32
      %mul3A_104 = arith.muli %scan3A_102, %mul3A_103 : i32
      %add3A_105 = arith.constant 12288 : i32
      %add3A_106 = arith.addi %add3A_105, %mul3A_104 : i32
      %get3A = arith.constant 0 : i32
      %get3A_107 = arith.index_cast %get3A : i32 to index
      %get3A_108 = arith.index_cast %add3A_106 : i32 to index
      %get3A_109 = tpu.vector_load %arg8[%get3A_107, %get3A_108] {strides = array<i32>} : memref<2x16384xf32, #tpu.memory_space<vmem>>, vector<1x16xf32>,
      %get3A_110 = vector.shape_cast %get3A_109 : vector<1x16xf32> to vector<16xf32>
      %add3A_111 = arith.constant 1024 : i32
      %add3A_112 = arith.addi %add3A_106, %add3A_111 : i32
      %get3A_113 = arith.constant 0 : i32
      %get3A_114 = arith.index_cast %get3A_113 : i32 to index
      %get3A_115 = arith.index_cast %add3A_112 : i32 to index
      %get3A_116 = tpu.vector_load %arg8[%get3A_114, %get3A_115] {strides = array<i32>} : memref<2x16384xf32, #tpu.memory_space<vmem>>, vector<1x16xf32>,
      %get3A_117 = vector.shape_cast %get3A_116 : vector<1x16xf32> to vector<16xf32>
      %mul3A_118 = arith.constant 16 : i32
      %mul3A_119 = arith.muli %scan3A_102, %mul3A_118 : i32
      %get3A_120 = arith.constant 0 : i32
      %get3A_121 = arith.index_cast %get3A_120 : i32 to index
      %get3A_122 = arith.index_cast %mul3A_119 : i32 to index
      %get3A_123 = tpu.vector_load %arg9[%get3A_121, %get3A_122] {strides = array<i32>} : memref<2x1024xf32, #tpu.memory_space<vmem>>, vector<1x16xf32>,
      %get3A_124 = vector.shape_cast %get3A_123 : vector<1x16xf32> to vector<16xf32>
      %mul3A_125 = arith.constant 16 : i32
      %mul3A_126 = arith.muli %scan3A_102, %mul3A_125 : i32
      %get3A_127 = arith.constant 0 : i32
      %get3A_128 = arith.index_cast %get3A_127 : i32 to index
      %get3A_129 = arith.index_cast %mul3A_126 : i32 to index
      %get3A_130 = tpu.vector_load %arg10[%get3A_128, %get3A_129] {strides = array<i32>} : memref<2x1024xf32, #tpu.memory_space<vmem>>, vector<1x16xf32>,
      %get3A_131 = vector.shape_cast %get3A_130 : vector<1x16xf32> to vector<16xf32>
      %mul3A_132 = arith.mulf %get3A_110, %get3A_124 : vector<16xf32>
      %mul3A_133 = arith.mulf %get3A_117, %get3A_131 : vector<16xf32>
      %sub3A = arith.subf %mul3A_132, %mul3A_133 : vector<16xf32>
      %swap3A = arith.constant 0 : i32
      %swap3A_134 = arith.index_cast %swap3A : i32 to index
      %swap3A_135 = arith.index_cast %add3A_106 : i32 to index
      %swap3A_136 = tpu.vector_load %arg8[%swap3A_134, %swap3A_135] {strides = array<i32>} : memref<2x16384xf32, #tpu.memory_space<vmem>>, vector<1x16xf32>,
      %swap3A_137 = vector.shape_cast %swap3A_136 : vector<1x16xf32> to vector<16xf32>
      %swap3A_138 = vector.shape_cast %sub3A : vector<16xf32> to vector<1x16xf32>
      tpu.vector_store %arg8[%swap3A_134, %swap3A_135], %swap3A_138 {strides = array<i32>} : memref<2x16384xf32, #tpu.memory_space<vmem>>, vector<1x16xf32>,
      %mul3A_139 = arith.mulf %get3A_117, %get3A_124 : vector<16xf32>
      %mul3A_140 = arith.mulf %get3A_110, %get3A_131 : vector<16xf32>
      %add3A_141 = arith.addf %mul3A_139, %mul3A_140 : vector<16xf32>
      %add3A_142 = arith.constant 1024 : i32
      %add3A_143 = arith.addi %add3A_106, %add3A_142 : i32
      %swap3A_144 = arith.constant 0 : i32
      %swap3A_145 = arith.index_cast %swap3A_144 : i32 to index
      %swap3A_146 = arith.index_cast %add3A_143 : i32 to index
      %swap3A_147 = tpu.vector_load %arg8[%swap3A_145, %swap3A_146] {strides = array<i32>} : memref<2x16384xf32, #tpu.memory_space<vmem>>, vector<1x16xf32>,
      %swap3A_148 = vector.shape_cast %swap3A_147 : vector<1x16xf32> to vector<16xf32>
      %swap3A_149 = vector.shape_cast %add3A_141 : vector<16xf32> to vector<1x16xf32>
      tpu.vector_store %arg8[%swap3A_145, %swap3A_146], %swap3A_149 {strides = array<i32>} : memref<2x16384xf32, #tpu.memory_space<vmem>>, vector<1x16xf32>,
    }
    %scan3A_45 = arith.constant 64 : i32
    %scan3A_46 = arith.constant 0 : i32
    %scan3A_47 = arith.constant 0 : i32
    %scan3A_48 = arith.constant 64 : i32
    %scan3A_49 = arith.addi %scan3A_47, %scan3A_48 : i32
    %scan3A_50 = arith.constant 1 : i32
    scf.for %scan3A_102 = %scan3A_47 to %scan3A_49 step %scan3A_50  : i32 {
      %mul3A_103 = arith.constant 16 : i32
      %mul3A_104 = arith.muli %scan3A_102, %mul3A_103 : i32
      %add3A_105 = arith.constant 14336 : i32
      %add3A_106 = arith.addi %add3A_105, %mul3A_104 : i32
      %get3A = arith.constant 0 : i32
      %get3A_107 = arith.index_cast %get3A : i32 to index
      %get3A_108 = arith.index_cast %add3A_106 : i32 to index
      %get3A_109 = tpu.vector_load %arg8[%get3A_107, %get3A_108] {strides = array<i32>} : memref<2x16384xf32, #tpu.memory_space<vmem>>, vector<1x16xf32>,
      %get3A_110 = vector.shape_cast %get3A_109 : vector<1x16xf32> to vector<16xf32>
      %add3A_111 = arith.constant 1024 : i32
      %add3A_112 = arith.addi %add3A_106, %add3A_111 : i32
      %get3A_113 = arith.constant 0 : i32
      %get3A_114 = arith.index_cast %get3A_113 : i32 to index
      %get3A_115 = arith.index_cast %add3A_112 : i32 to index
      %get3A_116 = tpu.vector_load %arg8[%get3A_114, %get3A_115] {strides = array<i32>} : memref<2x16384xf32, #tpu.memory_space<vmem>>, vector<1x16xf32>,
      %get3A_117 = vector.shape_cast %get3A_116 : vector<1x16xf32> to vector<16xf32>
      %mul3A_118 = arith.constant 16 : i32
      %mul3A_119 = arith.muli %scan3A_102, %mul3A_118 : i32
      %get3A_120 = arith.constant 0 : i32
      %get3A_121 = arith.index_cast %get3A_120 : i32 to index
      %get3A_122 = arith.index_cast %mul3A_119 : i32 to index
      %get3A_123 = tpu.vector_load %arg9[%get3A_121, %get3A_122] {strides = array<i32>} : memref<2x1024xf32, #tpu.memory_space<vmem>>, vector<1x16xf32>,
      %get3A_124 = vector.shape_cast %get3A_123 : vector<1x16xf32> to vector<16xf32>
      %mul3A_125 = arith.constant 16 : i32
      %mul3A_126 = arith.muli %scan3A_102, %mul3A_125 : i32
      %get3A_127 = arith.constant 0 : i32
      %get3A_128 = arith.index_cast %get3A_127 : i32 to index
      %get3A_129 = arith.index_cast %mul3A_126 : i32 to index
      %get3A_130 = tpu.vector_load %arg10[%get3A_128, %get3A_129] {strides = array<i32>} : memref<2x1024xf32, #tpu.memory_space<vmem>>, vector<1x16xf32>,
      %get3A_131 = vector.shape_cast %get3A_130 : vector<1x16xf32> to vector<16xf32>
      %mul3A_132 = arith.mulf %get3A_110, %get3A_124 : vector<16xf32>
      %mul3A_133 = arith.mulf %get3A_117, %get3A_131 : vector<16xf32>
      %sub3A = arith.subf %mul3A_132, %mul3A_133 : vector<16xf32>
      %swap3A = arith.constant 0 : i32
      %swap3A_134 = arith.index_cast %swap3A : i32 to index
      %swap3A_135 = arith.index_cast %add3A_106 : i32 to index
      %swap3A_136 = tpu.vector_load %arg8[%swap3A_134, %swap3A_135] {strides = array<i32>} : memref<2x16384xf32, #tpu.memory_space<vmem>>, vector<1x16xf32>,
      %swap3A_137 = vector.shape_cast %swap3A_136 : vector<1x16xf32> to vector<16xf32>
      %swap3A_138 = vector.shape_cast %sub3A : vector<16xf32> to vector<1x16xf32>
      tpu.vector_store %arg8[%swap3A_134, %swap3A_135], %swap3A_138 {strides = array<i32>} : memref<2x16384xf32, #tpu.memory_space<vmem>>, vector<1x16xf32>,
      %mul3A_139 = arith.mulf %get3A_117, %get3A_124 : vector<16xf32>
      %mul3A_140 = arith.mulf %get3A_110, %get3A_131 : vector<16xf32>
      %add3A_141 = arith.addf %mul3A_139, %mul3A_140 : vector<16xf32>
      %add3A_142 = arith.constant 1024 : i32
      %add3A_143 = arith.addi %add3A_106, %add3A_142 : i32
      %swap3A_144 = arith.constant 0 : i32
      %swap3A_145 = arith.index_cast %swap3A_144 : i32 to index
      %swap3A_146 = arith.index_cast %add3A_143 : i32 to index
      %swap3A_147 = tpu.vector_load %arg8[%swap3A_145, %swap3A_146] {strides = array<i32>} : memref<2x16384xf32, #tpu.memory_space<vmem>>, vector<1x16xf32>,
      %swap3A_148 = vector.shape_cast %swap3A_147 : vector<1x16xf32> to vector<16xf32>
      %swap3A_149 = vector.shape_cast %add3A_141 : vector<16xf32> to vector<1x16xf32>
      tpu.vector_store %arg8[%swap3A_145, %swap3A_146], %swap3A_149 {strides = array<i32>} : memref<2x16384xf32, #tpu.memory_space<vmem>>, vector<1x16xf32>,
    }
    %scan3A_51 = arith.constant 64 : i32
    %scan3A_52 = arith.constant 0 : i32
    %scan3A_53 = arith.constant 0 : i32
    %scan3A_54 = arith.constant 64 : i32
    %scan3A_55 = arith.addi %scan3A_53, %scan3A_54 : i32
    %scan3A_56 = arith.constant 1 : i32
    scf.for %scan3A_102 = %scan3A_53 to %scan3A_55 step %scan3A_56  : i32 {
      %mul3A_103 = arith.constant 16 : i32
      %mul3A_104 = arith.muli %scan3A_102, %mul3A_103 : i32
      %add3A_105 = arith.constant 0 : i32
      %add3A_106 = arith.addi %add3A_105, %mul3A_104 : i32
      %get3A = arith.constant 1 : i32
      %get3A_107 = arith.index_cast %get3A : i32 to index
      %get3A_108 = arith.index_cast %add3A_106 : i32 to index
      %get3A_109 = tpu.vector_load %arg8[%get3A_107, %get3A_108] {strides = array<i32>} : memref<2x16384xf32, #tpu.memory_space<vmem>>, vector<1x16xf32>,
      %get3A_110 = vector.shape_cast %get3A_109 : vector<1x16xf32> to vector<16xf32>
      %add3A_111 = arith.constant 1024 : i32
      %add3A_112 = arith.addi %add3A_106, %add3A_111 : i32
      %get3A_113 = arith.constant 1 : i32
      %get3A_114 = arith.index_cast %get3A_113 : i32 to index
      %get3A_115 = arith.index_cast %add3A_112 : i32 to index
      %get3A_116 = tpu.vector_load %arg8[%get3A_114, %get3A_115] {strides = array<i32>} : memref<2x16384xf32, #tpu.memory_space<vmem>>, vector<1x16xf32>,
      %get3A_117 = vector.shape_cast %get3A_116 : vector<1x16xf32> to vector<16xf32>
      %mul3A_118 = arith.constant 16 : i32
      %mul3A_119 = arith.muli %scan3A_102, %mul3A_118 : i32
      %get3A_120 = arith.constant 1 : i32
      %get3A_121 = arith.index_cast %get3A_120 : i32 to index
      %get3A_122 = arith.index_cast %mul3A_119 : i32 to index
      %get3A_123 = tpu.vector_load %arg9[%get3A_121, %get3A_122] {strides = array<i32>} : memref<2x1024xf32, #tpu.memory_space<vmem>>, vector<1x16xf32>,
      %get3A_124 = vector.shape_cast %get3A_123 : vector<1x16xf32> to vector<16xf32>
      %mul3A_125 = arith.constant 16 : i32
      %mul3A_126 = arith.muli %scan3A_102, %mul3A_125 : i32
      %get3A_127 = arith.constant 1 : i32
      %get3A_128 = arith.index_cast %get3A_127 : i32 to index
      %get3A_129 = arith.index_cast %mul3A_126 : i32 to index
      %get3A_130 = tpu.vector_load %arg10[%get3A_128, %get3A_129] {strides = array<i32>} : memref<2x1024xf32, #tpu.memory_space<vmem>>, vector<1x16xf32>,
      %get3A_131 = vector.shape_cast %get3A_130 : vector<1x16xf32> to vector<16xf32>
      %mul3A_132 = arith.mulf %get3A_110, %get3A_124 : vector<16xf32>
      %mul3A_133 = arith.mulf %get3A_117, %get3A_131 : vector<16xf32>
      %sub3A = arith.subf %mul3A_132, %mul3A_133 : vector<16xf32>
      %swap3A = arith.constant 1 : i32
      %swap3A_134 = arith.index_cast %swap3A : i32 to index
      %swap3A_135 = arith.index_cast %add3A_106 : i32 to index
      %swap3A_136 = tpu.vector_load %arg8[%swap3A_134, %swap3A_135] {strides = array<i32>} : memref<2x16384xf32, #tpu.memory_space<vmem>>, vector<1x16xf32>,
      %swap3A_137 = vector.shape_cast %swap3A_136 : vector<1x16xf32> to vector<16xf32>
      %swap3A_138 = vector.shape_cast %sub3A : vector<16xf32> to vector<1x16xf32>
      tpu.vector_store %arg8[%swap3A_134, %swap3A_135], %swap3A_138 {strides = array<i32>} : memref<2x16384xf32, #tpu.memory_space<vmem>>, vector<1x16xf32>,
      %mul3A_139 = arith.mulf %get3A_117, %get3A_124 : vector<16xf32>
      %mul3A_140 = arith.mulf %get3A_110, %get3A_131 : vector<16xf32>
      %add3A_141 = arith.addf %mul3A_139, %mul3A_140 : vector<16xf32>
      %add3A_142 = arith.constant 1024 : i32
      %add3A_143 = arith.addi %add3A_106, %add3A_142 : i32
      %swap3A_144 = arith.constant 1 : i32
      %swap3A_145 = arith.index_cast %swap3A_144 : i32 to index
      %swap3A_146 = arith.index_cast %add3A_143 : i32 to index
      %swap3A_147 = tpu.vector_load %arg8[%swap3A_145, %swap3A_146] {strides = array<i32>} : memref<2x16384xf32, #tpu.memory_space<vmem>>, vector<1x16xf32>,
      %swap3A_148 = vector.shape_cast %swap3A_147 : vector<1x16xf32> to vector<16xf32>
      %swap3A_149 = vector.shape_cast %add3A_141 : vector<16xf32> to vector<1x16xf32>
      tpu.vector_store %arg8[%swap3A_145, %swap3A_146], %swap3A_149 {strides = array<i32>} : memref<2x16384xf32, #tpu.memory_space<vmem>>, vector<1x16xf32>,
    }
    %scan3A_57 = arith.constant 64 : i32
    %scan3A_58 = arith.constant 0 : i32
    %scan3A_59 = arith.constant 0 : i32
    %scan3A_60 = arith.constant 64 : i32
    %scan3A_61 = arith.addi %scan3A_59, %scan3A_60 : i32
    %scan3A_62 = arith.constant 1 : i32
    scf.for %scan3A_102 = %scan3A_59 to %scan3A_61 step %scan3A_62  : i32 {
      %mul3A_103 = arith.constant 16 : i32
      %mul3A_104 = arith.muli %scan3A_102, %mul3A_103 : i32
      %add3A_105 = arith.constant 2048 : i32
      %add3A_106 = arith.addi %add3A_105, %mul3A_104 : i32
      %get3A = arith.constant 1 : i32
      %get3A_107 = arith.index_cast %get3A : i32 to index
      %get3A_108 = arith.index_cast %add3A_106 : i32 to index
      %get3A_109 = tpu.vector_load %arg8[%get3A_107, %get3A_108] {strides = array<i32>} : memref<2x16384xf32, #tpu.memory_space<vmem>>, vector<1x16xf32>,
      %get3A_110 = vector.shape_cast %get3A_109 : vector<1x16xf32> to vector<16xf32>
      %add3A_111 = arith.constant 1024 : i32
      %add3A_112 = arith.addi %add3A_106, %add3A_111 : i32
      %get3A_113 = arith.constant 1 : i32
      %get3A_114 = arith.index_cast %get3A_113 : i32 to index
      %get3A_115 = arith.index_cast %add3A_112 : i32 to index
      %get3A_116 = tpu.vector_load %arg8[%get3A_114, %get3A_115] {strides = array<i32>} : memref<2x16384xf32, #tpu.memory_space<vmem>>, vector<1x16xf32>,
      %get3A_117 = vector.shape_cast %get3A_116 : vector<1x16xf32> to vector<16xf32>
      %mul3A_118 = arith.constant 16 : i32
      %mul3A_119 = arith.muli %scan3A_102, %mul3A_118 : i32
      %get3A_120 = arith.constant 1 : i32
      %get3A_121 = arith.index_cast %get3A_120 : i32 to index
      %get3A_122 = arith.index_cast %mul3A_119 : i32 to index
      %get3A_123 = tpu.vector_load %arg9[%get3A_121, %get3A_122] {strides = array<i32>} : memref<2x1024xf32, #tpu.memory_space<vmem>>, vector<1x16xf32>,
      %get3A_124 = vector.shape_cast %get3A_123 : vector<1x16xf32> to vector<16xf32>
      %mul3A_125 = arith.constant 16 : i32
      %mul3A_126 = arith.muli %scan3A_102, %mul3A_125 : i32
      %get3A_127 = arith.constant 1 : i32
      %get3A_128 = arith.index_cast %get3A_127 : i32 to index
      %get3A_129 = arith.index_cast %mul3A_126 : i32 to index
      %get3A_130 = tpu.vector_load %arg10[%get3A_128, %get3A_129] {strides = array<i32>} : memref<2x1024xf32, #tpu.memory_space<vmem>>, vector<1x16xf32>,
      %get3A_131 = vector.shape_cast %get3A_130 : vector<1x16xf32> to vector<16xf32>
      %mul3A_132 = arith.mulf %get3A_110, %get3A_124 : vector<16xf32>
      %mul3A_133 = arith.mulf %get3A_117, %get3A_131 : vector<16xf32>
      %sub3A = arith.subf %mul3A_132, %mul3A_133 : vector<16xf32>
      %swap3A = arith.constant 1 : i32
      %swap3A_134 = arith.index_cast %swap3A : i32 to index
      %swap3A_135 = arith.index_cast %add3A_106 : i32 to index
      %swap3A_136 = tpu.vector_load %arg8[%swap3A_134, %swap3A_135] {strides = array<i32>} : memref<2x16384xf32, #tpu.memory_space<vmem>>, vector<1x16xf32>,
      %swap3A_137 = vector.shape_cast %swap3A_136 : vector<1x16xf32> to vector<16xf32>
      %swap3A_138 = vector.shape_cast %sub3A : vector<16xf32> to vector<1x16xf32>
      tpu.vector_store %arg8[%swap3A_134, %swap3A_135], %swap3A_138 {strides = array<i32>} : memref<2x16384xf32, #tpu.memory_space<vmem>>, vector<1x16xf32>,
      %mul3A_139 = arith.mulf %get3A_117, %get3A_124 : vector<16xf32>
      %mul3A_140 = arith.mulf %get3A_110, %get3A_131 : vector<16xf32>
      %add3A_141 = arith.addf %mul3A_139, %mul3A_140 : vector<16xf32>
      %add3A_142 = arith.constant 1024 : i32
      %add3A_143 = arith.addi %add3A_106, %add3A_142 : i32
      %swap3A_144 = arith.constant 1 : i32
      %swap3A_145 = arith.index_cast %swap3A_144 : i32 to index
      %swap3A_146 = arith.index_cast %add3A_143 : i32 to index
      %swap3A_147 = tpu.vector_load %arg8[%swap3A_145, %swap3A_146] {strides = array<i32>} : memref<2x16384xf32, #tpu.memory_space<vmem>>, vector<1x16xf32>,
      %swap3A_148 = vector.shape_cast %swap3A_147 : vector<1x16xf32> to vector<16xf32>
      %swap3A_149 = vector.shape_cast %add3A_141 : vector<16xf32> to vector<1x16xf32>
      tpu.vector_store %arg8[%swap3A_145, %swap3A_146], %swap3A_149 {strides = array<i32>} : memref<2x16384xf32, #tpu.memory_space<vmem>>, vector<1x16xf32>,
    }
    %scan3A_63 = arith.constant 64 : i32
    %scan3A_64 = arith.constant 0 : i32
    %scan3A_65 = arith.constant 0 : i32
    %scan3A_66 = arith.constant 64 : i32
    %scan3A_67 = arith.addi %scan3A_65, %scan3A_66 : i32
    %scan3A_68 = arith.constant 1 : i32
    scf.for %scan3A_102 = %scan3A_65 to %scan3A_67 step %scan3A_68  : i32 {
      %mul3A_103 = arith.constant 16 : i32
      %mul3A_104 = arith.muli %scan3A_102, %mul3A_103 : i32
      %add3A_105 = arith.constant 4096 : i32
      %add3A_106 = arith.addi %add3A_105, %mul3A_104 : i32
      %get3A = arith.constant 1 : i32
      %get3A_107 = arith.index_cast %get3A : i32 to index
      %get3A_108 = arith.index_cast %add3A_106 : i32 to index
      %get3A_109 = tpu.vector_load %arg8[%get3A_107, %get3A_108] {strides = array<i32>} : memref<2x16384xf32, #tpu.memory_space<vmem>>, vector<1x16xf32>,
      %get3A_110 = vector.shape_cast %get3A_109 : vector<1x16xf32> to vector<16xf32>
      %add3A_111 = arith.constant 1024 : i32
      %add3A_112 = arith.addi %add3A_106, %add3A_111 : i32
      %get3A_113 = arith.constant 1 : i32
      %get3A_114 = arith.index_cast %get3A_113 : i32 to index
      %get3A_115 = arith.index_cast %add3A_112 : i32 to index
      %get3A_116 = tpu.vector_load %arg8[%get3A_114, %get3A_115] {strides = array<i32>} : memref<2x16384xf32, #tpu.memory_space<vmem>>, vector<1x16xf32>,
      %get3A_117 = vector.shape_cast %get3A_116 : vector<1x16xf32> to vector<16xf32>
      %mul3A_118 = arith.constant 16 : i32
      %mul3A_119 = arith.muli %scan3A_102, %mul3A_118 : i32
      %get3A_120 = arith.constant 1 : i32
      %get3A_121 = arith.index_cast %get3A_120 : i32 to index
      %get3A_122 = arith.index_cast %mul3A_119 : i32 to index
      %get3A_123 = tpu.vector_load %arg9[%get3A_121, %get3A_122] {strides = array<i32>} : memref<2x1024xf32, #tpu.memory_space<vmem>>, vector<1x16xf32>,
      %get3A_124 = vector.shape_cast %get3A_123 : vector<1x16xf32> to vector<16xf32>
      %mul3A_125 = arith.constant 16 : i32
      %mul3A_126 = arith.muli %scan3A_102, %mul3A_125 : i32
      %get3A_127 = arith.constant 1 : i32
      %get3A_128 = arith.index_cast %get3A_127 : i32 to index
      %get3A_129 = arith.index_cast %mul3A_126 : i32 to index
      %get3A_130 = tpu.vector_load %arg10[%get3A_128, %get3A_129] {strides = array<i32>} : memref<2x1024xf32, #tpu.memory_space<vmem>>, vector<1x16xf32>,
      %get3A_131 = vector.shape_cast %get3A_130 : vector<1x16xf32> to vector<16xf32>
      %mul3A_132 = arith.mulf %get3A_110, %get3A_124 : vector<16xf32>
      %mul3A_133 = arith.mulf %get3A_117, %get3A_131 : vector<16xf32>
      %sub3A = arith.subf %mul3A_132, %mul3A_133 : vector<16xf32>
      %swap3A = arith.constant 1 : i32
      %swap3A_134 = arith.index_cast %swap3A : i32 to index
      %swap3A_135 = arith.index_cast %add3A_106 : i32 to index
      %swap3A_136 = tpu.vector_load %arg8[%swap3A_134, %swap3A_135] {strides = array<i32>} : memref<2x16384xf32, #tpu.memory_space<vmem>>, vector<1x16xf32>,
      %swap3A_137 = vector.shape_cast %swap3A_136 : vector<1x16xf32> to vector<16xf32>
      %swap3A_138 = vector.shape_cast %sub3A : vector<16xf32> to vector<1x16xf32>
      tpu.vector_store %arg8[%swap3A_134, %swap3A_135], %swap3A_138 {strides = array<i32>} : memref<2x16384xf32, #tpu.memory_space<vmem>>, vector<1x16xf32>,
      %mul3A_139 = arith.mulf %get3A_117, %get3A_124 : vector<16xf32>
      %mul3A_140 = arith.mulf %get3A_110, %get3A_131 : vector<16xf32>
      %add3A_141 = arith.addf %mul3A_139, %mul3A_140 : vector<16xf32>
      %add3A_142 = arith.constant 1024 : i32
      %add3A_143 = arith.addi %add3A_106, %add3A_142 : i32
      %swap3A_144 = arith.constant 1 : i32
      %swap3A_145 = arith.index_cast %swap3A_144 : i32 to index
      %swap3A_146 = arith.index_cast %add3A_143 : i32 to index
      %swap3A_147 = tpu.vector_load %arg8[%swap3A_145, %swap3A_146] {strides = array<i32>} : memref<2x16384xf32, #tpu.memory_space<vmem>>, vector<1x16xf32>,
      %swap3A_148 = vector.shape_cast %swap3A_147 : vector<1x16xf32> to vector<16xf32>
      %swap3A_149 = vector.shape_cast %add3A_141 : vector<16xf32> to vector<1x16xf32>
      tpu.vector_store %arg8[%swap3A_145, %swap3A_146], %swap3A_149 {strides = array<i32>} : memref<2x16384xf32, #tpu.memory_space<vmem>>, vector<1x16xf32>,
    }
    %scan3A_69 = arith.constant 64 : i32
    %scan3A_70 = arith.constant 0 : i32
    %scan3A_71 = arith.constant 0 : i32
    %scan3A_72 = arith.constant 64 : i32
    %scan3A_73 = arith.addi %scan3A_71, %scan3A_72 : i32
    %scan3A_74 = arith.constant 1 : i32
    scf.for %scan3A_102 = %scan3A_71 to %scan3A_73 step %scan3A_74  : i32 {
      %mul3A_103 = arith.constant 16 : i32
      %mul3A_104 = arith.muli %scan3A_102, %mul3A_103 : i32
      %add3A_105 = arith.constant 6144 : i32
      %add3A_106 = arith.addi %add3A_105, %mul3A_104 : i32
      %get3A = arith.constant 1 : i32
      %get3A_107 = arith.index_cast %get3A : i32 to index
      %get3A_108 = arith.index_cast %add3A_106 : i32 to index
      %get3A_109 = tpu.vector_load %arg8[%get3A_107, %get3A_108] {strides = array<i32>} : memref<2x16384xf32, #tpu.memory_space<vmem>>, vector<1x16xf32>,
      %get3A_110 = vector.shape_cast %get3A_109 : vector<1x16xf32> to vector<16xf32>
      %add3A_111 = arith.constant 1024 : i32
      %add3A_112 = arith.addi %add3A_106, %add3A_111 : i32
      %get3A_113 = arith.constant 1 : i32
      %get3A_114 = arith.index_cast %get3A_113 : i32 to index
      %get3A_115 = arith.index_cast %add3A_112 : i32 to index
      %get3A_116 = tpu.vector_load %arg8[%get3A_114, %get3A_115] {strides = array<i32>} : memref<2x16384xf32, #tpu.memory_space<vmem>>, vector<1x16xf32>,
      %get3A_117 = vector.shape_cast %get3A_116 : vector<1x16xf32> to vector<16xf32>
      %mul3A_118 = arith.constant 16 : i32
      %mul3A_119 = arith.muli %scan3A_102, %mul3A_118 : i32
      %get3A_120 = arith.constant 1 : i32
      %get3A_121 = arith.index_cast %get3A_120 : i32 to index
      %get3A_122 = arith.index_cast %mul3A_119 : i32 to index
      %get3A_123 = tpu.vector_load %arg9[%get3A_121, %get3A_122] {strides = array<i32>} : memref<2x1024xf32, #tpu.memory_space<vmem>>, vector<1x16xf32>,
      %get3A_124 = vector.shape_cast %get3A_123 : vector<1x16xf32> to vector<16xf32>
      %mul3A_125 = arith.constant 16 : i32
      %mul3A_126 = arith.muli %scan3A_102, %mul3A_125 : i32
      %get3A_127 = arith.constant 1 : i32
      %get3A_128 = arith.index_cast %get3A_127 : i32 to index
      %get3A_129 = arith.index_cast %mul3A_126 : i32 to index
      %get3A_130 = tpu.vector_load %arg10[%get3A_128, %get3A_129] {strides = array<i32>} : memref<2x1024xf32, #tpu.memory_space<vmem>>, vector<1x16xf32>,
      %get3A_131 = vector.shape_cast %get3A_130 : vector<1x16xf32> to vector<16xf32>
      %mul3A_132 = arith.mulf %get3A_110, %get3A_124 : vector<16xf32>
      %mul3A_133 = arith.mulf %get3A_117, %get3A_131 : vector<16xf32>
      %sub3A = arith.subf %mul3A_132, %mul3A_133 : vector<16xf32>
      %swap3A = arith.constant 1 : i32
      %swap3A_134 = arith.index_cast %swap3A : i32 to index
      %swap3A_135 = arith.index_cast %add3A_106 : i32 to index
      %swap3A_136 = tpu.vector_load %arg8[%swap3A_134, %swap3A_135] {strides = array<i32>} : memref<2x16384xf32, #tpu.memory_space<vmem>>, vector<1x16xf32>,
      %swap3A_137 = vector.shape_cast %swap3A_136 : vector<1x16xf32> to vector<16xf32>
      %swap3A_138 = vector.shape_cast %sub3A : vector<16xf32> to vector<1x16xf32>
      tpu.vector_store %arg8[%swap3A_134, %swap3A_135], %swap3A_138 {strides = array<i32>} : memref<2x16384xf32, #tpu.memory_space<vmem>>, vector<1x16xf32>,
      %mul3A_139 = arith.mulf %get3A_117, %get3A_124 : vector<16xf32>
      %mul3A_140 = arith.mulf %get3A_110, %get3A_131 : vector<16xf32>
      %add3A_141 = arith.addf %mul3A_139, %mul3A_140 : vector<16xf32>
      %add3A_142 = arith.constant 1024 : i32
      %add3A_143 = arith.addi %add3A_106, %add3A_142 : i32
      %swap3A_144 = arith.constant 1 : i32
      %swap3A_145 = arith.index_cast %swap3A_144 : i32 to index
      %swap3A_146 = arith.index_cast %add3A_143 : i32 to index
      %swap3A_147 = tpu.vector_load %arg8[%swap3A_145, %swap3A_146] {strides = array<i32>} : memref<2x16384xf32, #tpu.memory_space<vmem>>, vector<1x16xf32>,
      %swap3A_148 = vector.shape_cast %swap3A_147 : vector<1x16xf32> to vector<16xf32>
      %swap3A_149 = vector.shape_cast %add3A_141 : vector<16xf32> to vector<1x16xf32>
      tpu.vector_store %arg8[%swap3A_145, %swap3A_146], %swap3A_149 {strides = array<i32>} : memref<2x16384xf32, #tpu.memory_space<vmem>>, vector<1x16xf32>,
    }
    %scan3A_75 = arith.constant 64 : i32
    %scan3A_76 = arith.constant 0 : i32
    %scan3A_77 = arith.constant 0 : i32
    %scan3A_78 = arith.constant 64 : i32
    %scan3A_79 = arith.addi %scan3A_77, %scan3A_78 : i32
    %scan3A_80 = arith.constant 1 : i32
    scf.for %scan3A_102 = %scan3A_77 to %scan3A_79 step %scan3A_80  : i32 {
      %mul3A_103 = arith.constant 16 : i32
      %mul3A_104 = arith.muli %scan3A_102, %mul3A_103 : i32
      %add3A_105 = arith.constant 8192 : i32
      %add3A_106 = arith.addi %add3A_105, %mul3A_104 : i32
      %get3A = arith.constant 1 : i32
      %get3A_107 = arith.index_cast %get3A : i32 to index
      %get3A_108 = arith.index_cast %add3A_106 : i32 to index
      %get3A_109 = tpu.vector_load %arg8[%get3A_107, %get3A_108] {strides = array<i32>} : memref<2x16384xf32, #tpu.memory_space<vmem>>, vector<1x16xf32>,
      %get3A_110 = vector.shape_cast %get3A_109 : vector<1x16xf32> to vector<16xf32>
      %add3A_111 = arith.constant 1024 : i32
      %add3A_112 = arith.addi %add3A_106, %add3A_111 : i32
      %get3A_113 = arith.constant 1 : i32
      %get3A_114 = arith.index_cast %get3A_113 : i32 to index
      %get3A_115 = arith.index_cast %add3A_112 : i32 to index
      %get3A_116 = tpu.vector_load %arg8[%get3A_114, %get3A_115] {strides = array<i32>} : memref<2x16384xf32, #tpu.memory_space<vmem>>, vector<1x16xf32>,
      %get3A_117 = vector.shape_cast %get3A_116 : vector<1x16xf32> to vector<16xf32>
      %mul3A_118 = arith.constant 16 : i32
      %mul3A_119 = arith.muli %scan3A_102, %mul3A_118 : i32
      %get3A_120 = arith.constant 1 : i32
      %get3A_121 = arith.index_cast %get3A_120 : i32 to index
      %get3A_122 = arith.index_cast %mul3A_119 : i32 to index
      %get3A_123 = tpu.vector_load %arg9[%get3A_121, %get3A_122] {strides = array<i32>} : memref<2x1024xf32, #tpu.memory_space<vmem>>, vector<1x16xf32>,
      %get3A_124 = vector.shape_cast %get3A_123 : vector<1x16xf32> to vector<16xf32>
      %mul3A_125 = arith.constant 16 : i32
      %mul3A_126 = arith.muli %scan3A_102, %mul3A_125 : i32
      %get3A_127 = arith.constant 1 : i32
      %get3A_128 = arith.index_cast %get3A_127 : i32 to index
      %get3A_129 = arith.index_cast %mul3A_126 : i32 to index
      %get3A_130 = tpu.vector_load %arg10[%get3A_128, %get3A_129] {strides = array<i32>} : memref<2x1024xf32, #tpu.memory_space<vmem>>, vector<1x16xf32>,
      %get3A_131 = vector.shape_cast %get3A_130 : vector<1x16xf32> to vector<16xf32>
      %mul3A_132 = arith.mulf %get3A_110, %get3A_124 : vector<16xf32>
      %mul3A_133 = arith.mulf %get3A_117, %get3A_131 : vector<16xf32>
      %sub3A = arith.subf %mul3A_132, %mul3A_133 : vector<16xf32>
      %swap3A = arith.constant 1 : i32
      %swap3A_134 = arith.index_cast %swap3A : i32 to index
      %swap3A_135 = arith.index_cast %add3A_106 : i32 to index
      %swap3A_136 = tpu.vector_load %arg8[%swap3A_134, %swap3A_135] {strides = array<i32>} : memref<2x16384xf32, #tpu.memory_space<vmem>>, vector<1x16xf32>,
      %swap3A_137 = vector.shape_cast %swap3A_136 : vector<1x16xf32> to vector<16xf32>
      %swap3A_138 = vector.shape_cast %sub3A : vector<16xf32> to vector<1x16xf32>
      tpu.vector_store %arg8[%swap3A_134, %swap3A_135], %swap3A_138 {strides = array<i32>} : memref<2x16384xf32, #tpu.memory_space<vmem>>, vector<1x16xf32>,
      %mul3A_139 = arith.mulf %get3A_117, %get3A_124 : vector<16xf32>
      %mul3A_140 = arith.mulf %get3A_110, %get3A_131 : vector<16xf32>
      %add3A_141 = arith.addf %mul3A_139, %mul3A_140 : vector<16xf32>
      %add3A_142 = arith.constant 1024 : i32
      %add3A_143 = arith.addi %add3A_106, %add3A_142 : i32
      %swap3A_144 = arith.constant 1 : i32
      %swap3A_145 = arith.index_cast %swap3A_144 : i32 to index
      %swap3A_146 = arith.index_cast %add3A_143 : i32 to index
      %swap3A_147 = tpu.vector_load %arg8[%swap3A_145, %swap3A_146] {strides = array<i32>} : memref<2x16384xf32, #tpu.memory_space<vmem>>, vector<1x16xf32>,
      %swap3A_148 = vector.shape_cast %swap3A_147 : vector<1x16xf32> to vector<16xf32>
      %swap3A_149 = vector.shape_cast %add3A_141 : vector<16xf32> to vector<1x16xf32>
      tpu.vector_store %arg8[%swap3A_145, %swap3A_146], %swap3A_149 {strides = array<i32>} : memref<2x16384xf32, #tpu.memory_space<vmem>>, vector<1x16xf32>,
    }
    %scan3A_81 = arith.constant 64 : i32
    %scan3A_82 = arith.constant 0 : i32
    %scan3A_83 = arith.constant 0 : i32
    %scan3A_84 = arith.constant 64 : i32
    %scan3A_85 = arith.addi %scan3A_83, %scan3A_84 : i32
    %scan3A_86 = arith.constant 1 : i32
    scf.for %scan3A_102 = %scan3A_83 to %scan3A_85 step %scan3A_86  : i32 {
      %mul3A_103 = arith.constant 16 : i32
      %mul3A_104 = arith.muli %scan3A_102, %mul3A_103 : i32
      %add3A_105 = arith.constant 10240 : i32
      %add3A_106 = arith.addi %add3A_105, %mul3A_104 : i32
      %get3A = arith.constant 1 : i32
      %get3A_107 = arith.index_cast %get3A : i32 to index
      %get3A_108 = arith.index_cast %add3A_106 : i32 to index
      %get3A_109 = tpu.vector_load %arg8[%get3A_107, %get3A_108] {strides = array<i32>} : memref<2x16384xf32, #tpu.memory_space<vmem>>, vector<1x16xf32>,
      %get3A_110 = vector.shape_cast %get3A_109 : vector<1x16xf32> to vector<16xf32>
      %add3A_111 = arith.constant 1024 : i32
      %add3A_112 = arith.addi %add3A_106, %add3A_111 : i32
      %get3A_113 = arith.constant 1 : i32
      %get3A_114 = arith.index_cast %get3A_113 : i32 to index
      %get3A_115 = arith.index_cast %add3A_112 : i32 to index
      %get3A_116 = tpu.vector_load %arg8[%get3A_114, %get3A_115] {strides = array<i32>} : memref<2x16384xf32, #tpu.memory_space<vmem>>, vector<1x16xf32>,
      %get3A_117 = vector.shape_cast %get3A_116 : vector<1x16xf32> to vector<16xf32>
      %mul3A_118 = arith.constant 16 : i32
      %mul3A_119 = arith.muli %scan3A_102, %mul3A_118 : i32
      %get3A_120 = arith.constant 1 : i32
      %get3A_121 = arith.index_cast %get3A_120 : i32 to index
      %get3A_122 = arith.index_cast %mul3A_119 : i32 to index
      %get3A_123 = tpu.vector_load %arg9[%get3A_121, %get3A_122] {strides = array<i32>} : memref<2x1024xf32, #tpu.memory_space<vmem>>, vector<1x16xf32>,
      %get3A_124 = vector.shape_cast %get3A_123 : vector<1x16xf32> to vector<16xf32>
      %mul3A_125 = arith.constant 16 : i32
      %mul3A_126 = arith.muli %scan3A_102, %mul3A_125 : i32
      %get3A_127 = arith.constant 1 : i32
      %get3A_128 = arith.index_cast %get3A_127 : i32 to index
      %get3A_129 = arith.index_cast %mul3A_126 : i32 to index
      %get3A_130 = tpu.vector_load %arg10[%get3A_128, %get3A_129] {strides = array<i32>} : memref<2x1024xf32, #tpu.memory_space<vmem>>, vector<1x16xf32>,
      %get3A_131 = vector.shape_cast %get3A_130 : vector<1x16xf32> to vector<16xf32>
      %mul3A_132 = arith.mulf %get3A_110, %get3A_124 : vector<16xf32>
      %mul3A_133 = arith.mulf %get3A_117, %get3A_131 : vector<16xf32>
      %sub3A = arith.subf %mul3A_132, %mul3A_133 : vector<16xf32>
      %swap3A = arith.constant 1 : i32
      %swap3A_134 = arith.index_cast %swap3A : i32 to index
      %swap3A_135 = arith.index_cast %add3A_106 : i32 to index
      %swap3A_136 = tpu.vector_load %arg8[%swap3A_134, %swap3A_135] {strides = array<i32>} : memref<2x16384xf32, #tpu.memory_space<vmem>>, vector<1x16xf32>,
      %swap3A_137 = vector.shape_cast %swap3A_136 : vector<1x16xf32> to vector<16xf32>
      %swap3A_138 = vector.shape_cast %sub3A : vector<16xf32> to vector<1x16xf32>
      tpu.vector_store %arg8[%swap3A_134, %swap3A_135], %swap3A_138 {strides = array<i32>} : memref<2x16384xf32, #tpu.memory_space<vmem>>, vector<1x16xf32>,
      %mul3A_139 = arith.mulf %get3A_117, %get3A_124 : vector<16xf32>
      %mul3A_140 = arith.mulf %get3A_110, %get3A_131 : vector<16xf32>
      %add3A_141 = arith.addf %mul3A_139, %mul3A_140 : vector<16xf32>
      %add3A_142 = arith.constant 1024 : i32
      %add3A_143 = arith.addi %add3A_106, %add3A_142 : i32
      %swap3A_144 = arith.constant 1 : i32
      %swap3A_145 = arith.index_cast %swap3A_144 : i32 to index
      %swap3A_146 = arith.index_cast %add3A_143 : i32 to index
      %swap3A_147 = tpu.vector_load %arg8[%swap3A_145, %swap3A_146] {strides = array<i32>} : memref<2x16384xf32, #tpu.memory_space<vmem>>, vector<1x16xf32>,
      %swap3A_148 = vector.shape_cast %swap3A_147 : vector<1x16xf32> to vector<16xf32>
      %swap3A_149 = vector.shape_cast %add3A_141 : vector<16xf32> to vector<1x16xf32>
      tpu.vector_store %arg8[%swap3A_145, %swap3A_146], %swap3A_149 {strides = array<i32>} : memref<2x16384xf32, #tpu.memory_space<vmem>>, vector<1x16xf32>,
    }
    %scan3A_87 = arith.constant 64 : i32
    %scan3A_88 = arith.constant 0 : i32
    %scan3A_89 = arith.constant 0 : i32
    %scan3A_90 = arith.constant 64 : i32
    %scan3A_91 = arith.addi %scan3A_89, %scan3A_90 : i32
    %scan3A_92 = arith.constant 1 : i32
    scf.for %scan3A_102 = %scan3A_89 to %scan3A_91 step %scan3A_92  : i32 {
      %mul3A_103 = arith.constant 16 : i32
      %mul3A_104 = arith.muli %scan3A_102, %mul3A_103 : i32
      %add3A_105 = arith.constant 12288 : i32
      %add3A_106 = arith.addi %add3A_105, %mul3A_104 : i32
      %get3A = arith.constant 1 : i32
      %get3A_107 = arith.index_cast %get3A : i32 to index
      %get3A_108 = arith.index_cast %add3A_106 : i32 to index
      %get3A_109 = tpu.vector_load %arg8[%get3A_107, %get3A_108] {strides = array<i32>} : memref<2x16384xf32, #tpu.memory_space<vmem>>, vector<1x16xf32>,
      %get3A_110 = vector.shape_cast %get3A_109 : vector<1x16xf32> to vector<16xf32>
      %add3A_111 = arith.constant 1024 : i32
      %add3A_112 = arith.addi %add3A_106, %add3A_111 : i32
      %get3A_113 = arith.constant 1 : i32
      %get3A_114 = arith.index_cast %get3A_113 : i32 to index
      %get3A_115 = arith.index_cast %add3A_112 : i32 to index
      %get3A_116 = tpu.vector_load %arg8[%get3A_114, %get3A_115] {strides = array<i32>} : memref<2x16384xf32, #tpu.memory_space<vmem>>, vector<1x16xf32>,
      %get3A_117 = vector.shape_cast %get3A_116 : vector<1x16xf32> to vector<16xf32>
      %mul3A_118 = arith.constant 16 : i32
      %mul3A_119 = arith.muli %scan3A_102, %mul3A_118 : i32
      %get3A_120 = arith.constant 1 : i32
      %get3A_121 = arith.index_cast %get3A_120 : i32 to index
      %get3A_122 = arith.index_cast %mul3A_119 : i32 to index
      %get3A_123 = tpu.vector_load %arg9[%get3A_121, %get3A_122] {strides = array<i32>} : memref<2x1024xf32, #tpu.memory_space<vmem>>, vector<1x16xf32>,
      %get3A_124 = vector.shape_cast %get3A_123 : vector<1x16xf32> to vector<16xf32>
      %mul3A_125 = arith.constant 16 : i32
      %mul3A_126 = arith.muli %scan3A_102, %mul3A_125 : i32
      %get3A_127 = arith.constant 1 : i32
      %get3A_128 = arith.index_cast %get3A_127 : i32 to index
      %get3A_129 = arith.index_cast %mul3A_126 : i32 to index
      %get3A_130 = tpu.vector_load %arg10[%get3A_128, %get3A_129] {strides = array<i32>} : memref<2x1024xf32, #tpu.memory_space<vmem>>, vector<1x16xf32>,
      %get3A_131 = vector.shape_cast %get3A_130 : vector<1x16xf32> to vector<16xf32>
      %mul3A_132 = arith.mulf %get3A_110, %get3A_124 : vector<16xf32>
      %mul3A_133 = arith.mulf %get3A_117, %get3A_131 : vector<16xf32>
      %sub3A = arith.subf %mul3A_132, %mul3A_133 : vector<16xf32>
      %swap3A = arith.constant 1 : i32
      %swap3A_134 = arith.index_cast %swap3A : i32 to index
      %swap3A_135 = arith.index_cast %add3A_106 : i32 to index
      %swap3A_136 = tpu.vector_load %arg8[%swap3A_134, %swap3A_135] {strides = array<i32>} : memref<2x16384xf32, #tpu.memory_space<vmem>>, vector<1x16xf32>,
      %swap3A_137 = vector.shape_cast %swap3A_136 : vector<1x16xf32> to vector<16xf32>
      %swap3A_138 = vector.shape_cast %sub3A : vector<16xf32> to vector<1x16xf32>
      tpu.vector_store %arg8[%swap3A_134, %swap3A_135], %swap3A_138 {strides = array<i32>} : memref<2x16384xf32, #tpu.memory_space<vmem>>, vector<1x16xf32>,
      %mul3A_139 = arith.mulf %get3A_117, %get3A_124 : vector<16xf32>
      %mul3A_140 = arith.mulf %get3A_110, %get3A_131 : vector<16xf32>
      %add3A_141 = arith.addf %mul3A_139, %mul3A_140 : vector<16xf32>
      %add3A_142 = arith.constant 1024 : i32
      %add3A_143 = arith.addi %add3A_106, %add3A_142 : i32
      %swap3A_144 = arith.constant 1 : i32
      %swap3A_145 = arith.index_cast %swap3A_144 : i32 to index
      %swap3A_146 = arith.index_cast %add3A_143 : i32 to index
      %swap3A_147 = tpu.vector_load %arg8[%swap3A_145, %swap3A_146] {strides = array<i32>} : memref<2x16384xf32, #tpu.memory_space<vmem>>, vector<1x16xf32>,
      %swap3A_148 = vector.shape_cast %swap3A_147 : vector<1x16xf32> to vector<16xf32>
      %swap3A_149 = vector.shape_cast %add3A_141 : vector<16xf32> to vector<1x16xf32>
      tpu.vector_store %arg8[%swap3A_145, %swap3A_146], %swap3A_149 {strides = array<i32>} : memref<2x16384xf32, #tpu.memory_space<vmem>>, vector<1x16xf32>,
    }
    %scan3A_93 = arith.constant 64 : i32
    %scan3A_94 = arith.constant 0 : i32
    %scan3A_95 = arith.constant 0 : i32
    %scan3A_96 = arith.constant 64 : i32
    %scan3A_97 = arith.addi %scan3A_95, %scan3A_96 : i32
    %scan3A_98 = arith.constant 1 : i32
    scf.for %scan3A_102 = %scan3A_95 to %scan3A_97 step %scan3A_98  : i32 {
      %mul3A_103 = arith.constant 16 : i32
      %mul3A_104 = arith.muli %scan3A_102, %mul3A_103 : i32
      %add3A_105 = arith.constant 14336 : i32
      %add3A_106 = arith.addi %add3A_105, %mul3A_104 : i32
      %get3A = arith.constant 1 : i32
      %get3A_107 = arith.index_cast %get3A : i32 to index
      %get3A_108 = arith.index_cast %add3A_106 : i32 to index
      %get3A_109 = tpu.vector_load %arg8[%get3A_107, %get3A_108] {strides = array<i32>} : memref<2x16384xf32, #tpu.memory_space<vmem>>, vector<1x16xf32>,
      %get3A_110 = vector.shape_cast %get3A_109 : vector<1x16xf32> to vector<16xf32>
      %add3A_111 = arith.constant 1024 : i32
      %add3A_112 = arith.addi %add3A_106, %add3A_111 : i32
      %get3A_113 = arith.constant 1 : i32
      %get3A_114 = arith.index_cast %get3A_113 : i32 to index
      %get3A_115 = arith.index_cast %add3A_112 : i32 to index
      %get3A_116 = tpu.vector_load %arg8[%get3A_114, %get3A_115] {strides = array<i32>} : memref<2x16384xf32, #tpu.memory_space<vmem>>, vector<1x16xf32>,
      %get3A_117 = vector.shape_cast %get3A_116 : vector<1x16xf32> to vector<16xf32>
      %mul3A_118 = arith.constant 16 : i32
      %mul3A_119 = arith.muli %scan3A_102, %mul3A_118 : i32
      %get3A_120 = arith.constant 1 : i32
      %get3A_121 = arith.index_cast %get3A_120 : i32 to index
      %get3A_122 = arith.index_cast %mul3A_119 : i32 to index
      %get3A_123 = tpu.vector_load %arg9[%get3A_121, %get3A_122] {strides = array<i32>} : memref<2x1024xf32, #tpu.memory_space<vmem>>, vector<1x16xf32>,
      %get3A_124 = vector.shape_cast %get3A_123 : vector<1x16xf32> to vector<16xf32>
      %mul3A_125 = arith.constant 16 : i32
      %mul3A_126 = arith.muli %scan3A_102, %mul3A_125 : i32
      %get3A_127 = arith.constant 1 : i32
      %get3A_128 = arith.index_cast %get3A_127 : i32 to index
      %get3A_129 = arith.index_cast %mul3A_126 : i32 to index
      %get3A_130 = tpu.vector_load %arg10[%get3A_128, %get3A_129] {strides = array<i32>} : memref<2x1024xf32, #tpu.memory_space<vmem>>, vector<1x16xf32>,
      %get3A_131 = vector.shape_cast %get3A_130 : vector<1x16xf32> to vector<16xf32>
      %mul3A_132 = arith.mulf %get3A_110, %get3A_124 : vector<16xf32>
      %mul3A_133 = arith.mulf %get3A_117, %get3A_131 : vector<16xf32>
      %sub3A = arith.subf %mul3A_132, %mul3A_133 : vector<16xf32>
      %swap3A = arith.constant 1 : i32
      %swap3A_134 = arith.index_cast %swap3A : i32 to index
      %swap3A_135 = arith.index_cast %add3A_106 : i32 to index
      %swap3A_136 = tpu.vector_load %arg8[%swap3A_134, %swap3A_135] {strides = array<i32>} : memref<2x16384xf32, #tpu.memory_space<vmem>>, vector<1x16xf32>,
      %swap3A_137 = vector.shape_cast %swap3A_136 : vector<1x16xf32> to vector<16xf32>
      %swap3A_138 = vector.shape_cast %sub3A : vector<16xf32> to vector<1x16xf32>
      tpu.vector_store %arg8[%swap3A_134, %swap3A_135], %swap3A_138 {strides = array<i32>} : memref<2x16384xf32, #tpu.memory_space<vmem>>, vector<1x16xf32>,
      %mul3A_139 = arith.mulf %get3A_117, %get3A_124 : vector<16xf32>
      %mul3A_140 = arith.mulf %get3A_110, %get3A_131 : vector<16xf32>
      %add3A_141 = arith.addf %mul3A_139, %mul3A_140 : vector<16xf32>
      %add3A_142 = arith.constant 1024 : i32
      %add3A_143 = arith.addi %add3A_106, %add3A_142 : i32
      %swap3A_144 = arith.constant 1 : i32
      %swap3A_145 = arith.index_cast %swap3A_144 : i32 to index
      %swap3A_146 = arith.index_cast %add3A_143 : i32 to index
      %swap3A_147 = tpu.vector_load %arg8[%swap3A_145, %swap3A_146] {strides = array<i32>} : memref<2x16384xf32, #tpu.memory_space<vmem>>, vector<1x16xf32>,
      %swap3A_148 = vector.shape_cast %swap3A_147 : vector<1x16xf32> to vector<16xf32>
      %swap3A_149 = vector.shape_cast %add3A_141 : vector<16xf32> to vector<1x16xf32>
      tpu.vector_store %arg8[%swap3A_145, %swap3A_146], %swap3A_149 {strides = array<i32>} : memref<2x16384xf32, #tpu.memory_space<vmem>>, vector<1x16xf32>,
    }
    %scan3A_99 = arith.constant 64 : i32
    %mul3A_100 = arith.constant 2 : i32
    %mul3A_101 = arith.muli %add3A, %mul3A_100 : i32
    "tpu.region"() ({
      %run_scoped3A = tpu.sem_alloc : memref<!tpu.dma_semaphore, #tpu.memory_space<semaphore_mem>>
      %dma_start3A_102 = arith.constant 0 : i32
      %dma_start3A_103 = tpu.memref_slice %arg6[%mul3A_101, %dma_start3A_102] : memref<64x16384xf32, #tpu.memory_space<hbm>> -> memref<2x16384xf32, #tpu.memory_space<hbm>>
      %dma_start3A_104 = arith.constant 0 : i32
      %dma_start3A_105 = tpu.memref_slice %arg6[%mul3A_101, %dma_start3A_104] : memref<64x16384xf32, #tpu.memory_space<hbm>> -> memref<2x16384xf32, #tpu.memory_space<hbm>>
      tpu.enqueue_dma source(%arg8 : memref<2x16384xf32, #tpu.memory_space<vmem>>) target(%dma_start3A_105 : memref<2x16384xf32, #tpu.memory_space<hbm>>) target_semaphore(%run_scoped3A : memref<!tpu.dma_semaphore, #tpu.memory_space<semaphore_mem>>)
      %dma_wait3A_106 = arith.constant 0 : i32
      %dma_wait3A_107 = tpu.memref_slice %arg6[%mul3A_101, %dma_wait3A_106] : memref<64x16384xf32, #tpu.memory_space<hbm>> -> memref<2x16384xf32, #tpu.memory_space<hbm>>
      %dma_wait3A_108 = arith.constant 0 : i32
      %dma_wait3A_109 = tpu.memref_slice %arg6[%mul3A_101, %dma_wait3A_108] : memref<64x16384xf32, #tpu.memory_space<hbm>> -> memref<2x16384xf32, #tpu.memory_space<hbm>>
      tpu.wait_dma2 semaphore(%run_scoped3A : memref<!tpu.dma_semaphore, #tpu.memory_space<semaphore_mem>>) src(%arg8 : memref<2x16384xf32, #tpu.memory_space<vmem>>) dst(%dma_wait3A_109 : memref<2x16384xf32, #tpu.memory_space<hbm>>)
      tpu.yield
    }) : () -> ()
    return
  }
}

module attributes {stable_mosaic.version = 14 : i64} {
  func.func @_tab_kernel(%arg0: memref<64x1xi32, #tpu.memory_space<vmem>>, %arg1: memref<1x64xi32, #tpu.memory_space<vmem>>, %arg2: memref<1x64xi32, #tpu.memory_space<vmem>>, %arg3: memref<64x1024xf32, #tpu.memory_space<vmem>>, %arg4: memref<64x1024xf32, #tpu.memory_space<vmem>>) attributes {dimension_semantics = [], scalar_prefetch = 0 : i64, scratch_operands = 0 : i64, tpu.core_type = #tpu.core_type<tc>} {
    %get3A = arith.constant 0 : index
    %get3A_0 = arith.constant 0 : index
    %get3A_1 = vector.load %arg0[%get3A, %get3A_0] : memref<64x1xi32, #tpu.memory_space<vmem>>, vector<64x1xi32>
    %get3A_2 = arith.constant 0 : index
    %get3A_3 = arith.constant 0 : index
    %get3A_4 = vector.load %arg1[%get3A_2, %get3A_3] : memref<1x64xi32, #tpu.memory_space<vmem>>, vector<1x64xi32>
    %eq3A = vector.broadcast %get3A_1 : vector<64x1xi32> to vector<64x64xi32>
    %eq3A_5 = vector.broadcast %get3A_4 : vector<1x64xi32> to vector<64x64xi32>
    %eq3A_6 = arith.cmpi eq, %eq3A, %eq3A_5 : vector<64x64xi32>
    %get3A_7 = arith.constant 0 : index
    %get3A_8 = arith.constant 0 : index
    %get3A_9 = vector.load %arg2[%get3A_7, %get3A_8] : memref<1x64xi32, #tpu.memory_space<vmem>>, vector<1x64xi32>
    %convert_element_type3A = arith.sitofp %get3A_9 : vector<1x64xi32> to vector<1x64xf32>
    %sub3A = arith.constant 4.096000e+03 : f32
    %sub3A_10 = vector.broadcast %sub3A : f32 to vector<1x64xf32>
    %sub3A_11 = arith.subf %convert_element_type3A, %sub3A_10 : vector<1x64xf32>
    %max3A = arith.constant 0.000000e+00 : f32
    %max3A_12 = vector.broadcast %max3A : f32 to vector<1x64xf32>
    %max3A_13 = arith.maximumf %sub3A_11, %max3A_12 : vector<1x64xf32>
    %convert_element_type3A_14 = arith.fptosi %max3A_13 : vector<1x64xf32> to vector<1x64xi32>
    %convert_element_type3A_15 = arith.sitofp %convert_element_type3A_14 : vector<1x64xi32> to vector<1x64xf32>
    %jit3A = arith.constant 0.000000e+00 : f32
    %broadcast_in_dim3A = vector.shape_cast %convert_element_type3A_15 : vector<1x64xf32> to vector<1x64xf32>
    %broadcast_in_dim3A_16 = vector.broadcast %broadcast_in_dim3A : vector<1x64xf32> to vector<64x64xf32>
    %broadcast_in_dim3A_17 = vector.broadcast %jit3A : f32 to vector<64x64xf32>
    %select_n3A = arith.select %eq3A_6, %broadcast_in_dim3A_16, %broadcast_in_dim3A_17 : vector<64x64xi1>, vector<64x64xf32>
    %reduce_sum3A = arith.constant dense<0.000000e+00> : vector<64xf32>
    %reduce_sum3A_18 = vector.multi_reduction <add>, %select_n3A, %reduce_sum3A [1] : vector<64x64xf32> to vector<64xf32>
    %broadcast_in_dim3A_19 = vector.shape_cast %reduce_sum3A_18 : vector<64xf32> to vector<64x1xf32>
    %iota3A = tpu.iota {dimensions = array<i32: 1>} : vector<64x1024xi32>
    %jit3A_20 = arith.constant 128 : i32
    %div3A = vector.broadcast %jit3A_20 : i32 to vector<64x1024xi32>
    %div3A_21 = arith.divsi %iota3A, %div3A : vector<64x1024xi32>
    %sign3A = arith.constant 0 : i32
    %sign3A_22 = vector.broadcast %sign3A : i32 to vector<64x1024xi32>
    %sign3A_23 = arith.cmpi sgt, %iota3A, %sign3A_22 : vector<64x1024xi32>
    %sign3A_24 = arith.extui %sign3A_23 : vector<64x1024xi1> to vector<64x1024xi32>
    %sign3A_25 = arith.constant 0 : i32
    %sign3A_26 = vector.broadcast %sign3A_25 : i32 to vector<64x1024xi32>
    %sign3A_27 = arith.cmpi slt, %iota3A, %sign3A_26 : vector<64x1024xi32>
    %sign3A_28 = arith.extui %sign3A_27 : vector<64x1024xi1> to vector<64x1024xi32>
    %sign3A_29 = arith.subi %sign3A_24, %sign3A_28 : vector<64x1024xi32>
    %sign3A_30 = arith.constant 0 : i32
    %sign3A_31 = arith.cmpi sgt, %jit3A_20, %sign3A_30 : i32
    %sign3A_32 = arith.extui %sign3A_31 : i1 to i32
    %sign3A_33 = arith.constant 0 : i32
    %sign3A_34 = arith.cmpi slt, %jit3A_20, %sign3A_33 : i32
    %sign3A_35 = arith.extui %sign3A_34 : i1 to i32
    %sign3A_36 = arith.subi %sign3A_32, %sign3A_35 : i32
    %ne3A = vector.broadcast %sign3A_36 : i32 to vector<64x1024xi32>
    %ne3A_37 = arith.cmpi ne, %sign3A_29, %ne3A : vector<64x1024xi32>
    %rem3A = vector.broadcast %jit3A_20 : i32 to vector<64x1024xi32>
    %rem3A_38 = arith.remsi %iota3A, %rem3A : vector<64x1024xi32>
    %ne3A_39 = arith.constant 0 : i32
    %ne3A_40 = vector.broadcast %ne3A_39 : i32 to vector<64x1024xi32>
    %ne3A_41 = arith.cmpi ne, %rem3A_38, %ne3A_40 : vector<64x1024xi32>
    %and3A = arith.andi %ne3A_37, %ne3A_41 : vector<64x1024xi1>
    %sub3A_42 = arith.constant 1 : i32
    %sub3A_43 = vector.broadcast %sub3A_42 : i32 to vector<64x1024xi32>
    %sub3A_44 = arith.subi %div3A_21, %sub3A_43 : vector<64x1024xi32>
    %select_n3A_45 = arith.select %and3A, %sub3A_44, %div3A_21 : vector<64x1024xi1>, vector<64x1024xi32>
    %mul3A = arith.constant 8 : i32
    %mul3A_46 = vector.broadcast %mul3A : i32 to vector<64x1024xi32>
    %mul3A_47 = arith.muli %select_n3A_45, %mul3A_46 : vector<64x1024xi32>
    %jit3A_48 = arith.constant 8 : i32
    %eq3A_49 = arith.constant 0 : i32
    %eq3A_50 = arith.cmpi eq, %jit3A_48, %eq3A_49 : i32
    %jit3A_51 = arith.constant 1 : i32
    %select_n3A_52 = arith.select %eq3A_50, %jit3A_51, %jit3A_48 : i32
    %rem3A_53 = vector.broadcast %select_n3A_52 : i32 to vector<64x1024xi32>
    %rem3A_54 = arith.remsi %iota3A, %rem3A_53 : vector<64x1024xi32>
    %ne3A_55 = arith.constant 0 : i32
    %ne3A_56 = vector.broadcast %ne3A_55 : i32 to vector<64x1024xi32>
    %ne3A_57 = arith.cmpi ne, %rem3A_54, %ne3A_56 : vector<64x1024xi32>
    %lt3A = arith.constant 0 : i32
    %lt3A_58 = vector.broadcast %lt3A : i32 to vector<64x1024xi32>
    %lt3A_59 = arith.cmpi slt, %rem3A_54, %lt3A_58 : vector<64x1024xi32>
    %lt3A_60 = arith.constant 0 : i32
    %lt3A_61 = arith.cmpi slt, %select_n3A_52, %lt3A_60 : i32
    %ne3A_62 = vector.broadcast %lt3A_61 : i1 to vector<64x1024xi1>
    %ne3A_63 = vector.broadcast %ne3A_62 : vector<64x1024xi1> to vector<64x1024xi1>
    %ne3A_64 = arith.xori %lt3A_59, %ne3A_63 : vector<64x1024xi1>
    %and3A_65 = arith.andi %ne3A_64, %ne3A_57 : vector<64x1024xi1>
    %add3A = vector.broadcast %select_n3A_52 : i32 to vector<64x1024xi32>
    %add3A_66 = arith.addi %rem3A_54, %add3A : vector<64x1024xi32>
    %select_n3A_67 = arith.select %and3A_65, %add3A_66, %rem3A_54 : vector<64x1024xi1>, vector<64x1024xi32>
    %add3A_68 = arith.addi %mul3A_47, %select_n3A_67 : vector<64x1024xi32>
    %convert_element_type3A_69 = arith.sitofp %add3A_68 : vector<64x1024xi32> to vector<64x1024xf32>
    %mul3A_70 = arith.constant 2.000000e+00 : f32
    %mul3A_71 = vector.broadcast %mul3A_70 : f32 to vector<64x1024xf32>
    %mul3A_72 = arith.mulf %convert_element_type3A_69, %mul3A_71 : vector<64x1024xf32>
    %div3A_73 = arith.constant 1.280000e+02 : f32
    %div3A_74 = vector.broadcast %div3A_73 : f32 to vector<64x1024xf32>
    %div3A_75 = arith.divf %mul3A_72, %div3A_74 : vector<64x1024xf32>
    %pow3A = arith.constant 1.000000e+04 : f32
    %pow3A_76 = vector.broadcast %pow3A : f32 to vector<64x1024xf32>
    %pow3A_77 = math.powf %pow3A_76, %div3A_75 : vector<64x1024xf32>
    %div3A_78 = arith.constant 1.000000e+00 : f32
    %div3A_79 = vector.broadcast %div3A_78 : f32 to vector<64x1024xf32>
    %div3A_80 = arith.divf %div3A_79, %pow3A_77 : vector<64x1024xf32>
    %mul3A_81 = vector.broadcast %broadcast_in_dim3A_19 : vector<64x1xf32> to vector<64x1024xf32>
    %mul3A_82 = arith.mulf %mul3A_81, %div3A_80 : vector<64x1024xf32>
    %cos3A = math.cos %mul3A_82 : vector<64x1024xf32>
    %swap3A = arith.constant 0 : index
    %swap3A_83 = arith.constant 0 : index
    %swap3A_84 = vector.load %arg3[%swap3A, %swap3A_83] : memref<64x1024xf32, #tpu.memory_space<vmem>>, vector<64x1024xf32>
    tpu.vector_store %arg3[%swap3A, %swap3A_83], %cos3A {strides = array<i32>} : memref<64x1024xf32, #tpu.memory_space<vmem>>, vector<64x1024xf32>,
    %sin3A = math.sin %mul3A_82 : vector<64x1024xf32>
    %swap3A_85 = arith.constant 0 : index
    %swap3A_86 = arith.constant 0 : index
    %swap3A_87 = vector.load %arg4[%swap3A_85, %swap3A_86] : memref<64x1024xf32, #tpu.memory_space<vmem>>, vector<64x1024xf32>
    tpu.vector_store %arg4[%swap3A_85, %swap3A_86], %sin3A {strides = array<i32>} : memref<64x1024xf32, #tpu.memory_space<vmem>>, vector<64x1024xf32>,
    return
  }
}

module attributes {stable_mosaic.version = 14 : i64} {
  func.func @_copy_sub_kernel(%arg0: i32, %arg1: memref<64xi32, #tpu.memory_space<smem>>, %arg2: memref<64x16384xf32, #tpu.memory_space<vmem>>, %arg3: memref<128x16384xf32, #tpu.memory_space<vmem>>, %arg4: memref<128x16384xf32, #tpu.memory_space<vmem>>) attributes {dimension_semantics = [#tpu.dimension_semantics<arbitrary>], iteration_bounds = array<i64: 16>, scalar_prefetch = 0 : i64, scratch_operands = 0 : i64, tpu.core_type = #tpu.core_type<tc>, window_params = [{transform_indices = @transform_0, window_bounds = array<i64: 64>}, {pipeline_mode = #tpu.pipeline_mode<synchronous>, transform_indices = @transform_1, window_bounds = array<i64: 64, 16384>}, {transform_indices = @transform_2, window_bounds = array<i64: 128, 16384>}, {transform_indices = @transform_3, window_bounds = array<i64: 128, 16384>}]} {
    %mul3A = arith.constant 128 : i32
    %mul3A_0 = arith.muli %arg0, %mul3A : i32
    %get3A = arith.constant 0 : index
    %get3A_1 = arith.constant 0 : index
    %get3A_2 = vector.load %arg3[%get3A, %get3A_1] : memref<128x16384xf32, #tpu.memory_space<vmem>>, vector<128x16384xf32>
    %swap3A = arith.constant 0 : index
    %swap3A_3 = arith.constant 0 : index
    %swap3A_4 = vector.load %arg4[%swap3A, %swap3A_3] : memref<128x16384xf32, #tpu.memory_space<vmem>>, vector<128x16384xf32>
    tpu.vector_store %arg4[%swap3A, %swap3A_3], %get3A_2 {strides = array<i32>} : memref<128x16384xf32, #tpu.memory_space<vmem>>, vector<128x16384xf32>,
    %get3A_5 = arith.constant 0 : index
    %get3A_6 = memref.load %arg1[%get3A_5] : memref<64xi32, #tpu.memory_space<smem>>
    %sub3A = arith.subi %get3A_6, %mul3A_0 : i32
    %ge3A = arith.constant 0 : i32
    %ge3A_7 = arith.cmpi sge, %sub3A, %ge3A : i32
    %lt3A = arith.constant 128 : i32
    %lt3A_8 = arith.cmpi slt, %sub3A, %lt3A : i32
    %and3A = arith.andi %ge3A_7, %lt3A_8 : i1
    %convert_element_type3A = arith.extui %and3A : i1 to i32
    %cond3A = arith.constant 0 : i32
    %cond3A_9 = arith.cmpi ne, %convert_element_type3A, %cond3A : i32
    scf.if %cond3A_9 {
      %get3A_703 = arith.constant 0 : index
      %get3A_704 = arith.constant 0 : index
      %get3A_705 = vector.load %arg2[%get3A_703, %get3A_704] : memref<64x16384xf32, #tpu.memory_space<vmem>>, vector<1x16384xf32>
      %swap3A_706 = arith.index_cast %sub3A : i32 to index
      %swap3A_707 = arith.constant 0 : index
      %swap3A_708 = vector.load %arg4[%swap3A_706, %swap3A_707] : memref<128x16384xf32, #tpu.memory_space<vmem>>, vector<1x16384xf32>
      tpu.vector_store %arg4[%swap3A_706, %swap3A_707], %get3A_705 {strides = array<i32>} : memref<128x16384xf32, #tpu.memory_space<vmem>>, vector<1x16384xf32>,
    } else {
    }
    %get3A_10 = arith.constant 1 : index
    %get3A_11 = memref.load %arg1[%get3A_10] : memref<64xi32, #tpu.memory_space<smem>>
    %sub3A_12 = arith.subi %get3A_11, %mul3A_0 : i32
    %ge3A_13 = arith.constant 0 : i32
    %ge3A_14 = arith.cmpi sge, %sub3A_12, %ge3A_13 : i32
    %lt3A_15 = arith.constant 128 : i32
    %lt3A_16 = arith.cmpi slt, %sub3A_12, %lt3A_15 : i32
    %and3A_17 = arith.andi %ge3A_14, %lt3A_16 : i1
    %convert_element_type3A_18 = arith.extui %and3A_17 : i1 to i32
    %cond3A_19 = arith.constant 0 : i32
    %cond3A_20 = arith.cmpi ne, %convert_element_type3A_18, %cond3A_19 : i32
    scf.if %cond3A_20 {
      %get3A_703 = arith.constant 1 : index
      %get3A_704 = arith.constant 0 : index
      %get3A_705 = vector.load %arg2[%get3A_703, %get3A_704] : memref<64x16384xf32, #tpu.memory_space<vmem>>, vector<1x16384xf32>
      %swap3A_706 = arith.index_cast %sub3A_12 : i32 to index
      %swap3A_707 = arith.constant 0 : index
      %swap3A_708 = vector.load %arg4[%swap3A_706, %swap3A_707] : memref<128x16384xf32, #tpu.memory_space<vmem>>, vector<1x16384xf32>
      tpu.vector_store %arg4[%swap3A_706, %swap3A_707], %get3A_705 {strides = array<i32>} : memref<128x16384xf32, #tpu.memory_space<vmem>>, vector<1x16384xf32>,
    } else {
    }
    %get3A_21 = arith.constant 2 : index
    %get3A_22 = memref.load %arg1[%get3A_21] : memref<64xi32, #tpu.memory_space<smem>>
    %sub3A_23 = arith.subi %get3A_22, %mul3A_0 : i32
    %ge3A_24 = arith.constant 0 : i32
    %ge3A_25 = arith.cmpi sge, %sub3A_23, %ge3A_24 : i32
    %lt3A_26 = arith.constant 128 : i32
    %lt3A_27 = arith.cmpi slt, %sub3A_23, %lt3A_26 : i32
    %and3A_28 = arith.andi %ge3A_25, %lt3A_27 : i1
    %convert_element_type3A_29 = arith.extui %and3A_28 : i1 to i32
    %cond3A_30 = arith.constant 0 : i32
    %cond3A_31 = arith.cmpi ne, %convert_element_type3A_29, %cond3A_30 : i32
    scf.if %cond3A_31 {
      %get3A_703 = arith.constant 2 : index
      %get3A_704 = arith.constant 0 : index
      %get3A_705 = vector.load %arg2[%get3A_703, %get3A_704] : memref<64x16384xf32, #tpu.memory_space<vmem>>, vector<1x16384xf32>
      %swap3A_706 = arith.index_cast %sub3A_23 : i32 to index
      %swap3A_707 = arith.constant 0 : index
      %swap3A_708 = vector.load %arg4[%swap3A_706, %swap3A_707] : memref<128x16384xf32, #tpu.memory_space<vmem>>, vector<1x16384xf32>
      tpu.vector_store %arg4[%swap3A_706, %swap3A_707], %get3A_705 {strides = array<i32>} : memref<128x16384xf32, #tpu.memory_space<vmem>>, vector<1x16384xf32>,
    } else {
    }
    %get3A_32 = arith.constant 3 : index
    %get3A_33 = memref.load %arg1[%get3A_32] : memref<64xi32, #tpu.memory_space<smem>>
    %sub3A_34 = arith.subi %get3A_33, %mul3A_0 : i32
    %ge3A_35 = arith.constant 0 : i32
    %ge3A_36 = arith.cmpi sge, %sub3A_34, %ge3A_35 : i32
    %lt3A_37 = arith.constant 128 : i32
    %lt3A_38 = arith.cmpi slt, %sub3A_34, %lt3A_37 : i32
    %and3A_39 = arith.andi %ge3A_36, %lt3A_38 : i1
    %convert_element_type3A_40 = arith.extui %and3A_39 : i1 to i32
    %cond3A_41 = arith.constant 0 : i32
    %cond3A_42 = arith.cmpi ne, %convert_element_type3A_40, %cond3A_41 : i32
    scf.if %cond3A_42 {
      %get3A_703 = arith.constant 3 : index
      %get3A_704 = arith.constant 0 : index
      %get3A_705 = vector.load %arg2[%get3A_703, %get3A_704] : memref<64x16384xf32, #tpu.memory_space<vmem>>, vector<1x16384xf32>
      %swap3A_706 = arith.index_cast %sub3A_34 : i32 to index
      %swap3A_707 = arith.constant 0 : index
      %swap3A_708 = vector.load %arg4[%swap3A_706, %swap3A_707] : memref<128x16384xf32, #tpu.memory_space<vmem>>, vector<1x16384xf32>
      tpu.vector_store %arg4[%swap3A_706, %swap3A_707], %get3A_705 {strides = array<i32>} : memref<128x16384xf32, #tpu.memory_space<vmem>>, vector<1x16384xf32>,
    } else {
    }
    %get3A_43 = arith.constant 4 : index
    %get3A_44 = memref.load %arg1[%get3A_43] : memref<64xi32, #tpu.memory_space<smem>>
    %sub3A_45 = arith.subi %get3A_44, %mul3A_0 : i32
    %ge3A_46 = arith.constant 0 : i32
    %ge3A_47 = arith.cmpi sge, %sub3A_45, %ge3A_46 : i32
    %lt3A_48 = arith.constant 128 : i32
    %lt3A_49 = arith.cmpi slt, %sub3A_45, %lt3A_48 : i32
    %and3A_50 = arith.andi %ge3A_47, %lt3A_49 : i1
    %convert_element_type3A_51 = arith.extui %and3A_50 : i1 to i32
    %cond3A_52 = arith.constant 0 : i32
    %cond3A_53 = arith.cmpi ne, %convert_element_type3A_51, %cond3A_52 : i32
    scf.if %cond3A_53 {
      %get3A_703 = arith.constant 4 : index
      %get3A_704 = arith.constant 0 : index
      %get3A_705 = vector.load %arg2[%get3A_703, %get3A_704] : memref<64x16384xf32, #tpu.memory_space<vmem>>, vector<1x16384xf32>
      %swap3A_706 = arith.index_cast %sub3A_45 : i32 to index
      %swap3A_707 = arith.constant 0 : index
      %swap3A_708 = vector.load %arg4[%swap3A_706, %swap3A_707] : memref<128x16384xf32, #tpu.memory_space<vmem>>, vector<1x16384xf32>
      tpu.vector_store %arg4[%swap3A_706, %swap3A_707], %get3A_705 {strides = array<i32>} : memref<128x16384xf32, #tpu.memory_space<vmem>>, vector<1x16384xf32>,
    } else {
    }
    %get3A_54 = arith.constant 5 : index
    %get3A_55 = memref.load %arg1[%get3A_54] : memref<64xi32, #tpu.memory_space<smem>>
    %sub3A_56 = arith.subi %get3A_55, %mul3A_0 : i32
    %ge3A_57 = arith.constant 0 : i32
    %ge3A_58 = arith.cmpi sge, %sub3A_56, %ge3A_57 : i32
    %lt3A_59 = arith.constant 128 : i32
    %lt3A_60 = arith.cmpi slt, %sub3A_56, %lt3A_59 : i32
    %and3A_61 = arith.andi %ge3A_58, %lt3A_60 : i1
    %convert_element_type3A_62 = arith.extui %and3A_61 : i1 to i32
    %cond3A_63 = arith.constant 0 : i32
    %cond3A_64 = arith.cmpi ne, %convert_element_type3A_62, %cond3A_63 : i32
    scf.if %cond3A_64 {
      %get3A_703 = arith.constant 5 : index
      %get3A_704 = arith.constant 0 : index
      %get3A_705 = vector.load %arg2[%get3A_703, %get3A_704] : memref<64x16384xf32, #tpu.memory_space<vmem>>, vector<1x16384xf32>
      %swap3A_706 = arith.index_cast %sub3A_56 : i32 to index
      %swap3A_707 = arith.constant 0 : index
      %swap3A_708 = vector.load %arg4[%swap3A_706, %swap3A_707] : memref<128x16384xf32, #tpu.memory_space<vmem>>, vector<1x16384xf32>
      tpu.vector_store %arg4[%swap3A_706, %swap3A_707], %get3A_705 {strides = array<i32>} : memref<128x16384xf32, #tpu.memory_space<vmem>>, vector<1x16384xf32>,
    } else {
    }
    %get3A_65 = arith.constant 6 : index
    %get3A_66 = memref.load %arg1[%get3A_65] : memref<64xi32, #tpu.memory_space<smem>>
    %sub3A_67 = arith.subi %get3A_66, %mul3A_0 : i32
    %ge3A_68 = arith.constant 0 : i32
    %ge3A_69 = arith.cmpi sge, %sub3A_67, %ge3A_68 : i32
    %lt3A_70 = arith.constant 128 : i32
    %lt3A_71 = arith.cmpi slt, %sub3A_67, %lt3A_70 : i32
    %and3A_72 = arith.andi %ge3A_69, %lt3A_71 : i1
    %convert_element_type3A_73 = arith.extui %and3A_72 : i1 to i32
    %cond3A_74 = arith.constant 0 : i32
    %cond3A_75 = arith.cmpi ne, %convert_element_type3A_73, %cond3A_74 : i32
    scf.if %cond3A_75 {
      %get3A_703 = arith.constant 6 : index
      %get3A_704 = arith.constant 0 : index
      %get3A_705 = vector.load %arg2[%get3A_703, %get3A_704] : memref<64x16384xf32, #tpu.memory_space<vmem>>, vector<1x16384xf32>
      %swap3A_706 = arith.index_cast %sub3A_67 : i32 to index
      %swap3A_707 = arith.constant 0 : index
      %swap3A_708 = vector.load %arg4[%swap3A_706, %swap3A_707] : memref<128x16384xf32, #tpu.memory_space<vmem>>, vector<1x16384xf32>
      tpu.vector_store %arg4[%swap3A_706, %swap3A_707], %get3A_705 {strides = array<i32>} : memref<128x16384xf32, #tpu.memory_space<vmem>>, vector<1x16384xf32>,
    } else {
    }
    %get3A_76 = arith.constant 7 : index
    %get3A_77 = memref.load %arg1[%get3A_76] : memref<64xi32, #tpu.memory_space<smem>>
    %sub3A_78 = arith.subi %get3A_77, %mul3A_0 : i32
    %ge3A_79 = arith.constant 0 : i32
    %ge3A_80 = arith.cmpi sge, %sub3A_78, %ge3A_79 : i32
    %lt3A_81 = arith.constant 128 : i32
    %lt3A_82 = arith.cmpi slt, %sub3A_78, %lt3A_81 : i32
    %and3A_83 = arith.andi %ge3A_80, %lt3A_82 : i1
    %convert_element_type3A_84 = arith.extui %and3A_83 : i1 to i32
    %cond3A_85 = arith.constant 0 : i32
    %cond3A_86 = arith.cmpi ne, %convert_element_type3A_84, %cond3A_85 : i32
    scf.if %cond3A_86 {
      %get3A_703 = arith.constant 7 : index
      %get3A_704 = arith.constant 0 : index
      %get3A_705 = vector.load %arg2[%get3A_703, %get3A_704] : memref<64x16384xf32, #tpu.memory_space<vmem>>, vector<1x16384xf32>
      %swap3A_706 = arith.index_cast %sub3A_78 : i32 to index
      %swap3A_707 = arith.constant 0 : index
      %swap3A_708 = vector.load %arg4[%swap3A_706, %swap3A_707] : memref<128x16384xf32, #tpu.memory_space<vmem>>, vector<1x16384xf32>
      tpu.vector_store %arg4[%swap3A_706, %swap3A_707], %get3A_705 {strides = array<i32>} : memref<128x16384xf32, #tpu.memory_space<vmem>>, vector<1x16384xf32>,
    } else {
    }
    %get3A_87 = arith.constant 8 : index
    %get3A_88 = memref.load %arg1[%get3A_87] : memref<64xi32, #tpu.memory_space<smem>>
    %sub3A_89 = arith.subi %get3A_88, %mul3A_0 : i32
    %ge3A_90 = arith.constant 0 : i32
    %ge3A_91 = arith.cmpi sge, %sub3A_89, %ge3A_90 : i32
    %lt3A_92 = arith.constant 128 : i32
    %lt3A_93 = arith.cmpi slt, %sub3A_89, %lt3A_92 : i32
    %and3A_94 = arith.andi %ge3A_91, %lt3A_93 : i1
    %convert_element_type3A_95 = arith.extui %and3A_94 : i1 to i32
    %cond3A_96 = arith.constant 0 : i32
    %cond3A_97 = arith.cmpi ne, %convert_element_type3A_95, %cond3A_96 : i32
    scf.if %cond3A_97 {
      %get3A_703 = arith.constant 8 : index
      %get3A_704 = arith.constant 0 : index
      %get3A_705 = vector.load %arg2[%get3A_703, %get3A_704] : memref<64x16384xf32, #tpu.memory_space<vmem>>, vector<1x16384xf32>
      %swap3A_706 = arith.index_cast %sub3A_89 : i32 to index
      %swap3A_707 = arith.constant 0 : index
      %swap3A_708 = vector.load %arg4[%swap3A_706, %swap3A_707] : memref<128x16384xf32, #tpu.memory_space<vmem>>, vector<1x16384xf32>
      tpu.vector_store %arg4[%swap3A_706, %swap3A_707], %get3A_705 {strides = array<i32>} : memref<128x16384xf32, #tpu.memory_space<vmem>>, vector<1x16384xf32>,
    } else {
    }
    %get3A_98 = arith.constant 9 : index
    %get3A_99 = memref.load %arg1[%get3A_98] : memref<64xi32, #tpu.memory_space<smem>>
    %sub3A_100 = arith.subi %get3A_99, %mul3A_0 : i32
    %ge3A_101 = arith.constant 0 : i32
    %ge3A_102 = arith.cmpi sge, %sub3A_100, %ge3A_101 : i32
    %lt3A_103 = arith.constant 128 : i32
    %lt3A_104 = arith.cmpi slt, %sub3A_100, %lt3A_103 : i32
    %and3A_105 = arith.andi %ge3A_102, %lt3A_104 : i1
    %convert_element_type3A_106 = arith.extui %and3A_105 : i1 to i32
    %cond3A_107 = arith.constant 0 : i32
    %cond3A_108 = arith.cmpi ne, %convert_element_type3A_106, %cond3A_107 : i32
    scf.if %cond3A_108 {
      %get3A_703 = arith.constant 9 : index
      %get3A_704 = arith.constant 0 : index
      %get3A_705 = vector.load %arg2[%get3A_703, %get3A_704] : memref<64x16384xf32, #tpu.memory_space<vmem>>, vector<1x16384xf32>
      %swap3A_706 = arith.index_cast %sub3A_100 : i32 to index
      %swap3A_707 = arith.constant 0 : index
      %swap3A_708 = vector.load %arg4[%swap3A_706, %swap3A_707] : memref<128x16384xf32, #tpu.memory_space<vmem>>, vector<1x16384xf32>
      tpu.vector_store %arg4[%swap3A_706, %swap3A_707], %get3A_705 {strides = array<i32>} : memref<128x16384xf32, #tpu.memory_space<vmem>>, vector<1x16384xf32>,
    } else {
    }
    %get3A_109 = arith.constant 10 : index
    %get3A_110 = memref.load %arg1[%get3A_109] : memref<64xi32, #tpu.memory_space<smem>>
    %sub3A_111 = arith.subi %get3A_110, %mul3A_0 : i32
    %ge3A_112 = arith.constant 0 : i32
    %ge3A_113 = arith.cmpi sge, %sub3A_111, %ge3A_112 : i32
    %lt3A_114 = arith.constant 128 : i32
    %lt3A_115 = arith.cmpi slt, %sub3A_111, %lt3A_114 : i32
    %and3A_116 = arith.andi %ge3A_113, %lt3A_115 : i1
    %convert_element_type3A_117 = arith.extui %and3A_116 : i1 to i32
    %cond3A_118 = arith.constant 0 : i32
    %cond3A_119 = arith.cmpi ne, %convert_element_type3A_117, %cond3A_118 : i32
    scf.if %cond3A_119 {
      %get3A_703 = arith.constant 10 : index
      %get3A_704 = arith.constant 0 : index
      %get3A_705 = vector.load %arg2[%get3A_703, %get3A_704] : memref<64x16384xf32, #tpu.memory_space<vmem>>, vector<1x16384xf32>
      %swap3A_706 = arith.index_cast %sub3A_111 : i32 to index
      %swap3A_707 = arith.constant 0 : index
      %swap3A_708 = vector.load %arg4[%swap3A_706, %swap3A_707] : memref<128x16384xf32, #tpu.memory_space<vmem>>, vector<1x16384xf32>
      tpu.vector_store %arg4[%swap3A_706, %swap3A_707], %get3A_705 {strides = array<i32>} : memref<128x16384xf32, #tpu.memory_space<vmem>>, vector<1x16384xf32>,
    } else {
    }
    %get3A_120 = arith.constant 11 : index
    %get3A_121 = memref.load %arg1[%get3A_120] : memref<64xi32, #tpu.memory_space<smem>>
    %sub3A_122 = arith.subi %get3A_121, %mul3A_0 : i32
    %ge3A_123 = arith.constant 0 : i32
    %ge3A_124 = arith.cmpi sge, %sub3A_122, %ge3A_123 : i32
    %lt3A_125 = arith.constant 128 : i32
    %lt3A_126 = arith.cmpi slt, %sub3A_122, %lt3A_125 : i32
    %and3A_127 = arith.andi %ge3A_124, %lt3A_126 : i1
    %convert_element_type3A_128 = arith.extui %and3A_127 : i1 to i32
    %cond3A_129 = arith.constant 0 : i32
    %cond3A_130 = arith.cmpi ne, %convert_element_type3A_128, %cond3A_129 : i32
    scf.if %cond3A_130 {
      %get3A_703 = arith.constant 11 : index
      %get3A_704 = arith.constant 0 : index
      %get3A_705 = vector.load %arg2[%get3A_703, %get3A_704] : memref<64x16384xf32, #tpu.memory_space<vmem>>, vector<1x16384xf32>
      %swap3A_706 = arith.index_cast %sub3A_122 : i32 to index
      %swap3A_707 = arith.constant 0 : index
      %swap3A_708 = vector.load %arg4[%swap3A_706, %swap3A_707] : memref<128x16384xf32, #tpu.memory_space<vmem>>, vector<1x16384xf32>
      tpu.vector_store %arg4[%swap3A_706, %swap3A_707], %get3A_705 {strides = array<i32>} : memref<128x16384xf32, #tpu.memory_space<vmem>>, vector<1x16384xf32>,
    } else {
    }
    %get3A_131 = arith.constant 12 : index
    %get3A_132 = memref.load %arg1[%get3A_131] : memref<64xi32, #tpu.memory_space<smem>>
    %sub3A_133 = arith.subi %get3A_132, %mul3A_0 : i32
    %ge3A_134 = arith.constant 0 : i32
    %ge3A_135 = arith.cmpi sge, %sub3A_133, %ge3A_134 : i32
    %lt3A_136 = arith.constant 128 : i32
    %lt3A_137 = arith.cmpi slt, %sub3A_133, %lt3A_136 : i32
    %and3A_138 = arith.andi %ge3A_135, %lt3A_137 : i1
    %convert_element_type3A_139 = arith.extui %and3A_138 : i1 to i32
    %cond3A_140 = arith.constant 0 : i32
    %cond3A_141 = arith.cmpi ne, %convert_element_type3A_139, %cond3A_140 : i32
    scf.if %cond3A_141 {
      %get3A_703 = arith.constant 12 : index
      %get3A_704 = arith.constant 0 : index
      %get3A_705 = vector.load %arg2[%get3A_703, %get3A_704] : memref<64x16384xf32, #tpu.memory_space<vmem>>, vector<1x16384xf32>
      %swap3A_706 = arith.index_cast %sub3A_133 : i32 to index
      %swap3A_707 = arith.constant 0 : index
      %swap3A_708 = vector.load %arg4[%swap3A_706, %swap3A_707] : memref<128x16384xf32, #tpu.memory_space<vmem>>, vector<1x16384xf32>
      tpu.vector_store %arg4[%swap3A_706, %swap3A_707], %get3A_705 {strides = array<i32>} : memref<128x16384xf32, #tpu.memory_space<vmem>>, vector<1x16384xf32>,
    } else {
    }
    %get3A_142 = arith.constant 13 : index
    %get3A_143 = memref.load %arg1[%get3A_142] : memref<64xi32, #tpu.memory_space<smem>>
    %sub3A_144 = arith.subi %get3A_143, %mul3A_0 : i32
    %ge3A_145 = arith.constant 0 : i32
    %ge3A_146 = arith.cmpi sge, %sub3A_144, %ge3A_145 : i32
    %lt3A_147 = arith.constant 128 : i32
    %lt3A_148 = arith.cmpi slt, %sub3A_144, %lt3A_147 : i32
    %and3A_149 = arith.andi %ge3A_146, %lt3A_148 : i1
    %convert_element_type3A_150 = arith.extui %and3A_149 : i1 to i32
    %cond3A_151 = arith.constant 0 : i32
    %cond3A_152 = arith.cmpi ne, %convert_element_type3A_150, %cond3A_151 : i32
    scf.if %cond3A_152 {
      %get3A_703 = arith.constant 13 : index
      %get3A_704 = arith.constant 0 : index
      %get3A_705 = vector.load %arg2[%get3A_703, %get3A_704] : memref<64x16384xf32, #tpu.memory_space<vmem>>, vector<1x16384xf32>
      %swap3A_706 = arith.index_cast %sub3A_144 : i32 to index
      %swap3A_707 = arith.constant 0 : index
      %swap3A_708 = vector.load %arg4[%swap3A_706, %swap3A_707] : memref<128x16384xf32, #tpu.memory_space<vmem>>, vector<1x16384xf32>
      tpu.vector_store %arg4[%swap3A_706, %swap3A_707], %get3A_705 {strides = array<i32>} : memref<128x16384xf32, #tpu.memory_space<vmem>>, vector<1x16384xf32>,
    } else {
    }
    %get3A_153 = arith.constant 14 : index
    %get3A_154 = memref.load %arg1[%get3A_153] : memref<64xi32, #tpu.memory_space<smem>>
    %sub3A_155 = arith.subi %get3A_154, %mul3A_0 : i32
    %ge3A_156 = arith.constant 0 : i32
    %ge3A_157 = arith.cmpi sge, %sub3A_155, %ge3A_156 : i32
    %lt3A_158 = arith.constant 128 : i32
    %lt3A_159 = arith.cmpi slt, %sub3A_155, %lt3A_158 : i32
    %and3A_160 = arith.andi %ge3A_157, %lt3A_159 : i1
    %convert_element_type3A_161 = arith.extui %and3A_160 : i1 to i32
    %cond3A_162 = arith.constant 0 : i32
    %cond3A_163 = arith.cmpi ne, %convert_element_type3A_161, %cond3A_162 : i32
    scf.if %cond3A_163 {
      %get3A_703 = arith.constant 14 : index
      %get3A_704 = arith.constant 0 : index
      %get3A_705 = vector.load %arg2[%get3A_703, %get3A_704] : memref<64x16384xf32, #tpu.memory_space<vmem>>, vector<1x16384xf32>
      %swap3A_706 = arith.index_cast %sub3A_155 : i32 to index
      %swap3A_707 = arith.constant 0 : index
      %swap3A_708 = vector.load %arg4[%swap3A_706, %swap3A_707] : memref<128x16384xf32, #tpu.memory_space<vmem>>, vector<1x16384xf32>
      tpu.vector_store %arg4[%swap3A_706, %swap3A_707], %get3A_705 {strides = array<i32>} : memref<128x16384xf32, #tpu.memory_space<vmem>>, vector<1x16384xf32>,
    } else {
    }
    %get3A_164 = arith.constant 15 : index
    %get3A_165 = memref.load %arg1[%get3A_164] : memref<64xi32, #tpu.memory_space<smem>>
    %sub3A_166 = arith.subi %get3A_165, %mul3A_0 : i32
    %ge3A_167 = arith.constant 0 : i32
    %ge3A_168 = arith.cmpi sge, %sub3A_166, %ge3A_167 : i32
    %lt3A_169 = arith.constant 128 : i32
    %lt3A_170 = arith.cmpi slt, %sub3A_166, %lt3A_169 : i32
    %and3A_171 = arith.andi %ge3A_168, %lt3A_170 : i1
    %convert_element_type3A_172 = arith.extui %and3A_171 : i1 to i32
    %cond3A_173 = arith.constant 0 : i32
    %cond3A_174 = arith.cmpi ne, %convert_element_type3A_172, %cond3A_173 : i32
    scf.if %cond3A_174 {
      %get3A_703 = arith.constant 15 : index
      %get3A_704 = arith.constant 0 : index
      %get3A_705 = vector.load %arg2[%get3A_703, %get3A_704] : memref<64x16384xf32, #tpu.memory_space<vmem>>, vector<1x16384xf32>
      %swap3A_706 = arith.index_cast %sub3A_166 : i32 to index
      %swap3A_707 = arith.constant 0 : index
      %swap3A_708 = vector.load %arg4[%swap3A_706, %swap3A_707] : memref<128x16384xf32, #tpu.memory_space<vmem>>, vector<1x16384xf32>
      tpu.vector_store %arg4[%swap3A_706, %swap3A_707], %get3A_705 {strides = array<i32>} : memref<128x16384xf32, #tpu.memory_space<vmem>>, vector<1x16384xf32>,
    } else {
    }
    %get3A_175 = arith.constant 16 : index
    %get3A_176 = memref.load %arg1[%get3A_175] : memref<64xi32, #tpu.memory_space<smem>>
    %sub3A_177 = arith.subi %get3A_176, %mul3A_0 : i32
    %ge3A_178 = arith.constant 0 : i32
    %ge3A_179 = arith.cmpi sge, %sub3A_177, %ge3A_178 : i32
    %lt3A_180 = arith.constant 128 : i32
    %lt3A_181 = arith.cmpi slt, %sub3A_177, %lt3A_180 : i32
    %and3A_182 = arith.andi %ge3A_179, %lt3A_181 : i1
    %convert_element_type3A_183 = arith.extui %and3A_182 : i1 to i32
    %cond3A_184 = arith.constant 0 : i32
    %cond3A_185 = arith.cmpi ne, %convert_element_type3A_183, %cond3A_184 : i32
    scf.if %cond3A_185 {
      %get3A_703 = arith.constant 16 : index
      %get3A_704 = arith.constant 0 : index
      %get3A_705 = vector.load %arg2[%get3A_703, %get3A_704] : memref<64x16384xf32, #tpu.memory_space<vmem>>, vector<1x16384xf32>
      %swap3A_706 = arith.index_cast %sub3A_177 : i32 to index
      %swap3A_707 = arith.constant 0 : index
      %swap3A_708 = vector.load %arg4[%swap3A_706, %swap3A_707] : memref<128x16384xf32, #tpu.memory_space<vmem>>, vector<1x16384xf32>
      tpu.vector_store %arg4[%swap3A_706, %swap3A_707], %get3A_705 {strides = array<i32>} : memref<128x16384xf32, #tpu.memory_space<vmem>>, vector<1x16384xf32>,
    } else {
    }
    %get3A_186 = arith.constant 17 : index
    %get3A_187 = memref.load %arg1[%get3A_186] : memref<64xi32, #tpu.memory_space<smem>>
    %sub3A_188 = arith.subi %get3A_187, %mul3A_0 : i32
    %ge3A_189 = arith.constant 0 : i32
    %ge3A_190 = arith.cmpi sge, %sub3A_188, %ge3A_189 : i32
    %lt3A_191 = arith.constant 128 : i32
    %lt3A_192 = arith.cmpi slt, %sub3A_188, %lt3A_191 : i32
    %and3A_193 = arith.andi %ge3A_190, %lt3A_192 : i1
    %convert_element_type3A_194 = arith.extui %and3A_193 : i1 to i32
    %cond3A_195 = arith.constant 0 : i32
    %cond3A_196 = arith.cmpi ne, %convert_element_type3A_194, %cond3A_195 : i32
    scf.if %cond3A_196 {
      %get3A_703 = arith.constant 17 : index
      %get3A_704 = arith.constant 0 : index
      %get3A_705 = vector.load %arg2[%get3A_703, %get3A_704] : memref<64x16384xf32, #tpu.memory_space<vmem>>, vector<1x16384xf32>
      %swap3A_706 = arith.index_cast %sub3A_188 : i32 to index
      %swap3A_707 = arith.constant 0 : index
      %swap3A_708 = vector.load %arg4[%swap3A_706, %swap3A_707] : memref<128x16384xf32, #tpu.memory_space<vmem>>, vector<1x16384xf32>
      tpu.vector_store %arg4[%swap3A_706, %swap3A_707], %get3A_705 {strides = array<i32>} : memref<128x16384xf32, #tpu.memory_space<vmem>>, vector<1x16384xf32>,
    } else {
    }
    %get3A_197 = arith.constant 18 : index
    %get3A_198 = memref.load %arg1[%get3A_197] : memref<64xi32, #tpu.memory_space<smem>>
    %sub3A_199 = arith.subi %get3A_198, %mul3A_0 : i32
    %ge3A_200 = arith.constant 0 : i32
    %ge3A_201 = arith.cmpi sge, %sub3A_199, %ge3A_200 : i32
    %lt3A_202 = arith.constant 128 : i32
    %lt3A_203 = arith.cmpi slt, %sub3A_199, %lt3A_202 : i32
    %and3A_204 = arith.andi %ge3A_201, %lt3A_203 : i1
    %convert_element_type3A_205 = arith.extui %and3A_204 : i1 to i32
    %cond3A_206 = arith.constant 0 : i32
    %cond3A_207 = arith.cmpi ne, %convert_element_type3A_205, %cond3A_206 : i32
    scf.if %cond3A_207 {
      %get3A_703 = arith.constant 18 : index
      %get3A_704 = arith.constant 0 : index
      %get3A_705 = vector.load %arg2[%get3A_703, %get3A_704] : memref<64x16384xf32, #tpu.memory_space<vmem>>, vector<1x16384xf32>
      %swap3A_706 = arith.index_cast %sub3A_199 : i32 to index
      %swap3A_707 = arith.constant 0 : index
      %swap3A_708 = vector.load %arg4[%swap3A_706, %swap3A_707] : memref<128x16384xf32, #tpu.memory_space<vmem>>, vector<1x16384xf32>
      tpu.vector_store %arg4[%swap3A_706, %swap3A_707], %get3A_705 {strides = array<i32>} : memref<128x16384xf32, #tpu.memory_space<vmem>>, vector<1x16384xf32>,
    } else {
    }
    %get3A_208 = arith.constant 19 : index
    %get3A_209 = memref.load %arg1[%get3A_208] : memref<64xi32, #tpu.memory_space<smem>>
    %sub3A_210 = arith.subi %get3A_209, %mul3A_0 : i32
    %ge3A_211 = arith.constant 0 : i32
    %ge3A_212 = arith.cmpi sge, %sub3A_210, %ge3A_211 : i32
    %lt3A_213 = arith.constant 128 : i32
    %lt3A_214 = arith.cmpi slt, %sub3A_210, %lt3A_213 : i32
    %and3A_215 = arith.andi %ge3A_212, %lt3A_214 : i1
    %convert_element_type3A_216 = arith.extui %and3A_215 : i1 to i32
    %cond3A_217 = arith.constant 0 : i32
    %cond3A_218 = arith.cmpi ne, %convert_element_type3A_216, %cond3A_217 : i32
    scf.if %cond3A_218 {
      %get3A_703 = arith.constant 19 : index
      %get3A_704 = arith.constant 0 : index
      %get3A_705 = vector.load %arg2[%get3A_703, %get3A_704] : memref<64x16384xf32, #tpu.memory_space<vmem>>, vector<1x16384xf32>
      %swap3A_706 = arith.index_cast %sub3A_210 : i32 to index
      %swap3A_707 = arith.constant 0 : index
      %swap3A_708 = vector.load %arg4[%swap3A_706, %swap3A_707] : memref<128x16384xf32, #tpu.memory_space<vmem>>, vector<1x16384xf32>
      tpu.vector_store %arg4[%swap3A_706, %swap3A_707], %get3A_705 {strides = array<i32>} : memref<128x16384xf32, #tpu.memory_space<vmem>>, vector<1x16384xf32>,
    } else {
    }
    %get3A_219 = arith.constant 20 : index
    %get3A_220 = memref.load %arg1[%get3A_219] : memref<64xi32, #tpu.memory_space<smem>>
    %sub3A_221 = arith.subi %get3A_220, %mul3A_0 : i32
    %ge3A_222 = arith.constant 0 : i32
    %ge3A_223 = arith.cmpi sge, %sub3A_221, %ge3A_222 : i32
    %lt3A_224 = arith.constant 128 : i32
    %lt3A_225 = arith.cmpi slt, %sub3A_221, %lt3A_224 : i32
    %and3A_226 = arith.andi %ge3A_223, %lt3A_225 : i1
    %convert_element_type3A_227 = arith.extui %and3A_226 : i1 to i32
    %cond3A_228 = arith.constant 0 : i32
    %cond3A_229 = arith.cmpi ne, %convert_element_type3A_227, %cond3A_228 : i32
    scf.if %cond3A_229 {
      %get3A_703 = arith.constant 20 : index
      %get3A_704 = arith.constant 0 : index
      %get3A_705 = vector.load %arg2[%get3A_703, %get3A_704] : memref<64x16384xf32, #tpu.memory_space<vmem>>, vector<1x16384xf32>
      %swap3A_706 = arith.index_cast %sub3A_221 : i32 to index
      %swap3A_707 = arith.constant 0 : index
      %swap3A_708 = vector.load %arg4[%swap3A_706, %swap3A_707] : memref<128x16384xf32, #tpu.memory_space<vmem>>, vector<1x16384xf32>
      tpu.vector_store %arg4[%swap3A_706, %swap3A_707], %get3A_705 {strides = array<i32>} : memref<128x16384xf32, #tpu.memory_space<vmem>>, vector<1x16384xf32>,
    } else {
    }
    %get3A_230 = arith.constant 21 : index
    %get3A_231 = memref.load %arg1[%get3A_230] : memref<64xi32, #tpu.memory_space<smem>>
    %sub3A_232 = arith.subi %get3A_231, %mul3A_0 : i32
    %ge3A_233 = arith.constant 0 : i32
    %ge3A_234 = arith.cmpi sge, %sub3A_232, %ge3A_233 : i32
    %lt3A_235 = arith.constant 128 : i32
    %lt3A_236 = arith.cmpi slt, %sub3A_232, %lt3A_235 : i32
    %and3A_237 = arith.andi %ge3A_234, %lt3A_236 : i1
    %convert_element_type3A_238 = arith.extui %and3A_237 : i1 to i32
    %cond3A_239 = arith.constant 0 : i32
    %cond3A_240 = arith.cmpi ne, %convert_element_type3A_238, %cond3A_239 : i32
    scf.if %cond3A_240 {
      %get3A_703 = arith.constant 21 : index
      %get3A_704 = arith.constant 0 : index
      %get3A_705 = vector.load %arg2[%get3A_703, %get3A_704] : memref<64x16384xf32, #tpu.memory_space<vmem>>, vector<1x16384xf32>
      %swap3A_706 = arith.index_cast %sub3A_232 : i32 to index
      %swap3A_707 = arith.constant 0 : index
      %swap3A_708 = vector.load %arg4[%swap3A_706, %swap3A_707] : memref<128x16384xf32, #tpu.memory_space<vmem>>, vector<1x16384xf32>
      tpu.vector_store %arg4[%swap3A_706, %swap3A_707], %get3A_705 {strides = array<i32>} : memref<128x16384xf32, #tpu.memory_space<vmem>>, vector<1x16384xf32>,
    } else {
    }
    %get3A_241 = arith.constant 22 : index
    %get3A_242 = memref.load %arg1[%get3A_241] : memref<64xi32, #tpu.memory_space<smem>>
    %sub3A_243 = arith.subi %get3A_242, %mul3A_0 : i32
    %ge3A_244 = arith.constant 0 : i32
    %ge3A_245 = arith.cmpi sge, %sub3A_243, %ge3A_244 : i32
    %lt3A_246 = arith.constant 128 : i32
    %lt3A_247 = arith.cmpi slt, %sub3A_243, %lt3A_246 : i32
    %and3A_248 = arith.andi %ge3A_245, %lt3A_247 : i1
    %convert_element_type3A_249 = arith.extui %and3A_248 : i1 to i32
    %cond3A_250 = arith.constant 0 : i32
    %cond3A_251 = arith.cmpi ne, %convert_element_type3A_249, %cond3A_250 : i32
    scf.if %cond3A_251 {
      %get3A_703 = arith.constant 22 : index
      %get3A_704 = arith.constant 0 : index
      %get3A_705 = vector.load %arg2[%get3A_703, %get3A_704] : memref<64x16384xf32, #tpu.memory_space<vmem>>, vector<1x16384xf32>
      %swap3A_706 = arith.index_cast %sub3A_243 : i32 to index
      %swap3A_707 = arith.constant 0 : index
      %swap3A_708 = vector.load %arg4[%swap3A_706, %swap3A_707] : memref<128x16384xf32, #tpu.memory_space<vmem>>, vector<1x16384xf32>
      tpu.vector_store %arg4[%swap3A_706, %swap3A_707], %get3A_705 {strides = array<i32>} : memref<128x16384xf32, #tpu.memory_space<vmem>>, vector<1x16384xf32>,
    } else {
    }
    %get3A_252 = arith.constant 23 : index
    %get3A_253 = memref.load %arg1[%get3A_252] : memref<64xi32, #tpu.memory_space<smem>>
    %sub3A_254 = arith.subi %get3A_253, %mul3A_0 : i32
    %ge3A_255 = arith.constant 0 : i32
    %ge3A_256 = arith.cmpi sge, %sub3A_254, %ge3A_255 : i32
    %lt3A_257 = arith.constant 128 : i32
    %lt3A_258 = arith.cmpi slt, %sub3A_254, %lt3A_257 : i32
    %and3A_259 = arith.andi %ge3A_256, %lt3A_258 : i1
    %convert_element_type3A_260 = arith.extui %and3A_259 : i1 to i32
    %cond3A_261 = arith.constant 0 : i32
    %cond3A_262 = arith.cmpi ne, %convert_element_type3A_260, %cond3A_261 : i32
    scf.if %cond3A_262 {
      %get3A_703 = arith.constant 23 : index
      %get3A_704 = arith.constant 0 : index
      %get3A_705 = vector.load %arg2[%get3A_703, %get3A_704] : memref<64x16384xf32, #tpu.memory_space<vmem>>, vector<1x16384xf32>
      %swap3A_706 = arith.index_cast %sub3A_254 : i32 to index
      %swap3A_707 = arith.constant 0 : index
      %swap3A_708 = vector.load %arg4[%swap3A_706, %swap3A_707] : memref<128x16384xf32, #tpu.memory_space<vmem>>, vector<1x16384xf32>
      tpu.vector_store %arg4[%swap3A_706, %swap3A_707], %get3A_705 {strides = array<i32>} : memref<128x16384xf32, #tpu.memory_space<vmem>>, vector<1x16384xf32>,
    } else {
    }
    %get3A_263 = arith.constant 24 : index
    %get3A_264 = memref.load %arg1[%get3A_263] : memref<64xi32, #tpu.memory_space<smem>>
    %sub3A_265 = arith.subi %get3A_264, %mul3A_0 : i32
    %ge3A_266 = arith.constant 0 : i32
    %ge3A_267 = arith.cmpi sge, %sub3A_265, %ge3A_266 : i32
    %lt3A_268 = arith.constant 128 : i32
    %lt3A_269 = arith.cmpi slt, %sub3A_265, %lt3A_268 : i32
    %and3A_270 = arith.andi %ge3A_267, %lt3A_269 : i1
    %convert_element_type3A_271 = arith.extui %and3A_270 : i1 to i32
    %cond3A_272 = arith.constant 0 : i32
    %cond3A_273 = arith.cmpi ne, %convert_element_type3A_271, %cond3A_272 : i32
    scf.if %cond3A_273 {
      %get3A_703 = arith.constant 24 : index
      %get3A_704 = arith.constant 0 : index
      %get3A_705 = vector.load %arg2[%get3A_703, %get3A_704] : memref<64x16384xf32, #tpu.memory_space<vmem>>, vector<1x16384xf32>
      %swap3A_706 = arith.index_cast %sub3A_265 : i32 to index
      %swap3A_707 = arith.constant 0 : index
      %swap3A_708 = vector.load %arg4[%swap3A_706, %swap3A_707] : memref<128x16384xf32, #tpu.memory_space<vmem>>, vector<1x16384xf32>
      tpu.vector_store %arg4[%swap3A_706, %swap3A_707], %get3A_705 {strides = array<i32>} : memref<128x16384xf32, #tpu.memory_space<vmem>>, vector<1x16384xf32>,
    } else {
    }
    %get3A_274 = arith.constant 25 : index
    %get3A_275 = memref.load %arg1[%get3A_274] : memref<64xi32, #tpu.memory_space<smem>>
    %sub3A_276 = arith.subi %get3A_275, %mul3A_0 : i32
    %ge3A_277 = arith.constant 0 : i32
    %ge3A_278 = arith.cmpi sge, %sub3A_276, %ge3A_277 : i32
    %lt3A_279 = arith.constant 128 : i32
    %lt3A_280 = arith.cmpi slt, %sub3A_276, %lt3A_279 : i32
    %and3A_281 = arith.andi %ge3A_278, %lt3A_280 : i1
    %convert_element_type3A_282 = arith.extui %and3A_281 : i1 to i32
    %cond3A_283 = arith.constant 0 : i32
    %cond3A_284 = arith.cmpi ne, %convert_element_type3A_282, %cond3A_283 : i32
    scf.if %cond3A_284 {
      %get3A_703 = arith.constant 25 : index
      %get3A_704 = arith.constant 0 : index
      %get3A_705 = vector.load %arg2[%get3A_703, %get3A_704] : memref<64x16384xf32, #tpu.memory_space<vmem>>, vector<1x16384xf32>
      %swap3A_706 = arith.index_cast %sub3A_276 : i32 to index
      %swap3A_707 = arith.constant 0 : index
      %swap3A_708 = vector.load %arg4[%swap3A_706, %swap3A_707] : memref<128x16384xf32, #tpu.memory_space<vmem>>, vector<1x16384xf32>
      tpu.vector_store %arg4[%swap3A_706, %swap3A_707], %get3A_705 {strides = array<i32>} : memref<128x16384xf32, #tpu.memory_space<vmem>>, vector<1x16384xf32>,
    } else {
    }
    %get3A_285 = arith.constant 26 : index
    %get3A_286 = memref.load %arg1[%get3A_285] : memref<64xi32, #tpu.memory_space<smem>>
    %sub3A_287 = arith.subi %get3A_286, %mul3A_0 : i32
    %ge3A_288 = arith.constant 0 : i32
    %ge3A_289 = arith.cmpi sge, %sub3A_287, %ge3A_288 : i32
    %lt3A_290 = arith.constant 128 : i32
    %lt3A_291 = arith.cmpi slt, %sub3A_287, %lt3A_290 : i32
    %and3A_292 = arith.andi %ge3A_289, %lt3A_291 : i1
    %convert_element_type3A_293 = arith.extui %and3A_292 : i1 to i32
    %cond3A_294 = arith.constant 0 : i32
    %cond3A_295 = arith.cmpi ne, %convert_element_type3A_293, %cond3A_294 : i32
    scf.if %cond3A_295 {
      %get3A_703 = arith.constant 26 : index
      %get3A_704 = arith.constant 0 : index
      %get3A_705 = vector.load %arg2[%get3A_703, %get3A_704] : memref<64x16384xf32, #tpu.memory_space<vmem>>, vector<1x16384xf32>
      %swap3A_706 = arith.index_cast %sub3A_287 : i32 to index
      %swap3A_707 = arith.constant 0 : index
      %swap3A_708 = vector.load %arg4[%swap3A_706, %swap3A_707] : memref<128x16384xf32, #tpu.memory_space<vmem>>, vector<1x16384xf32>
      tpu.vector_store %arg4[%swap3A_706, %swap3A_707], %get3A_705 {strides = array<i32>} : memref<128x16384xf32, #tpu.memory_space<vmem>>, vector<1x16384xf32>,
    } else {
    }
    %get3A_296 = arith.constant 27 : index
    %get3A_297 = memref.load %arg1[%get3A_296] : memref<64xi32, #tpu.memory_space<smem>>
    %sub3A_298 = arith.subi %get3A_297, %mul3A_0 : i32
    %ge3A_299 = arith.constant 0 : i32
    %ge3A_300 = arith.cmpi sge, %sub3A_298, %ge3A_299 : i32
    %lt3A_301 = arith.constant 128 : i32
    %lt3A_302 = arith.cmpi slt, %sub3A_298, %lt3A_301 : i32
    %and3A_303 = arith.andi %ge3A_300, %lt3A_302 : i1
    %convert_element_type3A_304 = arith.extui %and3A_303 : i1 to i32
    %cond3A_305 = arith.constant 0 : i32
    %cond3A_306 = arith.cmpi ne, %convert_element_type3A_304, %cond3A_305 : i32
    scf.if %cond3A_306 {
      %get3A_703 = arith.constant 27 : index
      %get3A_704 = arith.constant 0 : index
      %get3A_705 = vector.load %arg2[%get3A_703, %get3A_704] : memref<64x16384xf32, #tpu.memory_space<vmem>>, vector<1x16384xf32>
      %swap3A_706 = arith.index_cast %sub3A_298 : i32 to index
      %swap3A_707 = arith.constant 0 : index
      %swap3A_708 = vector.load %arg4[%swap3A_706, %swap3A_707] : memref<128x16384xf32, #tpu.memory_space<vmem>>, vector<1x16384xf32>
      tpu.vector_store %arg4[%swap3A_706, %swap3A_707], %get3A_705 {strides = array<i32>} : memref<128x16384xf32, #tpu.memory_space<vmem>>, vector<1x16384xf32>,
    } else {
    }
    %get3A_307 = arith.constant 28 : index
    %get3A_308 = memref.load %arg1[%get3A_307] : memref<64xi32, #tpu.memory_space<smem>>
    %sub3A_309 = arith.subi %get3A_308, %mul3A_0 : i32
    %ge3A_310 = arith.constant 0 : i32
    %ge3A_311 = arith.cmpi sge, %sub3A_309, %ge3A_310 : i32
    %lt3A_312 = arith.constant 128 : i32
    %lt3A_313 = arith.cmpi slt, %sub3A_309, %lt3A_312 : i32
    %and3A_314 = arith.andi %ge3A_311, %lt3A_313 : i1
    %convert_element_type3A_315 = arith.extui %and3A_314 : i1 to i32
    %cond3A_316 = arith.constant 0 : i32
    %cond3A_317 = arith.cmpi ne, %convert_element_type3A_315, %cond3A_316 : i32
    scf.if %cond3A_317 {
      %get3A_703 = arith.constant 28 : index
      %get3A_704 = arith.constant 0 : index
      %get3A_705 = vector.load %arg2[%get3A_703, %get3A_704] : memref<64x16384xf32, #tpu.memory_space<vmem>>, vector<1x16384xf32>
      %swap3A_706 = arith.index_cast %sub3A_309 : i32 to index
      %swap3A_707 = arith.constant 0 : index
      %swap3A_708 = vector.load %arg4[%swap3A_706, %swap3A_707] : memref<128x16384xf32, #tpu.memory_space<vmem>>, vector<1x16384xf32>
      tpu.vector_store %arg4[%swap3A_706, %swap3A_707], %get3A_705 {strides = array<i32>} : memref<128x16384xf32, #tpu.memory_space<vmem>>, vector<1x16384xf32>,
    } else {
    }
    %get3A_318 = arith.constant 29 : index
    %get3A_319 = memref.load %arg1[%get3A_318] : memref<64xi32, #tpu.memory_space<smem>>
    %sub3A_320 = arith.subi %get3A_319, %mul3A_0 : i32
    %ge3A_321 = arith.constant 0 : i32
    %ge3A_322 = arith.cmpi sge, %sub3A_320, %ge3A_321 : i32
    %lt3A_323 = arith.constant 128 : i32
    %lt3A_324 = arith.cmpi slt, %sub3A_320, %lt3A_323 : i32
    %and3A_325 = arith.andi %ge3A_322, %lt3A_324 : i1
    %convert_element_type3A_326 = arith.extui %and3A_325 : i1 to i32
    %cond3A_327 = arith.constant 0 : i32
    %cond3A_328 = arith.cmpi ne, %convert_element_type3A_326, %cond3A_327 : i32
    scf.if %cond3A_328 {
      %get3A_703 = arith.constant 29 : index
      %get3A_704 = arith.constant 0 : index
      %get3A_705 = vector.load %arg2[%get3A_703, %get3A_704] : memref<64x16384xf32, #tpu.memory_space<vmem>>, vector<1x16384xf32>
      %swap3A_706 = arith.index_cast %sub3A_320 : i32 to index
      %swap3A_707 = arith.constant 0 : index
      %swap3A_708 = vector.load %arg4[%swap3A_706, %swap3A_707] : memref<128x16384xf32, #tpu.memory_space<vmem>>, vector<1x16384xf32>
      tpu.vector_store %arg4[%swap3A_706, %swap3A_707], %get3A_705 {strides = array<i32>} : memref<128x16384xf32, #tpu.memory_space<vmem>>, vector<1x16384xf32>,
    } else {
    }
    %get3A_329 = arith.constant 30 : index
    %get3A_330 = memref.load %arg1[%get3A_329] : memref<64xi32, #tpu.memory_space<smem>>
    %sub3A_331 = arith.subi %get3A_330, %mul3A_0 : i32
    %ge3A_332 = arith.constant 0 : i32
    %ge3A_333 = arith.cmpi sge, %sub3A_331, %ge3A_332 : i32
    %lt3A_334 = arith.constant 128 : i32
    %lt3A_335 = arith.cmpi slt, %sub3A_331, %lt3A_334 : i32
    %and3A_336 = arith.andi %ge3A_333, %lt3A_335 : i1
    %convert_element_type3A_337 = arith.extui %and3A_336 : i1 to i32
    %cond3A_338 = arith.constant 0 : i32
    %cond3A_339 = arith.cmpi ne, %convert_element_type3A_337, %cond3A_338 : i32
    scf.if %cond3A_339 {
      %get3A_703 = arith.constant 30 : index
      %get3A_704 = arith.constant 0 : index
      %get3A_705 = vector.load %arg2[%get3A_703, %get3A_704] : memref<64x16384xf32, #tpu.memory_space<vmem>>, vector<1x16384xf32>
      %swap3A_706 = arith.index_cast %sub3A_331 : i32 to index
      %swap3A_707 = arith.constant 0 : index
      %swap3A_708 = vector.load %arg4[%swap3A_706, %swap3A_707] : memref<128x16384xf32, #tpu.memory_space<vmem>>, vector<1x16384xf32>
      tpu.vector_store %arg4[%swap3A_706, %swap3A_707], %get3A_705 {strides = array<i32>} : memref<128x16384xf32, #tpu.memory_space<vmem>>, vector<1x16384xf32>,
    } else {
    }
    %get3A_340 = arith.constant 31 : index
    %get3A_341 = memref.load %arg1[%get3A_340] : memref<64xi32, #tpu.memory_space<smem>>
    %sub3A_342 = arith.subi %get3A_341, %mul3A_0 : i32
    %ge3A_343 = arith.constant 0 : i32
    %ge3A_344 = arith.cmpi sge, %sub3A_342, %ge3A_343 : i32
    %lt3A_345 = arith.constant 128 : i32
    %lt3A_346 = arith.cmpi slt, %sub3A_342, %lt3A_345 : i32
    %and3A_347 = arith.andi %ge3A_344, %lt3A_346 : i1
    %convert_element_type3A_348 = arith.extui %and3A_347 : i1 to i32
    %cond3A_349 = arith.constant 0 : i32
    %cond3A_350 = arith.cmpi ne, %convert_element_type3A_348, %cond3A_349 : i32
    scf.if %cond3A_350 {
      %get3A_703 = arith.constant 31 : index
      %get3A_704 = arith.constant 0 : index
      %get3A_705 = vector.load %arg2[%get3A_703, %get3A_704] : memref<64x16384xf32, #tpu.memory_space<vmem>>, vector<1x16384xf32>
      %swap3A_706 = arith.index_cast %sub3A_342 : i32 to index
      %swap3A_707 = arith.constant 0 : index
      %swap3A_708 = vector.load %arg4[%swap3A_706, %swap3A_707] : memref<128x16384xf32, #tpu.memory_space<vmem>>, vector<1x16384xf32>
      tpu.vector_store %arg4[%swap3A_706, %swap3A_707], %get3A_705 {strides = array<i32>} : memref<128x16384xf32, #tpu.memory_space<vmem>>, vector<1x16384xf32>,
    } else {
    }
    %get3A_351 = arith.constant 32 : index
    %get3A_352 = memref.load %arg1[%get3A_351] : memref<64xi32, #tpu.memory_space<smem>>
    %sub3A_353 = arith.subi %get3A_352, %mul3A_0 : i32
    %ge3A_354 = arith.constant 0 : i32
    %ge3A_355 = arith.cmpi sge, %sub3A_353, %ge3A_354 : i32
    %lt3A_356 = arith.constant 128 : i32
    %lt3A_357 = arith.cmpi slt, %sub3A_353, %lt3A_356 : i32
    %and3A_358 = arith.andi %ge3A_355, %lt3A_357 : i1
    %convert_element_type3A_359 = arith.extui %and3A_358 : i1 to i32
    %cond3A_360 = arith.constant 0 : i32
    %cond3A_361 = arith.cmpi ne, %convert_element_type3A_359, %cond3A_360 : i32
    scf.if %cond3A_361 {
      %get3A_703 = arith.constant 32 : index
      %get3A_704 = arith.constant 0 : index
      %get3A_705 = vector.load %arg2[%get3A_703, %get3A_704] : memref<64x16384xf32, #tpu.memory_space<vmem>>, vector<1x16384xf32>
      %swap3A_706 = arith.index_cast %sub3A_353 : i32 to index
      %swap3A_707 = arith.constant 0 : index
      %swap3A_708 = vector.load %arg4[%swap3A_706, %swap3A_707] : memref<128x16384xf32, #tpu.memory_space<vmem>>, vector<1x16384xf32>
      tpu.vector_store %arg4[%swap3A_706, %swap3A_707], %get3A_705 {strides = array<i32>} : memref<128x16384xf32, #tpu.memory_space<vmem>>, vector<1x16384xf32>,
    } else {
    }
    %get3A_362 = arith.constant 33 : index
    %get3A_363 = memref.load %arg1[%get3A_362] : memref<64xi32, #tpu.memory_space<smem>>
    %sub3A_364 = arith.subi %get3A_363, %mul3A_0 : i32
    %ge3A_365 = arith.constant 0 : i32
    %ge3A_366 = arith.cmpi sge, %sub3A_364, %ge3A_365 : i32
    %lt3A_367 = arith.constant 128 : i32
    %lt3A_368 = arith.cmpi slt, %sub3A_364, %lt3A_367 : i32
    %and3A_369 = arith.andi %ge3A_366, %lt3A_368 : i1
    %convert_element_type3A_370 = arith.extui %and3A_369 : i1 to i32
    %cond3A_371 = arith.constant 0 : i32
    %cond3A_372 = arith.cmpi ne, %convert_element_type3A_370, %cond3A_371 : i32
    scf.if %cond3A_372 {
      %get3A_703 = arith.constant 33 : index
      %get3A_704 = arith.constant 0 : index
      %get3A_705 = vector.load %arg2[%get3A_703, %get3A_704] : memref<64x16384xf32, #tpu.memory_space<vmem>>, vector<1x16384xf32>
      %swap3A_706 = arith.index_cast %sub3A_364 : i32 to index
      %swap3A_707 = arith.constant 0 : index
      %swap3A_708 = vector.load %arg4[%swap3A_706, %swap3A_707] : memref<128x16384xf32, #tpu.memory_space<vmem>>, vector<1x16384xf32>
      tpu.vector_store %arg4[%swap3A_706, %swap3A_707], %get3A_705 {strides = array<i32>} : memref<128x16384xf32, #tpu.memory_space<vmem>>, vector<1x16384xf32>,
    } else {
    }
    %get3A_373 = arith.constant 34 : index
    %get3A_374 = memref.load %arg1[%get3A_373] : memref<64xi32, #tpu.memory_space<smem>>
    %sub3A_375 = arith.subi %get3A_374, %mul3A_0 : i32
    %ge3A_376 = arith.constant 0 : i32
    %ge3A_377 = arith.cmpi sge, %sub3A_375, %ge3A_376 : i32
    %lt3A_378 = arith.constant 128 : i32
    %lt3A_379 = arith.cmpi slt, %sub3A_375, %lt3A_378 : i32
    %and3A_380 = arith.andi %ge3A_377, %lt3A_379 : i1
    %convert_element_type3A_381 = arith.extui %and3A_380 : i1 to i32
    %cond3A_382 = arith.constant 0 : i32
    %cond3A_383 = arith.cmpi ne, %convert_element_type3A_381, %cond3A_382 : i32
    scf.if %cond3A_383 {
      %get3A_703 = arith.constant 34 : index
      %get3A_704 = arith.constant 0 : index
      %get3A_705 = vector.load %arg2[%get3A_703, %get3A_704] : memref<64x16384xf32, #tpu.memory_space<vmem>>, vector<1x16384xf32>
      %swap3A_706 = arith.index_cast %sub3A_375 : i32 to index
      %swap3A_707 = arith.constant 0 : index
      %swap3A_708 = vector.load %arg4[%swap3A_706, %swap3A_707] : memref<128x16384xf32, #tpu.memory_space<vmem>>, vector<1x16384xf32>
      tpu.vector_store %arg4[%swap3A_706, %swap3A_707], %get3A_705 {strides = array<i32>} : memref<128x16384xf32, #tpu.memory_space<vmem>>, vector<1x16384xf32>,
    } else {
    }
    %get3A_384 = arith.constant 35 : index
    %get3A_385 = memref.load %arg1[%get3A_384] : memref<64xi32, #tpu.memory_space<smem>>
    %sub3A_386 = arith.subi %get3A_385, %mul3A_0 : i32
    %ge3A_387 = arith.constant 0 : i32
    %ge3A_388 = arith.cmpi sge, %sub3A_386, %ge3A_387 : i32
    %lt3A_389 = arith.constant 128 : i32
    %lt3A_390 = arith.cmpi slt, %sub3A_386, %lt3A_389 : i32
    %and3A_391 = arith.andi %ge3A_388, %lt3A_390 : i1
    %convert_element_type3A_392 = arith.extui %and3A_391 : i1 to i32
    %cond3A_393 = arith.constant 0 : i32
    %cond3A_394 = arith.cmpi ne, %convert_element_type3A_392, %cond3A_393 : i32
    scf.if %cond3A_394 {
      %get3A_703 = arith.constant 35 : index
      %get3A_704 = arith.constant 0 : index
      %get3A_705 = vector.load %arg2[%get3A_703, %get3A_704] : memref<64x16384xf32, #tpu.memory_space<vmem>>, vector<1x16384xf32>
      %swap3A_706 = arith.index_cast %sub3A_386 : i32 to index
      %swap3A_707 = arith.constant 0 : index
      %swap3A_708 = vector.load %arg4[%swap3A_706, %swap3A_707] : memref<128x16384xf32, #tpu.memory_space<vmem>>, vector<1x16384xf32>
      tpu.vector_store %arg4[%swap3A_706, %swap3A_707], %get3A_705 {strides = array<i32>} : memref<128x16384xf32, #tpu.memory_space<vmem>>, vector<1x16384xf32>,
    } else {
    }
    %get3A_395 = arith.constant 36 : index
    %get3A_396 = memref.load %arg1[%get3A_395] : memref<64xi32, #tpu.memory_space<smem>>
    %sub3A_397 = arith.subi %get3A_396, %mul3A_0 : i32
    %ge3A_398 = arith.constant 0 : i32
    %ge3A_399 = arith.cmpi sge, %sub3A_397, %ge3A_398 : i32
    %lt3A_400 = arith.constant 128 : i32
    %lt3A_401 = arith.cmpi slt, %sub3A_397, %lt3A_400 : i32
    %and3A_402 = arith.andi %ge3A_399, %lt3A_401 : i1
    %convert_element_type3A_403 = arith.extui %and3A_402 : i1 to i32
    %cond3A_404 = arith.constant 0 : i32
    %cond3A_405 = arith.cmpi ne, %convert_element_type3A_403, %cond3A_404 : i32
    scf.if %cond3A_405 {
      %get3A_703 = arith.constant 36 : index
      %get3A_704 = arith.constant 0 : index
      %get3A_705 = vector.load %arg2[%get3A_703, %get3A_704] : memref<64x16384xf32, #tpu.memory_space<vmem>>, vector<1x16384xf32>
      %swap3A_706 = arith.index_cast %sub3A_397 : i32 to index
      %swap3A_707 = arith.constant 0 : index
      %swap3A_708 = vector.load %arg4[%swap3A_706, %swap3A_707] : memref<128x16384xf32, #tpu.memory_space<vmem>>, vector<1x16384xf32>
      tpu.vector_store %arg4[%swap3A_706, %swap3A_707], %get3A_705 {strides = array<i32>} : memref<128x16384xf32, #tpu.memory_space<vmem>>, vector<1x16384xf32>,
    } else {
    }
    %get3A_406 = arith.constant 37 : index
    %get3A_407 = memref.load %arg1[%get3A_406] : memref<64xi32, #tpu.memory_space<smem>>
    %sub3A_408 = arith.subi %get3A_407, %mul3A_0 : i32
    %ge3A_409 = arith.constant 0 : i32
    %ge3A_410 = arith.cmpi sge, %sub3A_408, %ge3A_409 : i32
    %lt3A_411 = arith.constant 128 : i32
    %lt3A_412 = arith.cmpi slt, %sub3A_408, %lt3A_411 : i32
    %and3A_413 = arith.andi %ge3A_410, %lt3A_412 : i1
    %convert_element_type3A_414 = arith.extui %and3A_413 : i1 to i32
    %cond3A_415 = arith.constant 0 : i32
    %cond3A_416 = arith.cmpi ne, %convert_element_type3A_414, %cond3A_415 : i32
    scf.if %cond3A_416 {
      %get3A_703 = arith.constant 37 : index
      %get3A_704 = arith.constant 0 : index
      %get3A_705 = vector.load %arg2[%get3A_703, %get3A_704] : memref<64x16384xf32, #tpu.memory_space<vmem>>, vector<1x16384xf32>
      %swap3A_706 = arith.index_cast %sub3A_408 : i32 to index
      %swap3A_707 = arith.constant 0 : index
      %swap3A_708 = vector.load %arg4[%swap3A_706, %swap3A_707] : memref<128x16384xf32, #tpu.memory_space<vmem>>, vector<1x16384xf32>
      tpu.vector_store %arg4[%swap3A_706, %swap3A_707], %get3A_705 {strides = array<i32>} : memref<128x16384xf32, #tpu.memory_space<vmem>>, vector<1x16384xf32>,
    } else {
    }
    %get3A_417 = arith.constant 38 : index
    %get3A_418 = memref.load %arg1[%get3A_417] : memref<64xi32, #tpu.memory_space<smem>>
    %sub3A_419 = arith.subi %get3A_418, %mul3A_0 : i32
    %ge3A_420 = arith.constant 0 : i32
    %ge3A_421 = arith.cmpi sge, %sub3A_419, %ge3A_420 : i32
    %lt3A_422 = arith.constant 128 : i32
    %lt3A_423 = arith.cmpi slt, %sub3A_419, %lt3A_422 : i32
    %and3A_424 = arith.andi %ge3A_421, %lt3A_423 : i1
    %convert_element_type3A_425 = arith.extui %and3A_424 : i1 to i32
    %cond3A_426 = arith.constant 0 : i32
    %cond3A_427 = arith.cmpi ne, %convert_element_type3A_425, %cond3A_426 : i32
    scf.if %cond3A_427 {
      %get3A_703 = arith.constant 38 : index
      %get3A_704 = arith.constant 0 : index
      %get3A_705 = vector.load %arg2[%get3A_703, %get3A_704] : memref<64x16384xf32, #tpu.memory_space<vmem>>, vector<1x16384xf32>
      %swap3A_706 = arith.index_cast %sub3A_419 : i32 to index
      %swap3A_707 = arith.constant 0 : index
      %swap3A_708 = vector.load %arg4[%swap3A_706, %swap3A_707] : memref<128x16384xf32, #tpu.memory_space<vmem>>, vector<1x16384xf32>
      tpu.vector_store %arg4[%swap3A_706, %swap3A_707], %get3A_705 {strides = array<i32>} : memref<128x16384xf32, #tpu.memory_space<vmem>>, vector<1x16384xf32>,
    } else {
    }
    %get3A_428 = arith.constant 39 : index
    %get3A_429 = memref.load %arg1[%get3A_428] : memref<64xi32, #tpu.memory_space<smem>>
    %sub3A_430 = arith.subi %get3A_429, %mul3A_0 : i32
    %ge3A_431 = arith.constant 0 : i32
    %ge3A_432 = arith.cmpi sge, %sub3A_430, %ge3A_431 : i32
    %lt3A_433 = arith.constant 128 : i32
    %lt3A_434 = arith.cmpi slt, %sub3A_430, %lt3A_433 : i32
    %and3A_435 = arith.andi %ge3A_432, %lt3A_434 : i1
    %convert_element_type3A_436 = arith.extui %and3A_435 : i1 to i32
    %cond3A_437 = arith.constant 0 : i32
    %cond3A_438 = arith.cmpi ne, %convert_element_type3A_436, %cond3A_437 : i32
    scf.if %cond3A_438 {
      %get3A_703 = arith.constant 39 : index
      %get3A_704 = arith.constant 0 : index
      %get3A_705 = vector.load %arg2[%get3A_703, %get3A_704] : memref<64x16384xf32, #tpu.memory_space<vmem>>, vector<1x16384xf32>
      %swap3A_706 = arith.index_cast %sub3A_430 : i32 to index
      %swap3A_707 = arith.constant 0 : index
      %swap3A_708 = vector.load %arg4[%swap3A_706, %swap3A_707] : memref<128x16384xf32, #tpu.memory_space<vmem>>, vector<1x16384xf32>
      tpu.vector_store %arg4[%swap3A_706, %swap3A_707], %get3A_705 {strides = array<i32>} : memref<128x16384xf32, #tpu.memory_space<vmem>>, vector<1x16384xf32>,
    } else {
    }
    %get3A_439 = arith.constant 40 : index
    %get3A_440 = memref.load %arg1[%get3A_439] : memref<64xi32, #tpu.memory_space<smem>>
    %sub3A_441 = arith.subi %get3A_440, %mul3A_0 : i32
    %ge3A_442 = arith.constant 0 : i32
    %ge3A_443 = arith.cmpi sge, %sub3A_441, %ge3A_442 : i32
    %lt3A_444 = arith.constant 128 : i32
    %lt3A_445 = arith.cmpi slt, %sub3A_441, %lt3A_444 : i32
    %and3A_446 = arith.andi %ge3A_443, %lt3A_445 : i1
    %convert_element_type3A_447 = arith.extui %and3A_446 : i1 to i32
    %cond3A_448 = arith.constant 0 : i32
    %cond3A_449 = arith.cmpi ne, %convert_element_type3A_447, %cond3A_448 : i32
    scf.if %cond3A_449 {
      %get3A_703 = arith.constant 40 : index
      %get3A_704 = arith.constant 0 : index
      %get3A_705 = vector.load %arg2[%get3A_703, %get3A_704] : memref<64x16384xf32, #tpu.memory_space<vmem>>, vector<1x16384xf32>
      %swap3A_706 = arith.index_cast %sub3A_441 : i32 to index
      %swap3A_707 = arith.constant 0 : index
      %swap3A_708 = vector.load %arg4[%swap3A_706, %swap3A_707] : memref<128x16384xf32, #tpu.memory_space<vmem>>, vector<1x16384xf32>
      tpu.vector_store %arg4[%swap3A_706, %swap3A_707], %get3A_705 {strides = array<i32>} : memref<128x16384xf32, #tpu.memory_space<vmem>>, vector<1x16384xf32>,
    } else {
    }
    %get3A_450 = arith.constant 41 : index
    %get3A_451 = memref.load %arg1[%get3A_450] : memref<64xi32, #tpu.memory_space<smem>>
    %sub3A_452 = arith.subi %get3A_451, %mul3A_0 : i32
    %ge3A_453 = arith.constant 0 : i32
    %ge3A_454 = arith.cmpi sge, %sub3A_452, %ge3A_453 : i32
    %lt3A_455 = arith.constant 128 : i32
    %lt3A_456 = arith.cmpi slt, %sub3A_452, %lt3A_455 : i32
    %and3A_457 = arith.andi %ge3A_454, %lt3A_456 : i1
    %convert_element_type3A_458 = arith.extui %and3A_457 : i1 to i32
    %cond3A_459 = arith.constant 0 : i32
    %cond3A_460 = arith.cmpi ne, %convert_element_type3A_458, %cond3A_459 : i32
    scf.if %cond3A_460 {
      %get3A_703 = arith.constant 41 : index
      %get3A_704 = arith.constant 0 : index
      %get3A_705 = vector.load %arg2[%get3A_703, %get3A_704] : memref<64x16384xf32, #tpu.memory_space<vmem>>, vector<1x16384xf32>
      %swap3A_706 = arith.index_cast %sub3A_452 : i32 to index
      %swap3A_707 = arith.constant 0 : index
      %swap3A_708 = vector.load %arg4[%swap3A_706, %swap3A_707] : memref<128x16384xf32, #tpu.memory_space<vmem>>, vector<1x16384xf32>
      tpu.vector_store %arg4[%swap3A_706, %swap3A_707], %get3A_705 {strides = array<i32>} : memref<128x16384xf32, #tpu.memory_space<vmem>>, vector<1x16384xf32>,
    } else {
    }
    %get3A_461 = arith.constant 42 : index
    %get3A_462 = memref.load %arg1[%get3A_461] : memref<64xi32, #tpu.memory_space<smem>>
    %sub3A_463 = arith.subi %get3A_462, %mul3A_0 : i32
    %ge3A_464 = arith.constant 0 : i32
    %ge3A_465 = arith.cmpi sge, %sub3A_463, %ge3A_464 : i32
    %lt3A_466 = arith.constant 128 : i32
    %lt3A_467 = arith.cmpi slt, %sub3A_463, %lt3A_466 : i32
    %and3A_468 = arith.andi %ge3A_465, %lt3A_467 : i1
    %convert_element_type3A_469 = arith.extui %and3A_468 : i1 to i32
    %cond3A_470 = arith.constant 0 : i32
    %cond3A_471 = arith.cmpi ne, %convert_element_type3A_469, %cond3A_470 : i32
    scf.if %cond3A_471 {
      %get3A_703 = arith.constant 42 : index
      %get3A_704 = arith.constant 0 : index
      %get3A_705 = vector.load %arg2[%get3A_703, %get3A_704] : memref<64x16384xf32, #tpu.memory_space<vmem>>, vector<1x16384xf32>
      %swap3A_706 = arith.index_cast %sub3A_463 : i32 to index
      %swap3A_707 = arith.constant 0 : index
      %swap3A_708 = vector.load %arg4[%swap3A_706, %swap3A_707] : memref<128x16384xf32, #tpu.memory_space<vmem>>, vector<1x16384xf32>
      tpu.vector_store %arg4[%swap3A_706, %swap3A_707], %get3A_705 {strides = array<i32>} : memref<128x16384xf32, #tpu.memory_space<vmem>>, vector<1x16384xf32>,
    } else {
    }
    %get3A_472 = arith.constant 43 : index
    %get3A_473 = memref.load %arg1[%get3A_472] : memref<64xi32, #tpu.memory_space<smem>>
    %sub3A_474 = arith.subi %get3A_473, %mul3A_0 : i32
    %ge3A_475 = arith.constant 0 : i32
    %ge3A_476 = arith.cmpi sge, %sub3A_474, %ge3A_475 : i32
    %lt3A_477 = arith.constant 128 : i32
    %lt3A_478 = arith.cmpi slt, %sub3A_474, %lt3A_477 : i32
    %and3A_479 = arith.andi %ge3A_476, %lt3A_478 : i1
    %convert_element_type3A_480 = arith.extui %and3A_479 : i1 to i32
    %cond3A_481 = arith.constant 0 : i32
    %cond3A_482 = arith.cmpi ne, %convert_element_type3A_480, %cond3A_481 : i32
    scf.if %cond3A_482 {
      %get3A_703 = arith.constant 43 : index
      %get3A_704 = arith.constant 0 : index
      %get3A_705 = vector.load %arg2[%get3A_703, %get3A_704] : memref<64x16384xf32, #tpu.memory_space<vmem>>, vector<1x16384xf32>
      %swap3A_706 = arith.index_cast %sub3A_474 : i32 to index
      %swap3A_707 = arith.constant 0 : index
      %swap3A_708 = vector.load %arg4[%swap3A_706, %swap3A_707] : memref<128x16384xf32, #tpu.memory_space<vmem>>, vector<1x16384xf32>
      tpu.vector_store %arg4[%swap3A_706, %swap3A_707], %get3A_705 {strides = array<i32>} : memref<128x16384xf32, #tpu.memory_space<vmem>>, vector<1x16384xf32>,
    } else {
    }
    %get3A_483 = arith.constant 44 : index
    %get3A_484 = memref.load %arg1[%get3A_483] : memref<64xi32, #tpu.memory_space<smem>>
    %sub3A_485 = arith.subi %get3A_484, %mul3A_0 : i32
    %ge3A_486 = arith.constant 0 : i32
    %ge3A_487 = arith.cmpi sge, %sub3A_485, %ge3A_486 : i32
    %lt3A_488 = arith.constant 128 : i32
    %lt3A_489 = arith.cmpi slt, %sub3A_485, %lt3A_488 : i32
    %and3A_490 = arith.andi %ge3A_487, %lt3A_489 : i1
    %convert_element_type3A_491 = arith.extui %and3A_490 : i1 to i32
    %cond3A_492 = arith.constant 0 : i32
    %cond3A_493 = arith.cmpi ne, %convert_element_type3A_491, %cond3A_492 : i32
    scf.if %cond3A_493 {
      %get3A_703 = arith.constant 44 : index
      %get3A_704 = arith.constant 0 : index
      %get3A_705 = vector.load %arg2[%get3A_703, %get3A_704] : memref<64x16384xf32, #tpu.memory_space<vmem>>, vector<1x16384xf32>
      %swap3A_706 = arith.index_cast %sub3A_485 : i32 to index
      %swap3A_707 = arith.constant 0 : index
      %swap3A_708 = vector.load %arg4[%swap3A_706, %swap3A_707] : memref<128x16384xf32, #tpu.memory_space<vmem>>, vector<1x16384xf32>
      tpu.vector_store %arg4[%swap3A_706, %swap3A_707], %get3A_705 {strides = array<i32>} : memref<128x16384xf32, #tpu.memory_space<vmem>>, vector<1x16384xf32>,
    } else {
    }
    %get3A_494 = arith.constant 45 : index
    %get3A_495 = memref.load %arg1[%get3A_494] : memref<64xi32, #tpu.memory_space<smem>>
    %sub3A_496 = arith.subi %get3A_495, %mul3A_0 : i32
    %ge3A_497 = arith.constant 0 : i32
    %ge3A_498 = arith.cmpi sge, %sub3A_496, %ge3A_497 : i32
    %lt3A_499 = arith.constant 128 : i32
    %lt3A_500 = arith.cmpi slt, %sub3A_496, %lt3A_499 : i32
    %and3A_501 = arith.andi %ge3A_498, %lt3A_500 : i1
    %convert_element_type3A_502 = arith.extui %and3A_501 : i1 to i32
    %cond3A_503 = arith.constant 0 : i32
    %cond3A_504 = arith.cmpi ne, %convert_element_type3A_502, %cond3A_503 : i32
    scf.if %cond3A_504 {
      %get3A_703 = arith.constant 45 : index
      %get3A_704 = arith.constant 0 : index
      %get3A_705 = vector.load %arg2[%get3A_703, %get3A_704] : memref<64x16384xf32, #tpu.memory_space<vmem>>, vector<1x16384xf32>
      %swap3A_706 = arith.index_cast %sub3A_496 : i32 to index
      %swap3A_707 = arith.constant 0 : index
      %swap3A_708 = vector.load %arg4[%swap3A_706, %swap3A_707] : memref<128x16384xf32, #tpu.memory_space<vmem>>, vector<1x16384xf32>
      tpu.vector_store %arg4[%swap3A_706, %swap3A_707], %get3A_705 {strides = array<i32>} : memref<128x16384xf32, #tpu.memory_space<vmem>>, vector<1x16384xf32>,
    } else {
    }
    %get3A_505 = arith.constant 46 : index
    %get3A_506 = memref.load %arg1[%get3A_505] : memref<64xi32, #tpu.memory_space<smem>>
    %sub3A_507 = arith.subi %get3A_506, %mul3A_0 : i32
    %ge3A_508 = arith.constant 0 : i32
    %ge3A_509 = arith.cmpi sge, %sub3A_507, %ge3A_508 : i32
    %lt3A_510 = arith.constant 128 : i32
    %lt3A_511 = arith.cmpi slt, %sub3A_507, %lt3A_510 : i32
    %and3A_512 = arith.andi %ge3A_509, %lt3A_511 : i1
    %convert_element_type3A_513 = arith.extui %and3A_512 : i1 to i32
    %cond3A_514 = arith.constant 0 : i32
    %cond3A_515 = arith.cmpi ne, %convert_element_type3A_513, %cond3A_514 : i32
    scf.if %cond3A_515 {
      %get3A_703 = arith.constant 46 : index
      %get3A_704 = arith.constant 0 : index
      %get3A_705 = vector.load %arg2[%get3A_703, %get3A_704] : memref<64x16384xf32, #tpu.memory_space<vmem>>, vector<1x16384xf32>
      %swap3A_706 = arith.index_cast %sub3A_507 : i32 to index
      %swap3A_707 = arith.constant 0 : index
      %swap3A_708 = vector.load %arg4[%swap3A_706, %swap3A_707] : memref<128x16384xf32, #tpu.memory_space<vmem>>, vector<1x16384xf32>
      tpu.vector_store %arg4[%swap3A_706, %swap3A_707], %get3A_705 {strides = array<i32>} : memref<128x16384xf32, #tpu.memory_space<vmem>>, vector<1x16384xf32>,
    } else {
    }
    %get3A_516 = arith.constant 47 : index
    %get3A_517 = memref.load %arg1[%get3A_516] : memref<64xi32, #tpu.memory_space<smem>>
    %sub3A_518 = arith.subi %get3A_517, %mul3A_0 : i32
    %ge3A_519 = arith.constant 0 : i32
    %ge3A_520 = arith.cmpi sge, %sub3A_518, %ge3A_519 : i32
    %lt3A_521 = arith.constant 128 : i32
    %lt3A_522 = arith.cmpi slt, %sub3A_518, %lt3A_521 : i32
    %and3A_523 = arith.andi %ge3A_520, %lt3A_522 : i1
    %convert_element_type3A_524 = arith.extui %and3A_523 : i1 to i32
    %cond3A_525 = arith.constant 0 : i32
    %cond3A_526 = arith.cmpi ne, %convert_element_type3A_524, %cond3A_525 : i32
    scf.if %cond3A_526 {
      %get3A_703 = arith.constant 47 : index
      %get3A_704 = arith.constant 0 : index
      %get3A_705 = vector.load %arg2[%get3A_703, %get3A_704] : memref<64x16384xf32, #tpu.memory_space<vmem>>, vector<1x16384xf32>
      %swap3A_706 = arith.index_cast %sub3A_518 : i32 to index
      %swap3A_707 = arith.constant 0 : index
      %swap3A_708 = vector.load %arg4[%swap3A_706, %swap3A_707] : memref<128x16384xf32, #tpu.memory_space<vmem>>, vector<1x16384xf32>
      tpu.vector_store %arg4[%swap3A_706, %swap3A_707], %get3A_705 {strides = array<i32>} : memref<128x16384xf32, #tpu.memory_space<vmem>>, vector<1x16384xf32>,
    } else {
    }
    %get3A_527 = arith.constant 48 : index
    %get3A_528 = memref.load %arg1[%get3A_527] : memref<64xi32, #tpu.memory_space<smem>>
    %sub3A_529 = arith.subi %get3A_528, %mul3A_0 : i32
    %ge3A_530 = arith.constant 0 : i32
    %ge3A_531 = arith.cmpi sge, %sub3A_529, %ge3A_530 : i32
    %lt3A_532 = arith.constant 128 : i32
    %lt3A_533 = arith.cmpi slt, %sub3A_529, %lt3A_532 : i32
    %and3A_534 = arith.andi %ge3A_531, %lt3A_533 : i1
    %convert_element_type3A_535 = arith.extui %and3A_534 : i1 to i32
    %cond3A_536 = arith.constant 0 : i32
    %cond3A_537 = arith.cmpi ne, %convert_element_type3A_535, %cond3A_536 : i32
    scf.if %cond3A_537 {
      %get3A_703 = arith.constant 48 : index
      %get3A_704 = arith.constant 0 : index
      %get3A_705 = vector.load %arg2[%get3A_703, %get3A_704] : memref<64x16384xf32, #tpu.memory_space<vmem>>, vector<1x16384xf32>
      %swap3A_706 = arith.index_cast %sub3A_529 : i32 to index
      %swap3A_707 = arith.constant 0 : index
      %swap3A_708 = vector.load %arg4[%swap3A_706, %swap3A_707] : memref<128x16384xf32, #tpu.memory_space<vmem>>, vector<1x16384xf32>
      tpu.vector_store %arg4[%swap3A_706, %swap3A_707], %get3A_705 {strides = array<i32>} : memref<128x16384xf32, #tpu.memory_space<vmem>>, vector<1x16384xf32>,
    } else {
    }
    %get3A_538 = arith.constant 49 : index
    %get3A_539 = memref.load %arg1[%get3A_538] : memref<64xi32, #tpu.memory_space<smem>>
    %sub3A_540 = arith.subi %get3A_539, %mul3A_0 : i32
    %ge3A_541 = arith.constant 0 : i32
    %ge3A_542 = arith.cmpi sge, %sub3A_540, %ge3A_541 : i32
    %lt3A_543 = arith.constant 128 : i32
    %lt3A_544 = arith.cmpi slt, %sub3A_540, %lt3A_543 : i32
    %and3A_545 = arith.andi %ge3A_542, %lt3A_544 : i1
    %convert_element_type3A_546 = arith.extui %and3A_545 : i1 to i32
    %cond3A_547 = arith.constant 0 : i32
    %cond3A_548 = arith.cmpi ne, %convert_element_type3A_546, %cond3A_547 : i32
    scf.if %cond3A_548 {
      %get3A_703 = arith.constant 49 : index
      %get3A_704 = arith.constant 0 : index
      %get3A_705 = vector.load %arg2[%get3A_703, %get3A_704] : memref<64x16384xf32, #tpu.memory_space<vmem>>, vector<1x16384xf32>
      %swap3A_706 = arith.index_cast %sub3A_540 : i32 to index
      %swap3A_707 = arith.constant 0 : index
      %swap3A_708 = vector.load %arg4[%swap3A_706, %swap3A_707] : memref<128x16384xf32, #tpu.memory_space<vmem>>, vector<1x16384xf32>
      tpu.vector_store %arg4[%swap3A_706, %swap3A_707], %get3A_705 {strides = array<i32>} : memref<128x16384xf32, #tpu.memory_space<vmem>>, vector<1x16384xf32>,
    } else {
    }
    %get3A_549 = arith.constant 50 : index
    %get3A_550 = memref.load %arg1[%get3A_549] : memref<64xi32, #tpu.memory_space<smem>>
    %sub3A_551 = arith.subi %get3A_550, %mul3A_0 : i32
    %ge3A_552 = arith.constant 0 : i32
    %ge3A_553 = arith.cmpi sge, %sub3A_551, %ge3A_552 : i32
    %lt3A_554 = arith.constant 128 : i32
    %lt3A_555 = arith.cmpi slt, %sub3A_551, %lt3A_554 : i32
    %and3A_556 = arith.andi %ge3A_553, %lt3A_555 : i1
    %convert_element_type3A_557 = arith.extui %and3A_556 : i1 to i32
    %cond3A_558 = arith.constant 0 : i32
    %cond3A_559 = arith.cmpi ne, %convert_element_type3A_557, %cond3A_558 : i32
    scf.if %cond3A_559 {
      %get3A_703 = arith.constant 50 : index
      %get3A_704 = arith.constant 0 : index
      %get3A_705 = vector.load %arg2[%get3A_703, %get3A_704] : memref<64x16384xf32, #tpu.memory_space<vmem>>, vector<1x16384xf32>
      %swap3A_706 = arith.index_cast %sub3A_551 : i32 to index
      %swap3A_707 = arith.constant 0 : index
      %swap3A_708 = vector.load %arg4[%swap3A_706, %swap3A_707] : memref<128x16384xf32, #tpu.memory_space<vmem>>, vector<1x16384xf32>
      tpu.vector_store %arg4[%swap3A_706, %swap3A_707], %get3A_705 {strides = array<i32>} : memref<128x16384xf32, #tpu.memory_space<vmem>>, vector<1x16384xf32>,
    } else {
    }
    %get3A_560 = arith.constant 51 : index
    %get3A_561 = memref.load %arg1[%get3A_560] : memref<64xi32, #tpu.memory_space<smem>>
    %sub3A_562 = arith.subi %get3A_561, %mul3A_0 : i32
    %ge3A_563 = arith.constant 0 : i32
    %ge3A_564 = arith.cmpi sge, %sub3A_562, %ge3A_563 : i32
    %lt3A_565 = arith.constant 128 : i32
    %lt3A_566 = arith.cmpi slt, %sub3A_562, %lt3A_565 : i32
    %and3A_567 = arith.andi %ge3A_564, %lt3A_566 : i1
    %convert_element_type3A_568 = arith.extui %and3A_567 : i1 to i32
    %cond3A_569 = arith.constant 0 : i32
    %cond3A_570 = arith.cmpi ne, %convert_element_type3A_568, %cond3A_569 : i32
    scf.if %cond3A_570 {
      %get3A_703 = arith.constant 51 : index
      %get3A_704 = arith.constant 0 : index
      %get3A_705 = vector.load %arg2[%get3A_703, %get3A_704] : memref<64x16384xf32, #tpu.memory_space<vmem>>, vector<1x16384xf32>
      %swap3A_706 = arith.index_cast %sub3A_562 : i32 to index
      %swap3A_707 = arith.constant 0 : index
      %swap3A_708 = vector.load %arg4[%swap3A_706, %swap3A_707] : memref<128x16384xf32, #tpu.memory_space<vmem>>, vector<1x16384xf32>
      tpu.vector_store %arg4[%swap3A_706, %swap3A_707], %get3A_705 {strides = array<i32>} : memref<128x16384xf32, #tpu.memory_space<vmem>>, vector<1x16384xf32>,
    } else {
    }
    %get3A_571 = arith.constant 52 : index
    %get3A_572 = memref.load %arg1[%get3A_571] : memref<64xi32, #tpu.memory_space<smem>>
    %sub3A_573 = arith.subi %get3A_572, %mul3A_0 : i32
    %ge3A_574 = arith.constant 0 : i32
    %ge3A_575 = arith.cmpi sge, %sub3A_573, %ge3A_574 : i32
    %lt3A_576 = arith.constant 128 : i32
    %lt3A_577 = arith.cmpi slt, %sub3A_573, %lt3A_576 : i32
    %and3A_578 = arith.andi %ge3A_575, %lt3A_577 : i1
    %convert_element_type3A_579 = arith.extui %and3A_578 : i1 to i32
    %cond3A_580 = arith.constant 0 : i32
    %cond3A_581 = arith.cmpi ne, %convert_element_type3A_579, %cond3A_580 : i32
    scf.if %cond3A_581 {
      %get3A_703 = arith.constant 52 : index
      %get3A_704 = arith.constant 0 : index
      %get3A_705 = vector.load %arg2[%get3A_703, %get3A_704] : memref<64x16384xf32, #tpu.memory_space<vmem>>, vector<1x16384xf32>
      %swap3A_706 = arith.index_cast %sub3A_573 : i32 to index
      %swap3A_707 = arith.constant 0 : index
      %swap3A_708 = vector.load %arg4[%swap3A_706, %swap3A_707] : memref<128x16384xf32, #tpu.memory_space<vmem>>, vector<1x16384xf32>
      tpu.vector_store %arg4[%swap3A_706, %swap3A_707], %get3A_705 {strides = array<i32>} : memref<128x16384xf32, #tpu.memory_space<vmem>>, vector<1x16384xf32>,
    } else {
    }
    %get3A_582 = arith.constant 53 : index
    %get3A_583 = memref.load %arg1[%get3A_582] : memref<64xi32, #tpu.memory_space<smem>>
    %sub3A_584 = arith.subi %get3A_583, %mul3A_0 : i32
    %ge3A_585 = arith.constant 0 : i32
    %ge3A_586 = arith.cmpi sge, %sub3A_584, %ge3A_585 : i32
    %lt3A_587 = arith.constant 128 : i32
    %lt3A_588 = arith.cmpi slt, %sub3A_584, %lt3A_587 : i32
    %and3A_589 = arith.andi %ge3A_586, %lt3A_588 : i1
    %convert_element_type3A_590 = arith.extui %and3A_589 : i1 to i32
    %cond3A_591 = arith.constant 0 : i32
    %cond3A_592 = arith.cmpi ne, %convert_element_type3A_590, %cond3A_591 : i32
    scf.if %cond3A_592 {
      %get3A_703 = arith.constant 53 : index
      %get3A_704 = arith.constant 0 : index
      %get3A_705 = vector.load %arg2[%get3A_703, %get3A_704] : memref<64x16384xf32, #tpu.memory_space<vmem>>, vector<1x16384xf32>
      %swap3A_706 = arith.index_cast %sub3A_584 : i32 to index
      %swap3A_707 = arith.constant 0 : index
      %swap3A_708 = vector.load %arg4[%swap3A_706, %swap3A_707] : memref<128x16384xf32, #tpu.memory_space<vmem>>, vector<1x16384xf32>
      tpu.vector_store %arg4[%swap3A_706, %swap3A_707], %get3A_705 {strides = array<i32>} : memref<128x16384xf32, #tpu.memory_space<vmem>>, vector<1x16384xf32>,
    } else {
    }
    %get3A_593 = arith.constant 54 : index
    %get3A_594 = memref.load %arg1[%get3A_593] : memref<64xi32, #tpu.memory_space<smem>>
    %sub3A_595 = arith.subi %get3A_594, %mul3A_0 : i32
    %ge3A_596 = arith.constant 0 : i32
    %ge3A_597 = arith.cmpi sge, %sub3A_595, %ge3A_596 : i32
    %lt3A_598 = arith.constant 128 : i32
    %lt3A_599 = arith.cmpi slt, %sub3A_595, %lt3A_598 : i32
    %and3A_600 = arith.andi %ge3A_597, %lt3A_599 : i1
    %convert_element_type3A_601 = arith.extui %and3A_600 : i1 to i32
    %cond3A_602 = arith.constant 0 : i32
    %cond3A_603 = arith.cmpi ne, %convert_element_type3A_601, %cond3A_602 : i32
    scf.if %cond3A_603 {
      %get3A_703 = arith.constant 54 : index
      %get3A_704 = arith.constant 0 : index
      %get3A_705 = vector.load %arg2[%get3A_703, %get3A_704] : memref<64x16384xf32, #tpu.memory_space<vmem>>, vector<1x16384xf32>
      %swap3A_706 = arith.index_cast %sub3A_595 : i32 to index
      %swap3A_707 = arith.constant 0 : index
      %swap3A_708 = vector.load %arg4[%swap3A_706, %swap3A_707] : memref<128x16384xf32, #tpu.memory_space<vmem>>, vector<1x16384xf32>
      tpu.vector_store %arg4[%swap3A_706, %swap3A_707], %get3A_705 {strides = array<i32>} : memref<128x16384xf32, #tpu.memory_space<vmem>>, vector<1x16384xf32>,
    } else {
    }
    %get3A_604 = arith.constant 55 : index
    %get3A_605 = memref.load %arg1[%get3A_604] : memref<64xi32, #tpu.memory_space<smem>>
    %sub3A_606 = arith.subi %get3A_605, %mul3A_0 : i32
    %ge3A_607 = arith.constant 0 : i32
    %ge3A_608 = arith.cmpi sge, %sub3A_606, %ge3A_607 : i32
    %lt3A_609 = arith.constant 128 : i32
    %lt3A_610 = arith.cmpi slt, %sub3A_606, %lt3A_609 : i32
    %and3A_611 = arith.andi %ge3A_608, %lt3A_610 : i1
    %convert_element_type3A_612 = arith.extui %and3A_611 : i1 to i32
    %cond3A_613 = arith.constant 0 : i32
    %cond3A_614 = arith.cmpi ne, %convert_element_type3A_612, %cond3A_613 : i32
    scf.if %cond3A_614 {
      %get3A_703 = arith.constant 55 : index
      %get3A_704 = arith.constant 0 : index
      %get3A_705 = vector.load %arg2[%get3A_703, %get3A_704] : memref<64x16384xf32, #tpu.memory_space<vmem>>, vector<1x16384xf32>
      %swap3A_706 = arith.index_cast %sub3A_606 : i32 to index
      %swap3A_707 = arith.constant 0 : index
      %swap3A_708 = vector.load %arg4[%swap3A_706, %swap3A_707] : memref<128x16384xf32, #tpu.memory_space<vmem>>, vector<1x16384xf32>
      tpu.vector_store %arg4[%swap3A_706, %swap3A_707], %get3A_705 {strides = array<i32>} : memref<128x16384xf32, #tpu.memory_space<vmem>>, vector<1x16384xf32>,
    } else {
    }
    %get3A_615 = arith.constant 56 : index
    %get3A_616 = memref.load %arg1[%get3A_615] : memref<64xi32, #tpu.memory_space<smem>>
    %sub3A_617 = arith.subi %get3A_616, %mul3A_0 : i32
    %ge3A_618 = arith.constant 0 : i32
    %ge3A_619 = arith.cmpi sge, %sub3A_617, %ge3A_618 : i32
    %lt3A_620 = arith.constant 128 : i32
    %lt3A_621 = arith.cmpi slt, %sub3A_617, %lt3A_620 : i32
    %and3A_622 = arith.andi %ge3A_619, %lt3A_621 : i1
    %convert_element_type3A_623 = arith.extui %and3A_622 : i1 to i32
    %cond3A_624 = arith.constant 0 : i32
    %cond3A_625 = arith.cmpi ne, %convert_element_type3A_623, %cond3A_624 : i32
    scf.if %cond3A_625 {
      %get3A_703 = arith.constant 56 : index
      %get3A_704 = arith.constant 0 : index
      %get3A_705 = vector.load %arg2[%get3A_703, %get3A_704] : memref<64x16384xf32, #tpu.memory_space<vmem>>, vector<1x16384xf32>
      %swap3A_706 = arith.index_cast %sub3A_617 : i32 to index
      %swap3A_707 = arith.constant 0 : index
      %swap3A_708 = vector.load %arg4[%swap3A_706, %swap3A_707] : memref<128x16384xf32, #tpu.memory_space<vmem>>, vector<1x16384xf32>
      tpu.vector_store %arg4[%swap3A_706, %swap3A_707], %get3A_705 {strides = array<i32>} : memref<128x16384xf32, #tpu.memory_space<vmem>>, vector<1x16384xf32>,
    } else {
    }
    %get3A_626 = arith.constant 57 : index
    %get3A_627 = memref.load %arg1[%get3A_626] : memref<64xi32, #tpu.memory_space<smem>>
    %sub3A_628 = arith.subi %get3A_627, %mul3A_0 : i32
    %ge3A_629 = arith.constant 0 : i32
    %ge3A_630 = arith.cmpi sge, %sub3A_628, %ge3A_629 : i32
    %lt3A_631 = arith.constant 128 : i32
    %lt3A_632 = arith.cmpi slt, %sub3A_628, %lt3A_631 : i32
    %and3A_633 = arith.andi %ge3A_630, %lt3A_632 : i1
    %convert_element_type3A_634 = arith.extui %and3A_633 : i1 to i32
    %cond3A_635 = arith.constant 0 : i32
    %cond3A_636 = arith.cmpi ne, %convert_element_type3A_634, %cond3A_635 : i32
    scf.if %cond3A_636 {
      %get3A_703 = arith.constant 57 : index
      %get3A_704 = arith.constant 0 : index
      %get3A_705 = vector.load %arg2[%get3A_703, %get3A_704] : memref<64x16384xf32, #tpu.memory_space<vmem>>, vector<1x16384xf32>
      %swap3A_706 = arith.index_cast %sub3A_628 : i32 to index
      %swap3A_707 = arith.constant 0 : index
      %swap3A_708 = vector.load %arg4[%swap3A_706, %swap3A_707] : memref<128x16384xf32, #tpu.memory_space<vmem>>, vector<1x16384xf32>
      tpu.vector_store %arg4[%swap3A_706, %swap3A_707], %get3A_705 {strides = array<i32>} : memref<128x16384xf32, #tpu.memory_space<vmem>>, vector<1x16384xf32>,
    } else {
    }
    %get3A_637 = arith.constant 58 : index
    %get3A_638 = memref.load %arg1[%get3A_637] : memref<64xi32, #tpu.memory_space<smem>>
    %sub3A_639 = arith.subi %get3A_638, %mul3A_0 : i32
    %ge3A_640 = arith.constant 0 : i32
    %ge3A_641 = arith.cmpi sge, %sub3A_639, %ge3A_640 : i32
    %lt3A_642 = arith.constant 128 : i32
    %lt3A_643 = arith.cmpi slt, %sub3A_639, %lt3A_642 : i32
    %and3A_644 = arith.andi %ge3A_641, %lt3A_643 : i1
    %convert_element_type3A_645 = arith.extui %and3A_644 : i1 to i32
    %cond3A_646 = arith.constant 0 : i32
    %cond3A_647 = arith.cmpi ne, %convert_element_type3A_645, %cond3A_646 : i32
    scf.if %cond3A_647 {
      %get3A_703 = arith.constant 58 : index
      %get3A_704 = arith.constant 0 : index
      %get3A_705 = vector.load %arg2[%get3A_703, %get3A_704] : memref<64x16384xf32, #tpu.memory_space<vmem>>, vector<1x16384xf32>
      %swap3A_706 = arith.index_cast %sub3A_639 : i32 to index
      %swap3A_707 = arith.constant 0 : index
      %swap3A_708 = vector.load %arg4[%swap3A_706, %swap3A_707] : memref<128x16384xf32, #tpu.memory_space<vmem>>, vector<1x16384xf32>
      tpu.vector_store %arg4[%swap3A_706, %swap3A_707], %get3A_705 {strides = array<i32>} : memref<128x16384xf32, #tpu.memory_space<vmem>>, vector<1x16384xf32>,
    } else {
    }
    %get3A_648 = arith.constant 59 : index
    %get3A_649 = memref.load %arg1[%get3A_648] : memref<64xi32, #tpu.memory_space<smem>>
    %sub3A_650 = arith.subi %get3A_649, %mul3A_0 : i32
    %ge3A_651 = arith.constant 0 : i32
    %ge3A_652 = arith.cmpi sge, %sub3A_650, %ge3A_651 : i32
    %lt3A_653 = arith.constant 128 : i32
    %lt3A_654 = arith.cmpi slt, %sub3A_650, %lt3A_653 : i32
    %and3A_655 = arith.andi %ge3A_652, %lt3A_654 : i1
    %convert_element_type3A_656 = arith.extui %and3A_655 : i1 to i32
    %cond3A_657 = arith.constant 0 : i32
    %cond3A_658 = arith.cmpi ne, %convert_element_type3A_656, %cond3A_657 : i32
    scf.if %cond3A_658 {
      %get3A_703 = arith.constant 59 : index
      %get3A_704 = arith.constant 0 : index
      %get3A_705 = vector.load %arg2[%get3A_703, %get3A_704] : memref<64x16384xf32, #tpu.memory_space<vmem>>, vector<1x16384xf32>
      %swap3A_706 = arith.index_cast %sub3A_650 : i32 to index
      %swap3A_707 = arith.constant 0 : index
      %swap3A_708 = vector.load %arg4[%swap3A_706, %swap3A_707] : memref<128x16384xf32, #tpu.memory_space<vmem>>, vector<1x16384xf32>
      tpu.vector_store %arg4[%swap3A_706, %swap3A_707], %get3A_705 {strides = array<i32>} : memref<128x16384xf32, #tpu.memory_space<vmem>>, vector<1x16384xf32>,
    } else {
    }
    %get3A_659 = arith.constant 60 : index
    %get3A_660 = memref.load %arg1[%get3A_659] : memref<64xi32, #tpu.memory_space<smem>>
    %sub3A_661 = arith.subi %get3A_660, %mul3A_0 : i32
    %ge3A_662 = arith.constant 0 : i32
    %ge3A_663 = arith.cmpi sge, %sub3A_661, %ge3A_662 : i32
    %lt3A_664 = arith.constant 128 : i32
    %lt3A_665 = arith.cmpi slt, %sub3A_661, %lt3A_664 : i32
    %and3A_666 = arith.andi %ge3A_663, %lt3A_665 : i1
    %convert_element_type3A_667 = arith.extui %and3A_666 : i1 to i32
    %cond3A_668 = arith.constant 0 : i32
    %cond3A_669 = arith.cmpi ne, %convert_element_type3A_667, %cond3A_668 : i32
    scf.if %cond3A_669 {
      %get3A_703 = arith.constant 60 : index
      %get3A_704 = arith.constant 0 : index
      %get3A_705 = vector.load %arg2[%get3A_703, %get3A_704] : memref<64x16384xf32, #tpu.memory_space<vmem>>, vector<1x16384xf32>
      %swap3A_706 = arith.index_cast %sub3A_661 : i32 to index
      %swap3A_707 = arith.constant 0 : index
      %swap3A_708 = vector.load %arg4[%swap3A_706, %swap3A_707] : memref<128x16384xf32, #tpu.memory_space<vmem>>, vector<1x16384xf32>
      tpu.vector_store %arg4[%swap3A_706, %swap3A_707], %get3A_705 {strides = array<i32>} : memref<128x16384xf32, #tpu.memory_space<vmem>>, vector<1x16384xf32>,
    } else {
    }
    %get3A_670 = arith.constant 61 : index
    %get3A_671 = memref.load %arg1[%get3A_670] : memref<64xi32, #tpu.memory_space<smem>>
    %sub3A_672 = arith.subi %get3A_671, %mul3A_0 : i32
    %ge3A_673 = arith.constant 0 : i32
    %ge3A_674 = arith.cmpi sge, %sub3A_672, %ge3A_673 : i32
    %lt3A_675 = arith.constant 128 : i32
    %lt3A_676 = arith.cmpi slt, %sub3A_672, %lt3A_675 : i32
    %and3A_677 = arith.andi %ge3A_674, %lt3A_676 : i1
    %convert_element_type3A_678 = arith.extui %and3A_677 : i1 to i32
    %cond3A_679 = arith.constant 0 : i32
    %cond3A_680 = arith.cmpi ne, %convert_element_type3A_678, %cond3A_679 : i32
    scf.if %cond3A_680 {
      %get3A_703 = arith.constant 61 : index
      %get3A_704 = arith.constant 0 : index
      %get3A_705 = vector.load %arg2[%get3A_703, %get3A_704] : memref<64x16384xf32, #tpu.memory_space<vmem>>, vector<1x16384xf32>
      %swap3A_706 = arith.index_cast %sub3A_672 : i32 to index
      %swap3A_707 = arith.constant 0 : index
      %swap3A_708 = vector.load %arg4[%swap3A_706, %swap3A_707] : memref<128x16384xf32, #tpu.memory_space<vmem>>, vector<1x16384xf32>
      tpu.vector_store %arg4[%swap3A_706, %swap3A_707], %get3A_705 {strides = array<i32>} : memref<128x16384xf32, #tpu.memory_space<vmem>>, vector<1x16384xf32>,
    } else {
    }
    %get3A_681 = arith.constant 62 : index
    %get3A_682 = memref.load %arg1[%get3A_681] : memref<64xi32, #tpu.memory_space<smem>>
    %sub3A_683 = arith.subi %get3A_682, %mul3A_0 : i32
    %ge3A_684 = arith.constant 0 : i32
    %ge3A_685 = arith.cmpi sge, %sub3A_683, %ge3A_684 : i32
    %lt3A_686 = arith.constant 128 : i32
    %lt3A_687 = arith.cmpi slt, %sub3A_683, %lt3A_686 : i32
    %and3A_688 = arith.andi %ge3A_685, %lt3A_687 : i1
    %convert_element_type3A_689 = arith.extui %and3A_688 : i1 to i32
    %cond3A_690 = arith.constant 0 : i32
    %cond3A_691 = arith.cmpi ne, %convert_element_type3A_689, %cond3A_690 : i32
    scf.if %cond3A_691 {
      %get3A_703 = arith.constant 62 : index
      %get3A_704 = arith.constant 0 : index
      %get3A_705 = vector.load %arg2[%get3A_703, %get3A_704] : memref<64x16384xf32, #tpu.memory_space<vmem>>, vector<1x16384xf32>
      %swap3A_706 = arith.index_cast %sub3A_683 : i32 to index
      %swap3A_707 = arith.constant 0 : index
      %swap3A_708 = vector.load %arg4[%swap3A_706, %swap3A_707] : memref<128x16384xf32, #tpu.memory_space<vmem>>, vector<1x16384xf32>
      tpu.vector_store %arg4[%swap3A_706, %swap3A_707], %get3A_705 {strides = array<i32>} : memref<128x16384xf32, #tpu.memory_space<vmem>>, vector<1x16384xf32>,
    } else {
    }
    %get3A_692 = arith.constant 63 : index
    %get3A_693 = memref.load %arg1[%get3A_692] : memref<64xi32, #tpu.memory_space<smem>>
    %sub3A_694 = arith.subi %get3A_693, %mul3A_0 : i32
    %ge3A_695 = arith.constant 0 : i32
    %ge3A_696 = arith.cmpi sge, %sub3A_694, %ge3A_695 : i32
    %lt3A_697 = arith.constant 128 : i32
    %lt3A_698 = arith.cmpi slt, %sub3A_694, %lt3A_697 : i32
    %and3A_699 = arith.andi %ge3A_696, %lt3A_698 : i1
    %convert_element_type3A_700 = arith.extui %and3A_699 : i1 to i32
    %cond3A_701 = arith.constant 0 : i32
    %cond3A_702 = arith.cmpi ne, %convert_element_type3A_700, %cond3A_701 : i32
    scf.if %cond3A_702 {
      %get3A_703 = arith.constant 63 : index
      %get3A_704 = arith.constant 0 : index
      %get3A_705 = vector.load %arg2[%get3A_703, %get3A_704] : memref<64x16384xf32, #tpu.memory_space<vmem>>, vector<1x16384xf32>
      %swap3A_706 = arith.index_cast %sub3A_694 : i32 to index
      %swap3A_707 = arith.constant 0 : index
      %swap3A_708 = vector.load %arg4[%swap3A_706, %swap3A_707] : memref<128x16384xf32, #tpu.memory_space<vmem>>, vector<1x16384xf32>
      tpu.vector_store %arg4[%swap3A_706, %swap3A_707], %get3A_705 {strides = array<i32>} : memref<128x16384xf32, #tpu.memory_space<vmem>>, vector<1x16384xf32>,
    } else {
    }
    return
  }
  func.func @transform_0(%arg0: i32) -> i32 {
    %c0_i32 = arith.constant 0 : i32
    %c0_i32_0 = arith.constant 0 : i32
    return %c0_i32 : i32
  }
  func.func @transform_1(%arg0: i32) -> (i32, i32) {
    %c0_i32 = arith.constant 0 : i32
    %c0_i32_0 = arith.constant 0 : i32
    %c0_i32_1 = arith.constant 0 : i32
    return %c0_i32, %c0_i32_0 : i32, i32
  }
  func.func @transform_2(%arg0: i32) -> (i32, i32) {
    %c0_i32 = arith.constant 0 : i32
    %c0_i32_0 = arith.constant 0 : i32
    return %arg0, %c0_i32 : i32, i32
  }
  func.func @transform_3(%arg0: i32) -> (i32, i32) {
    %c0_i32 = arith.constant 0 : i32
    %c0_i32_0 = arith.constant 0 : i32
    return %arg0, %c0_i32 : i32, i32
  }
}

</mosaic_0001>

<sc_bundles>
// kernel: kernel.5.cloned.1.call-start
scs
__scs_entry_jumppad:
0x0: {  	(pc) =	sbr.rel $0x88, $3  }
0x1: {  	(tag) =	ssettag $0x0;
	lr =	simm.s32 $0x1  }
0x2: {  	[smem:$0x3F9E] =	sst lr;
	_ =	strace $0xD0000000  }
0x3: {  	_ = 	snop  }
0x4: {  	_ = 	snop  }
0x5: {  	_ = 	snop  }
0x6: {  	_ = 	snop  }
0x7: {  	_ = 	snop  }
__scs_overlays_trampoline_lowered:
0x8: {  	[smem:$0x3FAD] =	sst s0  }
0x9: {  	[smem:$0x3FAE] =	sst s1  }
0xa: {  	[smem:$0x3FAF] =	sst s2  }
0xb: {  	[smem:$0x3FB0] =	sst s3  }
0xc: {  	[smem:$0x3FB1] =	sst s4  }
0xd: {  	[smem:$0x3FB2] =	sst s5  }
0xe: {  	[smem:$0x3FB3] =	sst s6  }
0xf: {  	[smem:$0x3FB4] =	sst s7  }
0x10: {  	[smem:$0x3FB5] =	sst s8  }
0x11: {  	[smem:$0x3FB6] =	sst s9;
	s0 =	simm.s32 @!p0 $0x0  }
0x12: {  	s1 =	sld [smem:$0x3F9C];
	s0 =	simm.s32 @p0 $0x1  }
0x13: {  	[smem:$0x3FB7] =	sst s0;
	s0 =	simm.s32 @!p1 $0x0  }
0x14: {  	s2 =	sld [smem:$0x3F9B];
	s0 =	simm.s32 @p1 $0x1  }
0x15: {  	[smem:$0x3FB8] =	sst s0;
	s0 =	simm.s32 @!p2 $0x0  }
0x16: {  	s3 =	sld [smem:$0x3FDB];
	s0 =	simm.s32 @p2 $0x1  }
0x17: {  	s4 =	simm.s32 $0x1BF5;
	[smem:$0x3FBA] =	sst s0  }
0x18: {  	s0 =	sld [smem:$0x3F9D];
	_ =	swait.ge [sflag:s4], $0x0  }
0x19: {  	s7 =	sld [smem:$0x3F9E]  }
0x1a: {  	s8 =	sadd.s32 $0xFFFFE003, lr  }
0x1b: {  	s9 =	sadd.s32 $0xFFFFFEF7, lr;
	s5 =	simm.s32 $0xFFFFFFFF;
	p2 =	slt.u32 s8, $0xFFFFF086  }
0x1c: {  	p1 =	slt.u32 s9, $0xF7A;
	s5 =	simm.s32 @!p2 $0x0  }
0x1d: {  	s5 =	simm.s32 @p1 $0x1;
	p0 =	seq.s32 s7, s2  }
0x1e: {  	s7 =	smul.u32 @!p0 $0xF7A, s2;
	p2 =	seq.s32 @!p0 s5, $0x0  }
0x1f: {  	s9 =	smul.u32 $0xF7A, s1;
	s8 =	simm.s32 @!p0 $0x1BF5;
	p2 =	por !p2, p0  }
0x20: {  	[sflag:s8] =	ssyncset.s32 @!p0 $0xFFFFF086;
	s6 =	sadd.s32 @!p0 s3, s7;
	s7 =	simm.s32 @!p0 $0x108  }
0x21: {  	s3 =	sadd.s32 s3, s9;
	s6 =	sadd.s32 @!p0 $0x88, s6;
	s7 =	simm.s32 @p2 $0x1082  }
0x22: {  	[simem:s7], [sflag:s8] =	dma.local @!p0 [hbm:s6], $0xF7A  }
0x23: {  	s9 =	sor.u32 $0xD0000000, s2;
	s6 =	simm.s32 $0x108;
	_ =	swait.ge @!p0 [sflag:s8], $0x0  }
0x24: {  	s3 =	sadd.s32 $0x88, s3;
	s6 =	simm.s32 @!p1 $0x1082;
	[sflag:s4] =	ssyncset.s32 $0xFFFFF086  }
0x25: {  	[simem:s6], [sflag:s4] =	dma.local [hbm:s3], $0xF7A  }
0x26: {  	[smem:$0x3F9E] =	sst s1;
	(tag) =	ssettag s2;
	_ =	strace s9  }
0x27: {  	s1 =	sld [smem:$0x3FAE]  }
0x28: {  	s2 =	sld [smem:$0x3FAF]  }
0x29: {  	s4 =	sld [smem:$0x3FB1]  }
0x2a: {  	p0 =	seq.s32 s5, $0x0;
	s5 =	sld [smem:$0x3FB2]  }
0x2b: {  	s6 =	sld [smem:$0x3FB3]  }
0x2c: {  	s7 =	sld [smem:$0x3FB4]  }
0x2d: {  	s3 =	simm.s32 $0x108;
	s8 =	sld [smem:$0x3FB5]  }
0x2e: {  	s3 =	simm.s32 @!p0 $0x1082;
	s9 =	sld [smem:$0x3FB6]  }
0x2f: {  	lr =	sadd.s32 s0, s3;
	s0 =	sld [smem:$0x3FAD]  }
0x30: {  	s3 =	sld [smem:$0x3FB0]  }
0x31: {  	[smem:$0x3FB9] =	sst s10  }
0x32: {  	s10 =	sld [smem:$0x3FB7];
	_ =	sdelay $0x3  }
0x33: {  	p0 =	seq.s32 s10, $0x1;
	s10 =	sld [smem:$0x3FB9];
	_ =	sdelay $0x3  }
0x34: {  	[smem:$0x3FB9] =	sst s10  }
0x35: {  	s10 =	sld [smem:$0x3FB8];
	_ =	sdelay $0x3  }
0x36: {  	p1 =	seq.s32 s10, $0x1;
	s10 =	sld [smem:$0x3FB9];
	_ =	sdelay $0x3  }
0x37: {  	[smem:$0x3FB9] =	sst s10  }
0x38: {  	s10 =	sld [smem:$0x3FBA]  }
0x39: {  	_ = 	snop;
	(pc) =	sbr.ind lr, $3  }
0x3a: {  	_ = 	snop  }
0x3b: {  	_ = 	snop  }
0x3c: {  	p2 =	seq.s32 s10, $0x1;
	s10 =	sld [smem:$0x3FB9]  }
0x3d: {  	_ =	shalt  }
0x3e: {  	_ =	shalt  }
0x3f: {  	_ =	shalt  }
0x40: {  	_ =	shalt  }
0x41: {  	_ =	shalt  }
0x42: {  	_ =	shalt  }
0x43: {  	_ =	shalt  }
0x44: {  	_ =	shalt  }
0x45: {  	_ =	shalt  }
0x46: {  	_ =	shalt  }
0x47: {  	_ =	shalt  }
0x48: {  	_ =	shalt  }
0x49: {  	_ =	shalt  }
0x4a: {  	_ =	shalt  }
0x4b: {  	_ =	shalt  }
0x4c: {  	_ =	shalt  }
0x4d: {  	_ =	shalt  }
0x4e: {  	_ =	shalt  }
0x4f: {  	_ =	shalt  }
0x50: {  	_ =	shalt  }
0x51: {  	_ =	shalt  }
0x52: {  	_ =	shalt  }
0x53: {  	_ =	shalt  }
0x54: {  	_ =	shalt  }
0x55: {  	_ =	shalt  }
0x56: {  	_ =	shalt  }
0x57: {  	_ =	shalt  }
0x58: {  	_ =	shalt  }
0x59: {  	_ =	shalt  }
0x5a: {  	_ =	shalt  }
0x5b: {  	_ =	shalt  }
0x5c: {  	_ =	shalt  }
0x5d: {  	_ =	shalt  }
0x5e: {  	_ =	shalt  }
0x5f: {  	_ =	shalt  }
0x60: {  	_ =	shalt  }
0x61: {  	_ =	shalt  }
0x62: {  	_ =	shalt  }
0x63: {  	_ =	shalt  }
0x64: {  	_ =	shalt  }
0x65: {  	_ =	shalt  }
0x66: {  	_ =	shalt  }
0x67: {  	_ =	shalt  }
0x68: {  	_ =	shalt  }
0x69: {  	_ =	shalt  }
0x6a: {  	_ =	shalt  }
0x6b: {  	_ =	shalt  }
0x6c: {  	_ =	shalt  }
0x6d: {  	_ =	shalt  }
0x6e: {  	_ =	shalt  }
0x6f: {  	_ =	shalt  }
0x70: {  	_ =	shalt  }
0x71: {  	_ =	shalt  }
0x72: {  	_ =	shalt  }
0x73: {  	_ =	shalt  }
0x74: {  	_ =	shalt  }
0x75: {  	_ =	shalt  }
0x76: {  	_ =	shalt  }
0x77: {  	_ =	shalt  }
0x78: {  	_ =	shalt  }
0x79: {  	_ =	shalt  }
0x7a: {  	_ =	shalt  }
0x7b: {  	_ =	shalt  }
0x7c: {  	_ =	shalt  }
0x7d: {  	_ =	shalt  }
0x7e: {  	_ =	shalt  }
0x7f: {  	_ =	shalt  }
0x80: {  	_ =	shalt  }
0x81: {  	_ =	shalt  }
0x82: {  	_ =	shalt  }
0x83: {  	_ =	shalt  }
0x84: {  	_ =	shalt  }
0x85: {  	_ =	shalt  }
0x86: {  	_ =	shalt  }
0x87: {  	_ =	shalt  }
.Lfunc_end0:
.L_simem_size_0:
called_computation_lowered:
.L_overlay_start_0:
0x88: {  	s2 =	sld [smem:$0x3FD9]  }
0x89: {  	s3 =	sld [smem:$0x3FFE];
	_ =	sdelay $0x1  }
0x8a: {  	s1 =	srdreg.scid  }
0x8b: {  	s0 =	sand.u32 $0x1, s1  }
0x8c: {  	s17 =	sshll.u32 s0, $0xA;
	s2 =	sadd.s32 s3, s2  }
0x8d: {  	s2 =	sadd.s32 s2, s17  }
0x8e: {  	[smem:$0x3FC5] =	sst s2  }
0x8f: {  	_ = 	snop  }
0x90: {  	s2 =	sld [smem:$0x3FD0];
	(tm) =	ssettm $0x1  }
0x91: {  	s18 =	sld [smem:$0x3FFB];
	_ =	sdelay $0x3  }
0x92: {  	_ =	strace s18  }
0x93: {  	s3 =	sld [smem:$0x3FFC];
	_ =	sdelay $0x3  }
0x94: {  	_ =	strace s3  }
0x95: {  	s3 =	sld [smem:$0x3FFD];
	_ =	sdelay $0x3  }
0x96: {  	_ =	strace s3  }
0x97: {  	_ =	strace $0x8FFFFFFF  }
0x98: {  	s19 =	sld [smem:$0x3FDB];
	_ =	sdelay $0x1  }
0x99: {  	s4 =	simm.s32 $_scs_section_size  }
0x9a: {  	s5 =	simm.s32 $_size__tile_overlayer_lowered;
	s6 =	simm.s32 $_tile_overlayer_lowered  }
0x9b: {  	s22 =	simm.s32 $0x1BFF;
	s21 =	sshll.u32 s6, $0x1;
	s3 =	sadd.s32 s4, s19  }
0x9c: {  	s7 =	simm.s32 $0x0;
	s20 =	sshll.u32 s5, $0x1;
	s5 =	sadd.s32 s21, s3  }
0x9d: {  	[timem:s7], [sflag:s22] =	dma.local [hbm:s5], s20  }
0x9e: {  	_ =	swait.ge [sflag:s22], s20  }
0x9f: {  	s4 =	ssub.s32 $0x0, s20;
	[sflag:s22] =	ssyncset.done $0x0  }
0xa0: {  	[sflag:s22] =	ssyncadd.s32 s4;
	_ =	sdelay $0x1  }
0xa1: {  	s23 =	simm.s32 $0x1B8B  }
0xa2: {  	_ =	swait.ge [sflag:s23], $0x1  }
0xa3: {  	[sflag:s23] =	ssyncset.done $0x0  }
0xa4: {  	s25 =	simm.s32 $0x1B8E;
	s24 =	sld [smem:$0x3FFE];
	[sflag:s23] =	ssyncadd.s32 $0xFFFFFFFF  }
0xa5: {  	s26 =	simm.s32 $execute0_lowered;
	[smem:$0x3FD2] =	sst s25  }
0xa6: {  	s5 =	sshll.u32 s26, $0x1;
	_ =	strace $0x80000046;
	[dreg:$0x1] =	wrdreg $0xFFFFFFFF  }
0xa7: {  	s28 =	simm.s32 $_size_execute0_lowered;
	s3 =	sadd.s32 s3, s5;
	[dreg:$0x0] =	wrdreg $0x0  }
0xa8: {  	s5 =	sshll.u32 s28, $0x1;
	[dreg:$0x2] =	wrdreg s3  }
0xa9: {  	[dreg:$0x3] =	wrdreg s5  }
0xaa: {  	[dreg:$0x4] =	wrdreg $0xC0  }
0xab: {  	_ =	task [dreg:s7], $0x5FFFF  }
0xac: {  	[dreg:$0x1] =	wrdreg $0xFFFFFFFF  }
0xad: {  	[dreg:$0x0] =	wrdreg $0x60  }
0xae: {  	[dreg:$0x2] =	wrdreg s2  }
0xaf: {  	[dreg:$0x3] =	wrdreg s24  }
0xb0: {  	[dreg:$0x4] =	wrdreg $0x9  }
0xb1: {  	_ =	task.clear_ibuf [dreg:s7], $0x5FFFF;
	_ =	strace $0x90000046  }
0xb2: {  	s29 =	simm.s32 $0x9;
	_ =	strace $0x80000048  }
0xb3: {  	_ =	swait.ge [sflag:s29], $0x1  }
0xb4: {  	[sflag:s29] =	ssyncadd.s32 $0xFFFFFFFF  }
0xb5: {  	_ =	strace $0x90000048  }
0xb6: {  	_ =	sfence  }
0xb7: {  	s30 =	sld [smem:$0x0];
	_ =	sdelay $0x2  }
0xb8: {  	s31 =	sshll.u32 s1, $0xD;
	s1 =	sshrl.u32 s1, $0x2  }
0xb9: {  	s3 =	sand.u32 $0x4000, s31;
	s1 =	sadd.s32 s1, s30  }
0xba: {  	s0 =	sor.u32 s3, s0;
	s1 =	sshll.u32 s1, $0x11  }
0xbb: {  	s0 =	sor.u32 s1, s0  }
0xbc: {  	s0 =	sadd.s32 $0x8F2B, s0  }
0xbd: {  	[sflag:s0] =	ssyncadd.remote.s32 $0x1  }
0xbe: {  	_ =	sfence.sel $0xFFFF  }
0xbf: {  	[dreg:$0x0] =	wrdreg $0xFFFFFFFF;
	(pc) =	sbr.abs _section_cstart, $3  }
0xc0: {  	[dreg:$0x1] =	wrdreg $0xFFFFFFFF  }
0xc1: {  	_ =	task.clear_ibuf [dreg:s7], $0x2FFFF;
	_ =	strace $0x9FFFFFFF  }
0xc2: {  	(tm) =	ssettm $0x7FFFFFFF  }
0xc3: {  	_ =	shalt  }
tec
execute0_lowered:
.L_overlay_start_1:
0x0: {  	(tag) =	ssettag $0x1  }
0x1: {  	s19 =	rddreg [dreg:$0x0]  }
0x2: {  	s0 =	srdreg.scid;
	s5 =	stileid.u32  }
0x3: {  	s1 =	rddreg [dreg:$0x1];
	s3 =	simm.s32 $0x0;
	s24 =	simm.s32 $0x2  }
0x4: {  	s25 =	simm.s32 $0x80;
	s30 =	simm.s32 $0x1;
	s0 =	sand.u32 $0x1, s0  }
0x5: {  	s2 =	sshll.u32 s5, $0x1;
	[smem:$0x7FF] =	sst s3;
	s5 =	sshll.u32 s5, $0x10  }
0x6: {  	s31 =	sadd.s32 $0x400, s19;
	s6 =	sadd.s32 $0x800, s19;
	s7 =	sadd.s32 $0xC00, s19  }
0x7: {  	s8 =	sadd.s32 $0x1000, s19;
	s9 =	sadd.s32 $0x1400, s19;
	s10 =	sadd.s32 $0x1800, s19  }
0x8: {  	s11 =	sadd.s32 $0x1C00, s19;
	s12 =	sadd.s32 $0x2000, s19;
	s13 =	sadd.s32 $0x2400, s19  }
0x9: {  	s14 =	sadd.s32 $0x2800, s19;
	s15 =	sadd.s32 $0x2C00, s19;
	s16 =	sadd.s32 $0x3000, s19  }
0xa: {  	s17 =	sadd.s32 $0x3400, s19;
	s18 =	sadd.s32 $0x3800, s19;
	s19 =	sadd.s32 $0x3C00, s19  }
0xb: {  	s2 =	sor.u32 s0, s2;
	_ =	strace $0x80000047;
	s0 =	ssub.s32 $0x2, s0  }
0xc: {  	[dreg:$0x4] =	wrdreg s31;
	s4 =	sshll.u32 s2, $0x8;
	s2 =	sshll.u32 s2, $0x4  }
0xd: {  	s29 =	sshrl.u32 s0, $0x1;
	s21 =	sadd.s32 s4, s1;
	s4 =	sor.u32 s5, s4  }
0xe: {  	s2 =	sadd.s32 s2, s1;
	s0 =	ssub.s32 s0, s29;
	s4 =	sand.u32 $0xE0300, s4  }
0xf: {  	v0 =	vlaneseq.u32;
	s2 =	sadd.s32 $0xE00, s2;
	s20 =	sadd.s32 $0x1000, s21;
	s4 =	sshrl.u32 s4, $0x3  }
0x10: {  	v1 =	vshrl.u32 v0, $0x1;
	s21 =	sadd.s32 $0x3000, s21;
	s23 =	smax.u32 s0, $0x1;
	s1 =	sadd.s32 s4, s1  }
0x11: {  	vm0 =	vmmov $0xffff;
	v0 =	vand.u32 $0x1, v0;
	v1 =	vmul.u32 $0x8, v1;
	s0 =	simm.s32 $0x0;
	[dreg:$0x3] =	wrdreg s2;
	s22 =	sadd.s32 $0x5000, s1  }
.LBB2_1:
0x12: {  	s1 =	rddreg [dreg:$0x3]  }
0x13: {  	[tilespmem:s3], [sflag:$0x2] =	stream.linear.gather [hbm4b:s1+s3], $0x80, $0x38;
	[tilespmem:$0x9080] =	vst v63  }
0x14: {  	_ =	swait.ge [sflag:s24], $0x80  }
0x15: {  	[sflag:s24] =	ssyncset.done $0x0  }
0x16: {  	[sflag:s24] =	ssyncadd.s32 $0xFFFFFF80  }
0x17: {  	v2 =	vld.msk [tilespmem:$0x0], $0x3;
	_ =	sdelay $0x4  }
0x18: {  	v3 =	vshll.u32 v2, $0x7  }
0x19: {  	v2 =	vand.u32 $0x7, v2;
	v3 =	vand.u32 $0xFFFFFC00, v3  }
0x1a: {  	v2 =	vor.u32 v2, v3  }
0x1b: {  	v2 =	vperm.xlane v2, v0;
	_ =	sdelay $0x1  }
0x1c: {  	v2 =	vadd.s32 v1, v2;
	_ =	sdelay $0x3  }
0x1d: {  	s2 =	rddreg [dreg:$0x0]  }
0x1e: {  	[tilespmem:s25], [sflag:$0x1] =	stream.indirect_vreg.gather [hbm4b:s2+s3], $0x80, v2, vm0, $0xb8;
	[tilespmem:$0x9080] =	vst v63  }
0x1f: {  	s4 =	rddreg [dreg:$0x4];
	s2 =	simm.s32 $0x880  }
0x20: {  	[tilespmem:s2], [sflag:$0x1] =	stream.indirect_vreg.gather [hbm4b:s4+s3], $0x80, v2, vm0, $0xb8;
	[tilespmem:$0x9080] =	vst v63  }
0x21: {  	s5 =	simm.s32 $0x1080  }
0x22: {  	[tilespmem:s5], [sflag:$0x1] =	stream.indirect_vreg.gather [hbm4b:s6+s3], $0x80, v2, vm0, $0xb8;
	[tilespmem:$0x9080] =	vst v63  }
0x23: {  	s26 =	simm.s32 $0x1880  }
0x24: {  	[tilespmem:s26], [sflag:$0x1] =	stream.indirect_vreg.gather [hbm4b:s7+s3], $0x80, v2, vm0, $0xb8;
	[tilespmem:$0x9080] =	vst v63  }
0x25: {  	s31 =	simm.s32 $0x2080  }
0x26: {  	[tilespmem:s31], [sflag:$0x1] =	stream.indirect_vreg.gather [hbm4b:s8+s3], $0x80, v2, vm0, $0xb8;
	[tilespmem:$0x9080] =	vst v63  }
0x27: {  	s2 =	simm.s32 $0x2880  }
0x28: {  	[tilespmem:s2], [sflag:$0x1] =	stream.indirect_vreg.gather [hbm4b:s9+s3], $0x80, v2, vm0, $0xb8;
	[tilespmem:$0x9080] =	vst v63  }
0x29: {  	s4 =	simm.s32 $0x3080  }
0x2a: {  	[tilespmem:s4], [sflag:$0x1] =	stream.indirect_vreg.gather [hbm4b:s10+s3], $0x80, v2, vm0, $0xb8;
	[tilespmem:$0x9080] =	vst v63  }
0x2b: {  	s5 =	simm.s32 $0x3880  }
0x2c: {  	[tilespmem:s5], [sflag:$0x1] =	stream.indirect_vreg.gather [hbm4b:s11+s3], $0x80, v2, vm0, $0xb8;
	[tilespmem:$0x9080] =	vst v63  }
0x2d: {  	s26 =	simm.s32 $0x4080  }
0x2e: {  	[tilespmem:s26], [sflag:$0x1] =	stream.indirect_vreg.gather [hbm4b:s12+s3], $0x80, v2, vm0, $0xb8;
	[tilespmem:$0x9080] =	vst v63  }
0x2f: {  	s31 =	simm.s32 $0x4880  }
0x30: {  	[tilespmem:s31], [sflag:$0x1] =	stream.indirect_vreg.gather [hbm4b:s13+s3], $0x80, v2, vm0, $0xb8;
	[tilespmem:$0x9080] =	vst v63  }
0x31: {  	s2 =	simm.s32 $0x5080  }
0x32: {  	[tilespmem:s2], [sflag:$0x1] =	stream.indirect_vreg.gather [hbm4b:s14+s3], $0x80, v2, vm0, $0xb8;
	[tilespmem:$0x9080] =	vst v63  }
0x33: {  	s4 =	simm.s32 $0x5880  }
0x34: {  	[tilespmem:s4], [sflag:$0x1] =	stream.indirect_vreg.gather [hbm4b:s15+s3], $0x80, v2, vm0, $0xb8;
	[tilespmem:$0x9080] =	vst v63  }
0x35: {  	s5 =	simm.s32 $0x6080  }
0x36: {  	[tilespmem:s5], [sflag:$0x1] =	stream.indirect_vreg.gather [hbm4b:s16+s3], $0x80, v2, vm0, $0xb8;
	[tilespmem:$0x9080] =	vst v63  }
0x37: {  	s26 =	simm.s32 $0x6880  }
0x38: {  	[tilespmem:s26], [sflag:$0x1] =	stream.indirect_vreg.gather [hbm4b:s17+s3], $0x80, v2, vm0, $0xb8;
	[tilespmem:$0x9080] =	vst v63  }
0x39: {  	s31 =	simm.s32 $0x7080  }
0x3a: {  	[tilespmem:s31], [sflag:$0x1] =	stream.indirect_vreg.gather [hbm4b:s18+s3], $0x80, v2, vm0, $0xb8;
	[tilespmem:$0x9080] =	vst v63  }
0x3b: {  	s2 =	simm.s32 $0x7880  }
0x3c: {  	[tilespmem:s2], [sflag:$0x1] =	stream.indirect_vreg.gather [hbm4b:s19+s3], $0x80, v2, vm0, $0xb8;
	[tilespmem:$0x9080] =	vst v63  }
0x3d: {  	s4 =	simm.s32 $0x8080  }
0x3e: {  	[tilespmem:s4], [sflag:$0x2] =	stream.linear.gather [hbm4b:s20+s3], $0x800, $0x38;
	[tilespmem:$0x9080] =	vst v63  }
0x3f: {  	_ =	swait.ge [sflag:s24], $0x800  }
0x40: {  	[sflag:s24] =	ssyncset.done $0x0  }
0x41: {  	s5 =	simm.s32 $0x8880;
	[sflag:s24] =	ssyncadd.s32 $0xFFFFF800  }
0x42: {  	[tilespmem:s5], [sflag:$0x2] =	stream.linear.gather [hbm4b:s21+s3], $0x800, $0x38;
	[tilespmem:$0x9080] =	vst v63  }
0x43: {  	_ =	swait.ge [sflag:s24], $0x800  }
0x44: {  	[sflag:s24] =	ssyncset.done $0x0  }
0x45: {  	[sflag:s24] =	ssyncadd.s32 $0xFFFFF800  }
0x46: {  	_ =	swait.ge [sflag:s30], $0x8000  }
0x47: {  	s26 =	sand.u32 $0x70, s3;
	s31 =	sand.u32 $0x700, s3;
	[sflag:s30] =	ssyncset.done $0x0  }
0x48: {  	s28 =	sor.u32 s26, s31;
	[sflag:s30] =	ssyncadd.s32 $0xFFFF8000  }
0x49: {  	v3 =	vld [tilespmem:s28+$0x8080]  }
0x4a: {  	v5 =	vld [tilespmem:s28+$0x80]  }
0x4b: {  	v4 =	vld [tilespmem:s28+$0x880]  }
0x4c: {  	v6 =	vld [tilespmem:s28+$0x8880];
	_ =	sdelay $0x3  }
0x4d: {  	v2 =	vmul.f32 v3, v5;
	v3 =	vmul.f32 v3, v4  }
0x4e: {  	s29 =	simm.s32 $0x10;
	s1 =	simm.s32 $0x0;
	v4 =	vmul.f32 v6, v4;
	v5 =	vmul.f32 v6, v5  }
.LBB2_2:
0x4f: {  	p0 =	sne.s32 s29, $0x3F0  }
0x50: {  	s1 =	sadd.s32 $0x20, s1;
	s2 =	smov.u32 s29;
	s29 =	sadd.s32 $0x10, s29  }
0x51: {  	s2 =	sand.u32 $0x70, s2;
	s26 =	sand.u32 $0x700, s1;
	v2 =	vsub.f32 v2, v4;
	v3 =	vadd.f32 v5, v3  }
0x52: {  	s2 =	sor.u32 s2, s26  }
0x53: {  	v4 =	vld [tilespmem:s2+$0x8080];
	[tilespmem:s28+$0x80] =	vst v2  }
0x54: {  	v5 =	vld [tilespmem:s2+$0x80];
	[tilespmem:s28+$0x880] =	vst v3;
	s28 =	smov.u32 s2  }
0x55: {  	v6 =	vld [tilespmem:s28+$0x880]  }
0x56: {  	v7 =	vld [tilespmem:s28+$0x8880]  }
.Ltmp0:
0x57: {  	(pc) =	sbr.rel @p0 .LBB2_2-.Ltmp0, $4  }
0x58: {  	_ = 	snop  }
0x59: {  	v2 =	vmul.f32 v4, v5  }
0x5a: {  	v3 =	vmul.f32 v4, v6  }
0x5b: {  	s26 =	simm.s32 $0x0;
	v4 =	vmul.f32 v7, v6;
	v5 =	vmul.f32 v7, v5  }
0x5c: {  	_ = 	snop  }
0x5d: {  	v2 =	vsub.f32 v2, v4  }
0x5e: {  	v3 =	vadd.f32 v5, v3  }
0x5f: {  	s1 =	sand.u32 $0x70, s26;
	s2 =	sand.u32 $0x700, s26;
	[tilespmem:s28+$0x80] =	vst v2  }
0x60: {  	s29 =	sor.u32 s1, s2;
	[tilespmem:s28+$0x880] =	vst v3  }
0x61: {  	v3 =	vld [tilespmem:s29+$0x8080]  }
0x62: {  	v5 =	vld [tilespmem:s29+$0x1080]  }
0x63: {  	v4 =	vld [tilespmem:s29+$0x1880]  }
0x64: {  	v6 =	vld [tilespmem:s29+$0x8880];
	_ =	sdelay $0x3  }
0x65: {  	v2 =	vmul.f32 v3, v5;
	v3 =	vmul.f32 v3, v4  }
0x66: {  	s1 =	simm.s32 $0x0;
	s31 =	smov.u32 s29;
	s28 =	simm.s32 $0x10;
	v4 =	vmul.f32 v6, v4;
	v5 =	vmul.f32 v6, v5  }
.LBB2_4:
0x67: {  	p0 =	sne.s32 s28, $0x3F0  }
0x68: {  	s1 =	sadd.s32 $0x20, s1;
	s2 =	smov.u32 s28;
	s28 =	sadd.s32 $0x10, s28  }
0x69: {  	s2 =	sand.u32 $0x70, s2;
	s4 =	sand.u32 $0x700, s1;
	v2 =	vsub.f32 v2, v4;
	v3 =	vadd.f32 v5, v3  }
0x6a: {  	s2 =	sor.u32 s2, s4  }
0x6b: {  	v4 =	vld [tilespmem:s2+$0x8080];
	[tilespmem:s31+$0x1080] =	vst v2  }
0x6c: {  	v5 =	vld [tilespmem:s2+$0x1080];
	[tilespmem:s31+$0x1880] =	vst v3;
	s31 =	smov.u32 s2  }
0x6d: {  	v6 =	vld [tilespmem:s31+$0x1880]  }
0x6e: {  	v7 =	vld [tilespmem:s31+$0x8880]  }
.Ltmp1:
0x6f: {  	(pc) =	sbr.rel @p0 .LBB2_4-.Ltmp1, $4  }
0x70: {  	_ = 	snop  }
0x71: {  	v2 =	vmul.f32 v4, v5  }
0x72: {  	v3 =	vmul.f32 v4, v6  }
0x73: {  	v4 =	vmul.f32 v7, v6;
	v5 =	vmul.f32 v7, v5  }
0x74: {  	_ = 	snop  }
0x75: {  	v2 =	vsub.f32 v2, v4  }
0x76: {  	v3 =	vadd.f32 v5, v3  }
0x77: {  	[tilespmem:s31+$0x1080] =	vst v2  }
0x78: {  	[tilespmem:s31+$0x1880] =	vst v3  }
0x79: {  	v3 =	vld [tilespmem:s29+$0x8080]  }
0x7a: {  	v5 =	vld [tilespmem:s29+$0x2080]  }
0x7b: {  	v4 =	vld [tilespmem:s29+$0x2880]  }
0x7c: {  	v6 =	vld [tilespmem:s29+$0x8880];
	_ =	sdelay $0x3  }
0x7d: {  	v2 =	vmul.f32 v3, v5;
	v3 =	vmul.f32 v3, v4  }
0x7e: {  	s31 =	simm.s32 $0x10;
	v4 =	vmul.f32 v6, v4;
	v5 =	vmul.f32 v6, v5  }
.LBB2_6:
0x7f: {  	p0 =	sne.s32 s31, $0x3F0  }
0x80: {  	s26 =	sadd.s32 $0x20, s26;
	s1 =	smov.u32 s31;
	s31 =	sadd.s32 $0x10, s31  }
0x81: {  	s1 =	sand.u32 $0x70, s1;
	s2 =	sand.u32 $0x700, s26;
	v2 =	vsub.f32 v2, v4;
	v3 =	vadd.f32 v5, v3  }
0x82: {  	s1 =	sor.u32 s1, s2  }
0x83: {  	v4 =	vld [tilespmem:s1+$0x8080];
	[tilespmem:s29+$0x2080] =	vst v2  }
0x84: {  	v5 =	vld [tilespmem:s1+$0x2080];
	[tilespmem:s29+$0x2880] =	vst v3;
	s29 =	smov.u32 s1  }
0x85: {  	v6 =	vld [tilespmem:s29+$0x2880]  }
0x86: {  	v7 =	vld [tilespmem:s29+$0x8880]  }
.Ltmp2:
0x87: {  	(pc) =	sbr.rel @p0 .LBB2_6-.Ltmp2, $4  }
0x88: {  	_ = 	snop  }
0x89: {  	v2 =	vmul.f32 v4, v5  }
0x8a: {  	v3 =	vmul.f32 v4, v6  }
0x8b: {  	s28 =	simm.s32 $0x0;
	v4 =	vmul.f32 v7, v6;
	v5 =	vmul.f32 v7, v5  }
0x8c: {  	_ = 	snop  }
0x8d: {  	v2 =	vsub.f32 v2, v4  }
0x8e: {  	v3 =	vadd.f32 v5, v3  }
0x8f: {  	s1 =	sand.u32 $0x70, s28;
	s2 =	sand.u32 $0x700, s28;
	[tilespmem:s29+$0x2080] =	vst v2  }
0x90: {  	[tilespmem:s29+$0x2880] =	vst v3;
	s29 =	sor.u32 s1, s2  }
0x91: {  	v3 =	vld [tilespmem:s29+$0x8080]  }
0x92: {  	v5 =	vld [tilespmem:s29+$0x3080]  }
0x93: {  	v4 =	vld [tilespmem:s29+$0x3880]  }
0x94: {  	v6 =	vld [tilespmem:s29+$0x8880];
	_ =	sdelay $0x3  }
0x95: {  	v2 =	vmul.f32 v3, v5;
	v3 =	vmul.f32 v3, v4  }
0x96: {  	s26 =	simm.s32 $0x10;
	s1 =	simm.s32 $0x0;
	s31 =	smov.u32 s29;
	v4 =	vmul.f32 v6, v4;
	v5 =	vmul.f32 v6, v5  }
.LBB2_8:
0x97: {  	p0 =	sne.s32 s26, $0x3F0  }
0x98: {  	s1 =	sadd.s32 $0x20, s1;
	s2 =	smov.u32 s26;
	s26 =	sadd.s32 $0x10, s26  }
0x99: {  	s2 =	sand.u32 $0x70, s2;
	s4 =	sand.u32 $0x700, s1;
	v2 =	vsub.f32 v2, v4;
	v3 =	vadd.f32 v5, v3  }
0x9a: {  	s2 =	sor.u32 s2, s4  }
0x9b: {  	v4 =	vld [tilespmem:s2+$0x8080];
	[tilespmem:s31+$0x3080] =	vst v2  }
0x9c: {  	v5 =	vld [tilespmem:s2+$0x3080];
	[tilespmem:s31+$0x3880] =	vst v3;
	s31 =	smov.u32 s2  }
0x9d: {  	v6 =	vld [tilespmem:s31+$0x3880]  }
0x9e: {  	v7 =	vld [tilespmem:s31+$0x8880]  }
.Ltmp3:
0x9f: {  	(pc) =	sbr.rel @p0 .LBB2_8-.Ltmp3, $4  }
0xa0: {  	_ = 	snop  }
0xa1: {  	v2 =	vmul.f32 v4, v5  }
0xa2: {  	v3 =	vmul.f32 v4, v6  }
0xa3: {  	v4 =	vmul.f32 v7, v6;
	v5 =	vmul.f32 v7, v5  }
0xa4: {  	_ = 	snop  }
0xa5: {  	v2 =	vsub.f32 v2, v4  }
0xa6: {  	v3 =	vadd.f32 v5, v3  }
0xa7: {  	[tilespmem:s31+$0x3080] =	vst v2  }
0xa8: {  	[tilespmem:s31+$0x3880] =	vst v3  }
0xa9: {  	v3 =	vld [tilespmem:s29+$0x8080]  }
0xaa: {  	v5 =	vld [tilespmem:s29+$0x4080]  }
0xab: {  	v4 =	vld [tilespmem:s29+$0x4880]  }
0xac: {  	v6 =	vld [tilespmem:s29+$0x8880];
	_ =	sdelay $0x3  }
0xad: {  	v2 =	vmul.f32 v3, v5;
	v3 =	vmul.f32 v3, v4  }
0xae: {  	s31 =	simm.s32 $0x10;
	v4 =	vmul.f32 v6, v4;
	v5 =	vmul.f32 v6, v5  }
.LBB2_10:
0xaf: {  	p0 =	sne.s32 s31, $0x3F0  }
0xb0: {  	s28 =	sadd.s32 $0x20, s28;
	s1 =	smov.u32 s31;
	s31 =	sadd.s32 $0x10, s31  }
0xb1: {  	s1 =	sand.u32 $0x70, s1;
	s2 =	sand.u32 $0x700, s28;
	v2 =	vsub.f32 v2, v4;
	v3 =	vadd.f32 v5, v3  }
0xb2: {  	s1 =	sor.u32 s1, s2  }
0xb3: {  	v4 =	vld [tilespmem:s1+$0x8080];
	[tilespmem:s29+$0x4080] =	vst v2  }
0xb4: {  	v5 =	vld [tilespmem:s1+$0x4080];
	[tilespmem:s29+$0x4880] =	vst v3;
	s29 =	smov.u32 s1  }
0xb5: {  	v6 =	vld [tilespmem:s29+$0x4880]  }
0xb6: {  	v7 =	vld [tilespmem:s29+$0x8880]  }
.Ltmp4:
0xb7: {  	(pc) =	sbr.rel @p0 .LBB2_10-.Ltmp4, $4  }
0xb8: {  	_ = 	snop  }
0xb9: {  	v2 =	vmul.f32 v4, v5  }
0xba: {  	v3 =	vmul.f32 v4, v6  }
0xbb: {  	s26 =	simm.s32 $0x0;
	v4 =	vmul.f32 v7, v6;
	v5 =	vmul.f32 v7, v5  }
0xbc: {  	_ = 	snop  }
0xbd: {  	v2 =	vsub.f32 v2, v4  }
0xbe: {  	v3 =	vadd.f32 v5, v3  }
0xbf: {  	s1 =	sand.u32 $0x70, s26;
	s2 =	sand.u32 $0x700, s26;
	[tilespmem:s29+$0x4080] =	vst v2  }
0xc0: {  	[tilespmem:s29+$0x4880] =	vst v3;
	s29 =	sor.u32 s1, s2  }
0xc1: {  	v3 =	vld [tilespmem:s29+$0x8080]  }
0xc2: {  	v5 =	vld [tilespmem:s29+$0x5080]  }
0xc3: {  	v4 =	vld [tilespmem:s29+$0x5880]  }
0xc4: {  	v6 =	vld [tilespmem:s29+$0x8880];
	_ =	sdelay $0x3  }
0xc5: {  	v2 =	vmul.f32 v3, v5;
	v3 =	vmul.f32 v3, v4  }
0xc6: {  	s28 =	simm.s32 $0x10;
	s1 =	simm.s32 $0x0;
	s31 =	smov.u32 s29;
	v4 =	vmul.f32 v6, v4;
	v5 =	vmul.f32 v6, v5  }
.LBB2_12:
0xc7: {  	p0 =	sne.s32 s28, $0x3F0  }
0xc8: {  	s1 =	sadd.s32 $0x20, s1;
	s2 =	smov.u32 s28;
	s28 =	sadd.s32 $0x10, s28  }
0xc9: {  	s2 =	sand.u32 $0x70, s2;
	s4 =	sand.u32 $0x700, s1;
	v2 =	vsub.f32 v2, v4;
	v3 =	vadd.f32 v5, v3  }
0xca: {  	s2 =	sor.u32 s2, s4  }
0xcb: {  	v4 =	vld [tilespmem:s2+$0x8080];
	[tilespmem:s31+$0x5080] =	vst v2  }
0xcc: {  	v5 =	vld [tilespmem:s2+$0x5080];
	[tilespmem:s31+$0x5880] =	vst v3;
	s31 =	smov.u32 s2  }
0xcd: {  	v6 =	vld [tilespmem:s31+$0x5880]  }
0xce: {  	v7 =	vld [tilespmem:s31+$0x8880]  }
.Ltmp5:
0xcf: {  	(pc) =	sbr.rel @p0 .LBB2_12-.Ltmp5, $4  }
0xd0: {  	_ = 	snop  }
0xd1: {  	v2 =	vmul.f32 v4, v5  }
0xd2: {  	v3 =	vmul.f32 v4, v6  }
0xd3: {  	v4 =	vmul.f32 v7, v6;
	v5 =	vmul.f32 v7, v5  }
0xd4: {  	_ = 	snop  }
0xd5: {  	v2 =	vsub.f32 v2, v4  }
0xd6: {  	v3 =	vadd.f32 v5, v3  }
0xd7: {  	[tilespmem:s31+$0x5080] =	vst v2  }
0xd8: {  	[tilespmem:s31+$0x5880] =	vst v3  }
0xd9: {  	v3 =	vld [tilespmem:s29+$0x8080]  }
0xda: {  	v5 =	vld [tilespmem:s29+$0x6080]  }
0xdb: {  	v4 =	vld [tilespmem:s29+$0x6880]  }
0xdc: {  	v6 =	vld [tilespmem:s29+$0x8880];
	_ =	sdelay $0x3  }
0xdd: {  	v2 =	vmul.f32 v3, v5;
	v3 =	vmul.f32 v3, v4  }
0xde: {  	s31 =	simm.s32 $0x10;
	v4 =	vmul.f32 v6, v4;
	v5 =	vmul.f32 v6, v5  }
.LBB2_14:
0xdf: {  	p0 =	sne.s32 s31, $0x3F0  }
0xe0: {  	s26 =	sadd.s32 $0x20, s26;
	s1 =	smov.u32 s31;
	s31 =	sadd.s32 $0x10, s31  }
0xe1: {  	s1 =	sand.u32 $0x70, s1;
	s2 =	sand.u32 $0x700, s26;
	v2 =	vsub.f32 v2, v4;
	v3 =	vadd.f32 v5, v3  }
0xe2: {  	s1 =	sor.u32 s1, s2  }
0xe3: {  	v4 =	vld [tilespmem:s1+$0x8080];
	[tilespmem:s29+$0x6080] =	vst v2  }
0xe4: {  	v5 =	vld [tilespmem:s1+$0x6080];
	[tilespmem:s29+$0x6880] =	vst v3;
	s29 =	smov.u32 s1  }
0xe5: {  	v6 =	vld [tilespmem:s29+$0x6880]  }
0xe6: {  	v7 =	vld [tilespmem:s29+$0x8880]  }
.Ltmp6:
0xe7: {  	(pc) =	sbr.rel @p0 .LBB2_14-.Ltmp6, $4  }
0xe8: {  	_ = 	snop  }
0xe9: {  	v2 =	vmul.f32 v4, v5  }
0xea: {  	v3 =	vmul.f32 v4, v6  }
0xeb: {  	s28 =	simm.s32 $0x0;
	v4 =	vmul.f32 v7, v6;
	v5 =	vmul.f32 v7, v5  }
0xec: {  	_ = 	snop  }
0xed: {  	v2 =	vsub.f32 v2, v4  }
0xee: {  	v3 =	vadd.f32 v5, v3  }
0xef: {  	s26 =	sand.u32 $0x70, s28;
	s31 =	sand.u32 $0x700, s28;
	[tilespmem:s29+$0x6080] =	vst v2  }
0xf0: {  	[tilespmem:s29+$0x6880] =	vst v3;
	s29 =	sor.u32 s26, s31  }
0xf1: {  	v3 =	vld [tilespmem:s29+$0x8080]  }
0xf2: {  	v5 =	vld [tilespmem:s29+$0x7080]  }
0xf3: {  	v4 =	vld [tilespmem:s29+$0x7880]  }
0xf4: {  	v6 =	vld [tilespmem:s29+$0x8880];
	_ =	sdelay $0x3  }
0xf5: {  	v2 =	vmul.f32 v3, v5;
	v3 =	vmul.f32 v3, v4  }
0xf6: {  	s1 =	simm.s32 $0x10;
	s2 =	simm.s32 $0x0;
	v4 =	vmul.f32 v6, v4;
	v5 =	vmul.f32 v6, v5  }
.LBB2_16:
0xf7: {  	p0 =	sne.s32 s1, $0x3F0  }
0xf8: {  	s2 =	sadd.s32 $0x20, s2;
	s4 =	smov.u32 s1;
	s1 =	sadd.s32 $0x10, s1  }
0xf9: {  	s4 =	sand.u32 $0x70, s4;
	s5 =	sand.u32 $0x700, s2;
	v2 =	vsub.f32 v2, v4;
	v3 =	vadd.f32 v5, v3  }
0xfa: {  	s4 =	sor.u32 s4, s5  }
0xfb: {  	v4 =	vld [tilespmem:s4+$0x8080];
	[tilespmem:s29+$0x7080] =	vst v2  }
0xfc: {  	v5 =	vld [tilespmem:s4+$0x7080];
	[tilespmem:s29+$0x7880] =	vst v3;
	s29 =	smov.u32 s4  }
0xfd: {  	v6 =	vld [tilespmem:s29+$0x7880]  }
0xfe: {  	v7 =	vld [tilespmem:s29+$0x8880]  }
.Ltmp7:
0xff: {  	(pc) =	sbr.rel @p0 .LBB2_16-.Ltmp7, $4  }
0x100: {  	_ = 	snop  }
0x101: {  	v2 =	vmul.f32 v4, v5  }
0x102: {  	v3 =	vmul.f32 v4, v6  }
0x103: {  	v4 =	vmul.f32 v7, v6;
	v5 =	vmul.f32 v7, v5  }
0x104: {  	_ = 	snop  }
0x105: {  	v2 =	vsub.f32 v2, v4  }
0x106: {  	v3 =	vadd.f32 v5, v3  }
0x107: {  	[tilespmem:s29+$0x7080] =	vst v2  }
0x108: {  	[tilespmem:s29+$0x7880] =	vst v3;
	s29 =	sor.u32 s31, s26  }
0x109: {  	v3 =	vld [tilespmem:s29+$0x8100]  }
0x10a: {  	v5 =	vld [tilespmem:s29+$0x100]  }
0x10b: {  	v4 =	vld [tilespmem:s29+$0x900]  }
0x10c: {  	v6 =	vld [tilespmem:s29+$0x8900];
	_ =	sdelay $0x3  }
0x10d: {  	v2 =	vmul.f32 v3, v5;
	v3 =	vmul.f32 v3, v4  }
0x10e: {  	s1 =	simm.s32 $0x10;
	v4 =	vmul.f32 v6, v4;
	v5 =	vmul.f32 v6, v5  }
.LBB2_18:
0x10f: {  	p0 =	sne.s32 s1, $0x3F0  }
0x110: {  	s28 =	sadd.s32 $0x20, s28;
	s2 =	smov.u32 s1;
	s1 =	sadd.s32 $0x10, s1  }
0x111: {  	s2 =	sand.u32 $0x70, s2;
	s4 =	sand.u32 $0x700, s28;
	v2 =	vsub.f32 v2, v4;
	v3 =	vadd.f32 v5, v3  }
0x112: {  	s2 =	sor.u32 s4, s2  }
0x113: {  	v4 =	vld [tilespmem:s2+$0x8100];
	[tilespmem:s29+$0x100] =	vst v2  }
0x114: {  	v5 =	vld [tilespmem:s2+$0x100];
	[tilespmem:s29+$0x900] =	vst v3;
	s29 =	smov.u32 s2  }
0x115: {  	v6 =	vld [tilespmem:s29+$0x900]  }
0x116: {  	v7 =	vld [tilespmem:s29+$0x8900]  }
.Ltmp8:
0x117: {  	(pc) =	sbr.rel @p0 .LBB2_18-.Ltmp8, $4  }
0x118: {  	_ = 	snop  }
0x119: {  	v2 =	vmul.f32 v4, v5  }
0x11a: {  	v3 =	vmul.f32 v4, v6  }
0x11b: {  	s26 =	simm.s32 $0x0;
	v4 =	vmul.f32 v7, v6;
	v5 =	vmul.f32 v7, v5  }
0x11c: {  	_ = 	snop  }
0x11d: {  	v2 =	vsub.f32 v2, v4  }
0x11e: {  	v3 =	vadd.f32 v5, v3  }
0x11f: {  	s1 =	sand.u32 $0x70, s26;
	s2 =	sand.u32 $0x700, s26;
	[tilespmem:s29+$0x100] =	vst v2  }
0x120: {  	[tilespmem:s29+$0x900] =	vst v3;
	s29 =	sor.u32 s1, s2  }
0x121: {  	v3 =	vld [tilespmem:s29+$0x8100]  }
0x122: {  	v5 =	vld [tilespmem:s29+$0x1100]  }
0x123: {  	v4 =	vld [tilespmem:s29+$0x1900]  }
0x124: {  	v6 =	vld [tilespmem:s29+$0x8900];
	_ =	sdelay $0x3  }
0x125: {  	v2 =	vmul.f32 v3, v5;
	v3 =	vmul.f32 v3, v4  }
0x126: {  	s28 =	simm.s32 $0x10;
	s1 =	simm.s32 $0x0;
	s31 =	smov.u32 s29;
	v4 =	vmul.f32 v6, v4;
	v5 =	vmul.f32 v6, v5  }
.LBB2_20:
0x127: {  	p0 =	sne.s32 s28, $0x3F0  }
0x128: {  	s1 =	sadd.s32 $0x20, s1;
	s2 =	smov.u32 s28;
	s28 =	sadd.s32 $0x10, s28  }
0x129: {  	s2 =	sand.u32 $0x70, s2;
	s4 =	sand.u32 $0x700, s1;
	v2 =	vsub.f32 v2, v4;
	v3 =	vadd.f32 v5, v3  }
0x12a: {  	s2 =	sor.u32 s2, s4  }
0x12b: {  	v4 =	vld [tilespmem:s2+$0x8100];
	[tilespmem:s31+$0x1100] =	vst v2  }
0x12c: {  	v5 =	vld [tilespmem:s2+$0x1100];
	[tilespmem:s31+$0x1900] =	vst v3;
	s31 =	smov.u32 s2  }
0x12d: {  	v6 =	vld [tilespmem:s31+$0x1900]  }
0x12e: {  	v7 =	vld [tilespmem:s31+$0x8900]  }
.Ltmp9:
0x12f: {  	(pc) =	sbr.rel @p0 .LBB2_20-.Ltmp9, $4  }
0x130: {  	_ = 	snop  }
0x131: {  	v2 =	vmul.f32 v4, v5  }
0x132: {  	v3 =	vmul.f32 v4, v6  }
0x133: {  	v4 =	vmul.f32 v7, v6;
	v5 =	vmul.f32 v7, v5  }
0x134: {  	_ = 	snop  }
0x135: {  	v2 =	vsub.f32 v2, v4  }
0x136: {  	v3 =	vadd.f32 v5, v3  }
0x137: {  	[tilespmem:s31+$0x1100] =	vst v2  }
0x138: {  	[tilespmem:s31+$0x1900] =	vst v3  }
0x139: {  	v3 =	vld [tilespmem:s29+$0x8100]  }
0x13a: {  	v5 =	vld [tilespmem:s29+$0x2100]  }
0x13b: {  	v4 =	vld [tilespmem:s29+$0x2900]  }
0x13c: {  	v6 =	vld [tilespmem:s29+$0x8900];
	_ =	sdelay $0x3  }
0x13d: {  	v2 =	vmul.f32 v3, v5;
	v3 =	vmul.f32 v3, v4  }
0x13e: {  	s1 =	simm.s32 $0x10;
	v4 =	vmul.f32 v6, v4;
	v5 =	vmul.f32 v6, v5  }
.LBB2_22:
0x13f: {  	p0 =	sne.s32 s1, $0x3F0  }
0x140: {  	s26 =	sadd.s32 $0x20, s26;
	s2 =	smov.u32 s1;
	s1 =	sadd.s32 $0x10, s1  }
0x141: {  	s2 =	sand.u32 $0x70, s2;
	s4 =	sand.u32 $0x700, s26;
	v2 =	vsub.f32 v2, v4;
	v3 =	vadd.f32 v5, v3  }
0x142: {  	s2 =	sor.u32 s2, s4  }
0x143: {  	v4 =	vld [tilespmem:s2+$0x8100];
	[tilespmem:s29+$0x2100] =	vst v2  }
0x144: {  	v5 =	vld [tilespmem:s2+$0x2100];
	[tilespmem:s29+$0x2900] =	vst v3;
	s29 =	smov.u32 s2  }
0x145: {  	v6 =	vld [tilespmem:s29+$0x2900]  }
0x146: {  	v7 =	vld [tilespmem:s29+$0x8900]  }
.Ltmp10:
0x147: {  	(pc) =	sbr.rel @p0 .LBB2_22-.Ltmp10, $4  }
0x148: {  	_ = 	snop  }
0x149: {  	v2 =	vmul.f32 v4, v5  }
0x14a: {  	v3 =	vmul.f32 v4, v6  }
0x14b: {  	s28 =	simm.s32 $0x0;
	v4 =	vmul.f32 v7, v6;
	v5 =	vmul.f32 v7, v5  }
0x14c: {  	_ = 	snop  }
0x14d: {  	v2 =	vsub.f32 v2, v4  }
0x14e: {  	v3 =	vadd.f32 v5, v3  }
0x14f: {  	s1 =	sand.u32 $0x70, s28;
	s2 =	sand.u32 $0x700, s28;
	[tilespmem:s29+$0x2100] =	vst v2  }
0x150: {  	[tilespmem:s29+$0x2900] =	vst v3;
	s29 =	sor.u32 s1, s2  }
0x151: {  	v3 =	vld [tilespmem:s29+$0x8100]  }
0x152: {  	v5 =	vld [tilespmem:s29+$0x3100]  }
0x153: {  	v4 =	vld [tilespmem:s29+$0x3900]  }
0x154: {  	v6 =	vld [tilespmem:s29+$0x8900];
	_ =	sdelay $0x3  }
0x155: {  	v2 =	vmul.f32 v3, v5;
	v3 =	vmul.f32 v3, v4  }
0x156: {  	s26 =	simm.s32 $0x10;
	s1 =	simm.s32 $0x0;
	s31 =	smov.u32 s29;
	v4 =	vmul.f32 v6, v4;
	v5 =	vmul.f32 v6, v5  }
.LBB2_24:
0x157: {  	p0 =	sne.s32 s26, $0x3F0  }
0x158: {  	s1 =	sadd.s32 $0x20, s1;
	s2 =	smov.u32 s26;
	s26 =	sadd.s32 $0x10, s26  }
0x159: {  	s2 =	sand.u32 $0x70, s2;
	s4 =	sand.u32 $0x700, s1;
	v2 =	vsub.f32 v2, v4;
	v3 =	vadd.f32 v5, v3  }
0x15a: {  	s2 =	sor.u32 s2, s4  }
0x15b: {  	v4 =	vld [tilespmem:s2+$0x8100];
	[tilespmem:s31+$0x3100] =	vst v2  }
0x15c: {  	v5 =	vld [tilespmem:s2+$0x3100];
	[tilespmem:s31+$0x3900] =	vst v3;
	s31 =	smov.u32 s2  }
0x15d: {  	v6 =	vld [tilespmem:s31+$0x3900]  }
0x15e: {  	v7 =	vld [tilespmem:s31+$0x8900]  }
.Ltmp11:
0x15f: {  	(pc) =	sbr.rel @p0 .LBB2_24-.Ltmp11, $4  }
0x160: {  	_ = 	snop  }
0x161: {  	v2 =	vmul.f32 v4, v5  }
0x162: {  	v3 =	vmul.f32 v4, v6  }
0x163: {  	v4 =	vmul.f32 v7, v6;
	v5 =	vmul.f32 v7, v5  }
0x164: {  	_ = 	snop  }
0x165: {  	v2 =	vsub.f32 v2, v4  }
0x166: {  	v3 =	vadd.f32 v5, v3  }
0x167: {  	[tilespmem:s31+$0x3100] =	vst v2  }
0x168: {  	[tilespmem:s31+$0x3900] =	vst v3  }
0x169: {  	v3 =	vld [tilespmem:s29+$0x8100]  }
0x16a: {  	v5 =	vld [tilespmem:s29+$0x4100]  }
0x16b: {  	v4 =	vld [tilespmem:s29+$0x4900]  }
0x16c: {  	v6 =	vld [tilespmem:s29+$0x8900];
	_ =	sdelay $0x3  }
0x16d: {  	v2 =	vmul.f32 v3, v5;
	v3 =	vmul.f32 v3, v4  }
0x16e: {  	s1 =	simm.s32 $0x10;
	v4 =	vmul.f32 v6, v4;
	v5 =	vmul.f32 v6, v5  }
.LBB2_26:
0x16f: {  	p0 =	sne.s32 s1, $0x3F0  }
0x170: {  	s28 =	sadd.s32 $0x20, s28;
	s2 =	smov.u32 s1;
	s1 =	sadd.s32 $0x10, s1  }
0x171: {  	s2 =	sand.u32 $0x70, s2;
	s4 =	sand.u32 $0x700, s28;
	v2 =	vsub.f32 v2, v4;
	v3 =	vadd.f32 v5, v3  }
0x172: {  	s2 =	sor.u32 s2, s4  }
0x173: {  	v4 =	vld [tilespmem:s2+$0x8100];
	[tilespmem:s29+$0x4100] =	vst v2  }
0x174: {  	v5 =	vld [tilespmem:s2+$0x4100];
	[tilespmem:s29+$0x4900] =	vst v3;
	s29 =	smov.u32 s2  }
0x175: {  	v6 =	vld [tilespmem:s29+$0x4900]  }
0x176: {  	v7 =	vld [tilespmem:s29+$0x8900]  }
.Ltmp12:
0x177: {  	(pc) =	sbr.rel @p0 .LBB2_26-.Ltmp12, $4  }
0x178: {  	_ = 	snop  }
0x179: {  	v2 =	vmul.f32 v4, v5  }
0x17a: {  	v3 =	vmul.f32 v4, v6  }
0x17b: {  	s26 =	simm.s32 $0x0;
	v4 =	vmul.f32 v7, v6;
	v5 =	vmul.f32 v7, v5  }
0x17c: {  	_ = 	snop  }
0x17d: {  	v2 =	vsub.f32 v2, v4  }
0x17e: {  	v3 =	vadd.f32 v5, v3  }
0x17f: {  	s1 =	sand.u32 $0x70, s26;
	s2 =	sand.u32 $0x700, s26;
	[tilespmem:s29+$0x4100] =	vst v2  }
0x180: {  	s28 =	sor.u32 s1, s2;
	[tilespmem:s29+$0x4900] =	vst v3  }
0x181: {  	v3 =	vld [tilespmem:s28+$0x8100]  }
0x182: {  	v5 =	vld [tilespmem:s28+$0x5100]  }
0x183: {  	v4 =	vld [tilespmem:s28+$0x5900]  }
0x184: {  	v6 =	vld [tilespmem:s28+$0x8900];
	_ =	sdelay $0x3  }
0x185: {  	v2 =	vmul.f32 v3, v5;
	v3 =	vmul.f32 v3, v4  }
0x186: {  	s1 =	simm.s32 $0x0;
	s31 =	smov.u32 s28;
	s29 =	simm.s32 $0x10;
	v4 =	vmul.f32 v6, v4;
	v5 =	vmul.f32 v6, v5  }
.LBB2_28:
0x187: {  	p0 =	sne.s32 s29, $0x3F0  }
0x188: {  	s1 =	sadd.s32 $0x20, s1;
	s2 =	smov.u32 s29;
	s29 =	sadd.s32 $0x10, s29  }
0x189: {  	s2 =	sand.u32 $0x70, s2;
	s4 =	sand.u32 $0x700, s1;
	v2 =	vsub.f32 v2, v4;
	v3 =	vadd.f32 v5, v3  }
0x18a: {  	s2 =	sor.u32 s2, s4  }
0x18b: {  	v4 =	vld [tilespmem:s2+$0x8100];
	[tilespmem:s31+$0x5100] =	vst v2  }
0x18c: {  	v5 =	vld [tilespmem:s2+$0x5100];
	[tilespmem:s31+$0x5900] =	vst v3;
	s31 =	smov.u32 s2  }
0x18d: {  	v6 =	vld [tilespmem:s31+$0x5900]  }
0x18e: {  	v7 =	vld [tilespmem:s31+$0x8900]  }
.Ltmp13:
0x18f: {  	(pc) =	sbr.rel @p0 .LBB2_28-.Ltmp13, $4  }
0x190: {  	_ = 	snop  }
0x191: {  	v2 =	vmul.f32 v4, v5  }
0x192: {  	v3 =	vmul.f32 v4, v6  }
0x193: {  	v4 =	vmul.f32 v7, v6;
	v5 =	vmul.f32 v7, v5  }
0x194: {  	_ = 	snop  }
0x195: {  	v2 =	vsub.f32 v2, v4  }
0x196: {  	v3 =	vadd.f32 v5, v3  }
0x197: {  	[tilespmem:s31+$0x5100] =	vst v2  }
0x198: {  	[tilespmem:s31+$0x5900] =	vst v3  }
0x199: {  	v3 =	vld [tilespmem:s28+$0x8100]  }
0x19a: {  	v5 =	vld [tilespmem:s28+$0x6100]  }
0x19b: {  	v4 =	vld [tilespmem:s28+$0x6900]  }
0x19c: {  	v6 =	vld [tilespmem:s28+$0x8900];
	_ =	sdelay $0x3  }
0x19d: {  	v2 =	vmul.f32 v3, v5;
	v3 =	vmul.f32 v3, v4  }
0x19e: {  	s1 =	simm.s32 $0x10;
	v4 =	vmul.f32 v6, v4;
	v5 =	vmul.f32 v6, v5  }
.LBB2_30:
0x19f: {  	p0 =	sne.s32 s1, $0x3F0  }
0x1a0: {  	s26 =	sadd.s32 $0x20, s26;
	s2 =	smov.u32 s1;
	s1 =	sadd.s32 $0x10, s1  }
0x1a1: {  	s2 =	sand.u32 $0x70, s2;
	s4 =	sand.u32 $0x700, s26;
	v2 =	vsub.f32 v2, v4;
	v3 =	vadd.f32 v5, v3  }
0x1a2: {  	s2 =	sor.u32 s2, s4  }
0x1a3: {  	v4 =	vld [tilespmem:s2+$0x8100];
	[tilespmem:s28+$0x6100] =	vst v2  }
0x1a4: {  	v5 =	vld [tilespmem:s2+$0x6100];
	[tilespmem:s28+$0x6900] =	vst v3;
	s28 =	smov.u32 s2  }
0x1a5: {  	v6 =	vld [tilespmem:s28+$0x6900]  }
0x1a6: {  	v7 =	vld [tilespmem:s28+$0x8900]  }
.Ltmp14:
0x1a7: {  	(pc) =	sbr.rel @p0 .LBB2_30-.Ltmp14, $4  }
0x1a8: {  	_ = 	snop  }
0x1a9: {  	v2 =	vmul.f32 v4, v5  }
0x1aa: {  	v3 =	vmul.f32 v4, v6  }
0x1ab: {  	v4 =	vmul.f32 v7, v6;
	v5 =	vmul.f32 v7, v5  }
0x1ac: {  	_ = 	snop  }
0x1ad: {  	v2 =	vsub.f32 v2, v4  }
0x1ae: {  	s26 =	simm.s32 $0x0;
	v3 =	vadd.f32 v5, v3  }
0x1af: {  	s1 =	sand.u32 $0x70, s26;
	s2 =	sand.u32 $0x700, s26;
	[tilespmem:s28+$0x6100] =	vst v2  }
0x1b0: {  	[tilespmem:s28+$0x6900] =	vst v3;
	s28 =	sor.u32 s1, s2  }
0x1b1: {  	v3 =	vld [tilespmem:s28+$0x8100]  }
0x1b2: {  	v5 =	vld [tilespmem:s28+$0x7100]  }
0x1b3: {  	v4 =	vld [tilespmem:s28+$0x7900]  }
0x1b4: {  	v6 =	vld [tilespmem:s28+$0x8900];
	_ =	sdelay $0x3  }
0x1b5: {  	v2 =	vmul.f32 v3, v5;
	v3 =	vmul.f32 v3, v4  }
0x1b6: {  	s1 =	simm.s32 $0x10;
	v4 =	vmul.f32 v6, v4;
	v5 =	vmul.f32 v6, v5  }
.LBB2_32:
0x1b7: {  	p0 =	sne.s32 s1, $0x3F0  }
0x1b8: {  	s26 =	sadd.s32 $0x20, s26;
	s2 =	smov.u32 s1;
	s1 =	sadd.s32 $0x10, s1  }
0x1b9: {  	s2 =	sand.u32 $0x70, s2;
	s4 =	sand.u32 $0x700, s26;
	v2 =	vsub.f32 v2, v4;
	v3 =	vadd.f32 v5, v3  }
0x1ba: {  	s2 =	sor.u32 s2, s4  }
0x1bb: {  	v4 =	vld [tilespmem:s2+$0x8100];
	[tilespmem:s28+$0x7100] =	vst v2  }
0x1bc: {  	v5 =	vld [tilespmem:s2+$0x7100];
	[tilespmem:s28+$0x7900] =	vst v3;
	s28 =	smov.u32 s2  }
0x1bd: {  	v6 =	vld [tilespmem:s28+$0x7900]  }
0x1be: {  	v7 =	vld [tilespmem:s28+$0x8900]  }
.Ltmp15:
0x1bf: {  	(pc) =	sbr.rel @p0 .LBB2_32-.Ltmp15, $4  }
0x1c0: {  	_ = 	snop  }
0x1c1: {  	v2 =	vmul.f32 v4, v5  }
0x1c2: {  	v3 =	vmul.f32 v4, v6  }
0x1c3: {  	v4 =	vmul.f32 v7, v6;
	v5 =	vmul.f32 v7, v5  }
0x1c4: {  	_ = 	snop  }
0x1c5: {  	v2 =	vsub.f32 v2, v4  }
0x1c6: {  	s0 =	sadd.s32 $0x1, s0;
	v3 =	vadd.f32 v5, v3  }
0x1c7: {  	p0 =	sne.s32 s0, s23;
	[tilespmem:s28+$0x7100] =	vst v2  }
.Ltmp16:
0x1c8: {  	s1 =	simm.s32 $0x100;
	s2 =	simm.s32 $0x400;
	[tilespmem:s28+$0x7900] =	vst v3;
	(pc) =	sbr.rel @p0 .LBB2_1-.Ltmp16, $4  }
0x1c9: {  	[hbm4b:s22+s1] =	stream.strided.scatter [tilespmem:s25], [sflag:$0x2], $0x8000, s2, s1, $0x38;
	[tilespmem:$0x9080] =	vst v63  }
0x1ca: {  	_ =	swait.ge [sflag:s24], $0x8000  }
0x1cb: {  	[sflag:s24] =	ssyncset.done $0x0  }
0x1cc: {  	[sflag:s24] =	ssyncadd.s32 $0xFFFF8000  }
0x1cd: {  	_ =	sfence.sel $0x180000  }
0x1ce: {  	[bflag:$0x0] =	sbarrier.arrive $0xFFFF  }
0x1cf: {  	_ =	strace $0x90000047  }
0x1d0: {  	s0 =	stileid.u32;
	[bflag:$0x2] =	sbarrier.arrive $0xFFFF  }
0x1d1: {  	p0 =	sne.s32 s0, $0x0;
	s0 =	rddreg [dreg:$0x2]  }
0x1d2: {  	s0 =	sadd.s32 @!p0 $0x100000, s0  }
0x1d3: {  	[sflag:s0] =	ssyncadd.tile.s32 @!p0 $0x1;
	_ =	shalt  }
.Lfunc_end2:
_tile_overlayer_lowered:
.L_overlay_start_2:
0x1d4: {  	(tag) =	ssettag $0x2  }
0x1d5: {  	s0 =	rddreg [dreg:$0x0];
	s2 =	stileid.u32  }
0x1d6: {  	s1 =	rddreg [dreg:$0x1];
	p0 =	sne.s32 s2, $0x0  }
0x1d7: {  	s3 =	rddreg [dreg:$0x2];
	[bflag:$0x3] =	sbarrier.arrive $0xFFFF;
	s2 =	simm.s32 @!p0 $0x1C02  }
0x1d8: {  	[timem:s3], [sflag:s2] =	dma.local @!p0 [hbm:s0], s1  }
0x1d9: {  	s0 =	simm.s32 @!p0 $0x2  }
0x1da: {  	_ =	swait.ge @!p0 [sflag:s0], s1  }
0x1db: {  	s1 =	ssub.s32 @!p0 $0x0, s1;
	[sflag:s0] =	ssyncset.done @!p0 $0x0  }
0x1dc: {  	[sflag:s0] =	ssyncadd.s32 @!p0 s1  }
0x1dd: {  	[bflag:$0x3] =	sbarrier.arrive $0xFFFF  }
0x1de: {  	_ =	shalt  }

</sc_bundles>
